<compile_context>
chip_gen: v7x
topology: tpu7x:2x2x1
jax: 0.10.2.dev20260603
libtpu: 0.0.44.dev20260713+nightly
codegen_flags: <defaults>
</compile_context>

<pallas_src>
import functools

import jax
import jax.numpy as jnp
from jax import lax
from jax.experimental import pallas as pl
from jax.experimental.pallas import tpu as pltpu
from jax.experimental.pallas import tpu_sc as plsc

_NC = 2
_NS = 16
_LANES = 16
_CPE = 80
_RING = 5
_NCHUNK = 125


def _em_body(efa_ref, efb_ref, w_ref, b_ref, o_ref):
    dn = (((0,), (0,)), ((), ()))
    blk = efa_ref.shape[1]
    lo = lax.dot_general(efa_ref[...], w_ref[...], dn,
                         preferred_element_type=jnp.float32) + b_ref[...]
    hi = lax.dot_general(efb_ref[...], w_ref[...], dn,
                         preferred_element_type=jnp.float32) + b_ref[...]
    acc = jnp.concatenate([lo, hi], axis=1)
    o_ref[...] = acc.reshape(blk // (_CPE // 2), _CPE // 2, 128)


def _xm_body(x2_ref, w_ref, o_ref):
    o_ref[...] = jnp.dot(x2_ref[...], w_ref[...],
                         preferred_element_type=jnp.float32)


def _out_body(x_ref, p0_ref, p1_ref, wx_ref, wa_ref, b_ref, o_ref):
    agg = p0_ref[...] + p1_ref[...]
    o_ref[...] = (jnp.dot(x_ref[...], wx_ref[...],
                          preferred_element_type=jnp.float32)
                  + jnp.dot(agg, wa_ref[...],
                            preferred_element_type=jnp.float32)
                  + b_ref[...])


def _sc_body(xm_hbm, em_hbm, src_hbm, dst_hbm, out_hbm,
             idx, gath, emb, agg_sh,
             semg0, semg1, semg2, semg3, semg4,
             semi0, semi1, semi2, semi3, semi4, sems0, sems1,
             *, n_nodes, dim_m):
    cid = lax.axis_index("c")
    sid = lax.axis_index("s")
    wid = sid * _NC + cid
    nodes_per_tile = n_nodes // _NS
    vregs = dim_m // _LANES
    half = _CPE // 2
    semg = [semg0, semg1, semg2, semg3, semg4]
    semi = [semi0, semi1, semi2, semi3, semi4]
    sems = [sems0, sems1]
    g0 = wid * _NCHUNK

    def gather_fire(c, b):
        pltpu.async_copy(xm_hbm.at[idx.at[b % _RING, 0]],
                         gath.at[b % _RING], semg[b % _RING])
        pltpu.async_copy(em_hbm.at[g0 + c],
                         emb.at[b % _RING], semg[b % _RING])

    def gather_wait(b):
        pltpu.make_async_copy(xm_hbm.at[pl.ds(0, _CPE)],
                              gath.at[b % _RING], semg[b % _RING]).wait()
        pltpu.make_async_copy(em_hbm.at[0],
                              emb.at[b % _RING], semg[b % _RING]).wait()

    def idx_fire(c, b):
        pltpu.async_copy(src_hbm.at[pl.ds((g0 + c) * _CPE, _CPE)],
                         idx.at[b % _RING, 0], semi[b % _RING])
        pltpu.async_copy(dst_hbm.at[pl.ds((g0 + c) * _CPE, _CPE)],
                         idx.at[b % _RING, 1], semi[b % _RING])

    def idx_wait(b):
        for j in range(2):
            pltpu.make_async_copy(src_hbm.at[pl.ds(0, _CPE)],
                                  idx.at[b % _RING, j],
                                  semi[b % _RING]).wait()

    def scatter_fire(b):
        return pltpu.async_copy(gath.at[b % _RING],
                                agg_sh.at[idx.at[b % _RING, 1]],
                                sems[b % 2], add=True)

    def zrow(r, c):
        for cc in range(vregs):
            gath[0, r, pl.ds(cc * _LANES, _LANES)] = jnp.zeros((_LANES,),
                                                               jnp.float32)
        return c
    lax.fori_loop(0, _CPE, zrow, 0)
    node_base = sid * nodes_per_tile
    done = 0
    while done < nodes_per_tile:
        n = min(_CPE, nodes_per_tile - done)
        pltpu.sync_copy(gath.at[0, pl.ds(0, n)],
                        agg_sh.at[pl.ds(node_base + done, n)])
        done += n
    plsc.subcore_barrier()

    for k in range(3):
        idx_fire(k, k)
    for k in range(2):
        idx_wait(k)
        gather_fire(k, k)

    def outer(o, carry):
        descs = [None] * _RING
        for b in range(_RING):
            i = o * _RING + b
            gather_wait(b)

            def comp(j, cc_, b=b):
                for h in range(2):
                    for cc in range(vregs):
                        s = pl.ds(cc * _LANES, _LANES)
                        se = pl.ds(h * dim_m + cc * _LANES, _LANES)
                        v = gath[b, h * half + j, s] + emb[b, j, se]
                        gath[b, h * half + j, s] = jnp.maximum(v, 0.0)
                return cc_
            lax.fori_loop(0, half, comp, 0)

            descs[b] = scatter_fire(b)
            if b >= 2:
                descs[b - 2].wait()

            @pl.when(i + 2 < _NCHUNK)
            def _prefetch(i=i, b=b):
                idx_wait(b + 2)
                gather_fire(i + 2, b + 2)

            @pl.when(i + 3 < _NCHUNK)
            def _previdx(i=i, b=b):
                idx_fire(i + 3, b + 3)
        descs[_RING - 2].wait()
        descs[_RING - 1].wait()
        return carry
    lax.fori_loop(0, _NCHUNK // _RING, outer, 0)

    plsc.subcore_barrier()
    pltpu.sync_copy(agg_sh.at[pl.ds(node_base, nodes_per_tile)],
                    out_hbm.at[cid * _NS + sid])


def kernel(x, edge_features, edge_idx, batch_idx, M_W, M_b, U_W, U_b):
    n_nodes, dim_in = x.shape
    n_edges, dim_e = edge_features.shape
    dim_m = M_W.shape[0]
    dim_out = U_W.shape[0]

    n_workers = _NC * _NS
    assert n_edges == n_workers * _NCHUNK * _CPE
    e_half = n_edges // 2
    half = _CPE // 2
    n_rows = e_half // half

    def chunk_flat(v):
        lo = v[:e_half].reshape(n_rows, half)
        hi = v[e_half:].reshape(n_rows, half)
        return jnp.concatenate([lo, hi], axis=1).reshape(n_edges)
    srcc = chunk_flat(edge_idx[0])
    dstc = chunk_flat(edge_idx[1])

    blk_e = 6400
    grid_e = e_half // blk_e
    em = pl.pallas_call(
        _em_body,
        grid=(grid_e,),
        in_specs=[pl.BlockSpec((dim_e, blk_e), lambda i: (0, i)),
                  pl.BlockSpec((dim_e, blk_e), lambda i, g=grid_e: (0, i + g)),
                  pl.BlockSpec((dim_e, dim_m), lambda i: (0, 0)),
                  pl.BlockSpec((1, dim_m), lambda i: (0, 0))],
        out_specs=pl.BlockSpec((blk_e // half, half, 2 * dim_m),
                               lambda i: (i, 0, 0)),
        out_shape=jax.ShapeDtypeStruct((e_half // half, half, 2 * dim_m),
                                       jnp.float32),
    )(edge_features.T, edge_features.T, M_W[:, dim_in:].T,
      M_b.reshape(1, dim_m))

    pair = 128 // dim_m
    w_x = M_W[:, :dim_in]
    w2x = jnp.zeros((pair * dim_in, pair * dim_m), jnp.float32)
    for s in range(pair):
        w2x = w2x.at[s * dim_in:(s + 1) * dim_in,
                     s * dim_m:(s + 1) * dim_m].set(w_x.T)
    blk_n = 2000
    x2 = x.reshape(n_nodes // pair, pair * dim_in)
    xm2 = pl.pallas_call(
        _xm_body,
        grid=(n_nodes // pair // (blk_n // pair),),
        in_specs=[pl.BlockSpec((blk_n // pair, pair * dim_in), lambda i: (i, 0)),
                  pl.BlockSpec((pair * dim_in, pair * dim_m), lambda i: (0, 0))],
        out_specs=pl.BlockSpec((blk_n // pair, pair * dim_m), lambda i: (i, 0)),
        out_shape=jax.ShapeDtypeStruct((n_nodes // pair, pair * dim_m),
                                       jnp.float32),
    )(x2, w2x)
    xm = xm2.reshape(n_nodes, dim_m)

    mesh = plsc.VectorSubcoreMesh(core_axis_name="c", subcore_axis_name="s",
                                  num_cores=_NC, num_subcores=_NS)
    sc = pl.kernel(
        functools.partial(_sc_body, n_nodes=n_nodes, dim_m=dim_m),
        out_type=jax.ShapeDtypeStruct((_NC * _NS, n_nodes // _NS, dim_m),
                                      jnp.float32),
        mesh=mesh,
        compiler_params=pltpu.CompilerParams(use_tc_tiling_on_sc=False),
        scratch_types=[
            pltpu.VMEM((_RING, 2, _CPE), jnp.int32),
            pltpu.VMEM((_RING, _CPE, dim_m), jnp.float32),
            pltpu.VMEM((_RING, _CPE // 2, 2 * dim_m), jnp.float32),
            pltpu.VMEM_SHARED((n_nodes, dim_m), jnp.float32),
        ] + [pltpu.SemaphoreType.DMA] * 12,
    )
    partials = sc(xm, em, srcc, dstc).reshape(_NC, n_nodes, dim_m)

    out = pl.pallas_call(
        _out_body,
        grid=(n_nodes // blk_n,),
        in_specs=[pl.BlockSpec((blk_n, dim_in), lambda i: (i, 0)),
                  pl.BlockSpec((blk_n, dim_m), lambda i: (i, 0)),
                  pl.BlockSpec((blk_n, dim_m), lambda i: (i, 0)),
                  pl.BlockSpec((dim_in, dim_out), lambda i: (0, 0)),
                  pl.BlockSpec((dim_m, dim_out), lambda i: (0, 0)),
                  pl.BlockSpec((1, dim_out), lambda i: (0, 0))],
        out_specs=pl.BlockSpec((blk_n, dim_out), lambda i: (i, 0)),
        out_shape=jax.ShapeDtypeStruct((n_nodes, dim_out), jnp.float32),
    )(x, partials[0], partials[1],
      U_W[:, :dim_in].T, U_W[:, dim_in:].T, U_b.reshape(1, dim_out))
    return out

# --- scband reference (transcript-rebuilt; emitter-appended) ---
"""Pipeline reference for scband-gnn-layer-32341103739523 (READ-ONLY COPY).

The authoritative reference and input builder live on the scoring server;
editing this copy changes nothing except your own understanding.
"""

import jax, jax.numpy as jnp
import numpy as np

N_NODES = 10000
N_EDGES = 320000
DIM_IN = 128
DIM_EDGE = 4
DIM_M = 64
DIM_OUT = 128


def setup_inputs(seed: int = 0) -> dict:
    key = jax.random.key(seed)
    ks = jax.random.split(key, 8)
    x = jax.random.normal(ks[0], (N_NODES, DIM_IN), dtype=jnp.float32)
    edge_features = jax.random.normal(ks[1], (N_EDGES, DIM_EDGE), dtype=jnp.float32)
    edge_idx = jax.random.randint(ks[2], (2, N_EDGES), 0, N_NODES, dtype=jnp.int64 if jax.config.jax_enable_x64 else jnp.int32).astype(jnp.int32)
    batch_idx = jnp.sort(jax.random.randint(ks[3], (N_NODES,), 0, 64).astype(jnp.int32))
    # parameters: M_input Linear(dim_in+dim_edge -> dim_M), U_output Linear(dim_in+dim_M -> dim_out)
    fan_m = DIM_IN + DIM_EDGE
    M_W = jax.random.uniform(ks[4], (DIM_M, fan_m), dtype=jnp.float32, minval=-1.0, maxval=1.0) / np.sqrt(fan_m)
    M_b = jax.random.uniform(ks[5], (DIM_M,), dtype=jnp.float32, minval=-1.0, maxval=1.0) / np.sqrt(fan_m)
    fan_u = DIM_IN + DIM_M
    U_W = jax.random.uniform(ks[6], (DIM_OUT, fan_u), dtype=jnp.float32, minval=-1.0, maxval=1.0) / np.sqrt(fan_u)
    U_b = jax.random.uniform(ks[7], (DIM_OUT,), dtype=jnp.float32, minval=-1.0, maxval=1.0) / np.sqrt(fan_u)
    return {"x": x, "edge_features": edge_features, "edge_idx": edge_idx, "batch_idx": batch_idx,
            "M_W": M_W, "M_b": M_b, "U_W": U_W, "U_b": U_b}


def reference(x, edge_features, edge_idx, batch_idx, M_W, M_b, U_W, U_b):
    # message: gather source node features, concat edge features
    y = jnp.concatenate([jnp.take(x, edge_idx[0], axis=0), edge_features], axis=-1)
    # M_input linear + relu (n_M_layers=1 -> no hidden M layers)
    y = jax.nn.relu(y @ M_W.T + M_b)
    # scatter-sum aggregation to destination nodes
    agg = jax.ops.segment_sum(y, edge_idx[1], num_segments=x.shape[0])
    # update: concat node features with aggregated messages (n_U_layers=1 -> direct output linear)
    z = jnp.concatenate([x, agg], axis=-1)
    return z @ U_W.T + U_b

if __name__ == "__main__":
    import jax
    _d = setup_inputs()
    print(jax.jit(kernel)(*tuple(_d.values())))

</pallas_src>

<mosaic_0001>
#map = affine_map<(d0, d1) -> (0, 0)>
#map1 = affine_map<(d0, d1) -> (0, 0, 0)>
#map2 = affine_map<(d0, d1) -> (0)>
module attributes {stable_mosaic.version = 14 : i64} {
  func.func @_sc_body(%arg0: i32, %arg1: i32, %arg2: memref<10000x64xf32, #tpu.memory_space<hbm>>, %arg3: memref<4000x40x128xf32, #tpu.memory_space<hbm>>, %arg4: memref<320000xi32, #tpu.memory_space<hbm>>, %arg5: memref<320000xi32, #tpu.memory_space<hbm>>, %arg6: memref<32x625x64xf32, #tpu.memory_space<hbm>>, %arg7: memref<5x2x80xi32, #tpu.memory_space<vmem>>, %arg8: memref<5x80x64xf32, #tpu.memory_space<vmem>>, %arg9: memref<5x40x128xf32, #tpu.memory_space<vmem>>, %arg10: memref<10000x64xf32, #tpu.memory_space<vmem_shared>>, %arg11: memref<!tpu.dma_semaphore, #tpu.memory_space<semaphore_mem>>, %arg12: memref<!tpu.dma_semaphore, #tpu.memory_space<semaphore_mem>>, %arg13: memref<!tpu.dma_semaphore, #tpu.memory_space<semaphore_mem>>, %arg14: memref<!tpu.dma_semaphore, #tpu.memory_space<semaphore_mem>>, %arg15: memref<!tpu.dma_semaphore, #tpu.memory_space<semaphore_mem>>, %arg16: memref<!tpu.dma_semaphore, #tpu.memory_space<semaphore_mem>>, %arg17: memref<!tpu.dma_semaphore, #tpu.memory_space<semaphore_mem>>, %arg18: memref<!tpu.dma_semaphore, #tpu.memory_space<semaphore_mem>>, %arg19: memref<!tpu.dma_semaphore, #tpu.memory_space<semaphore_mem>>, %arg20: memref<!tpu.dma_semaphore, #tpu.memory_space<semaphore_mem>>, %arg21: memref<!tpu.dma_semaphore, #tpu.memory_space<semaphore_mem>>, %arg22: memref<!tpu.dma_semaphore, #tpu.memory_space<semaphore_mem>>) attributes {dimension_semantics = [#tpu.dimension_semantics<core_parallel>, #tpu.dimension_semantics<subcore_parallel>], iteration_bounds = array<i64: 2, 16>, scalar_prefetch = 0 : i64, scratch_operands = 16 : i64, tpu.core_type = #tpu.core_type<sc_vector_subcore>, window_params = [{transform_indices = #map}, {transform_indices = #map1}, {transform_indices = #map2}, {transform_indices = #map2}, {transform_indices = #map1}]} {
    %mul3A = arith.constant 2 : i32
    %mul3A_0 = arith.muli %arg1, %mul3A : i32
    %add3A = arith.addi %mul3A_0, %arg0 : i32
    %mul3A_1 = arith.constant 125 : i32
    %mul3A_2 = arith.muli %add3A, %mul3A_1 : i32
    %scan3A = arith.constant 0 : i32
    %scan3A_3 = arith.constant 0 : i32
    %scan3A_4 = arith.constant 80 : i32
    %scan3A_5 = arith.addi %scan3A_3, %scan3A_4 : i32
    %scan3A_6 = arith.constant 1 : i32
    scf.for %scan3A_237 = %scan3A_3 to %scan3A_5 step %scan3A_6  : i32 {
      %broadcast_in_dim3A = arith.constant 0.000000e+00 : f32
      %broadcast_in_dim3A_238 = vector.broadcast %broadcast_in_dim3A : f32 to vector<16xf32>
      %swap3A = arith.constant 0 : i32
      %swap3A_239 = arith.index_cast %swap3A : i32 to index
      %swap3A_240 = arith.index_cast %scan3A_237 : i32 to index
      %swap3A_241 = arith.constant 0 : index
      %swap3A_242 = tpu.vector_load %arg8[%swap3A_239, %swap3A_240, %swap3A_241] {strides = array<i32>} : memref<5x80x64xf32, #tpu.memory_space<vmem>>, vector<1x1x16xf32>,
      %swap3A_243 = vector.shape_cast %swap3A_242 : vector<1x1x16xf32> to vector<16xf32>
      %swap3A_244 = vector.shape_cast %broadcast_in_dim3A_238 : vector<16xf32> to vector<1x1x16xf32>
      tpu.vector_store %arg8[%swap3A_239, %swap3A_240, %swap3A_241], %swap3A_244 {strides = array<i32>} : memref<5x80x64xf32, #tpu.memory_space<vmem>>, vector<1x1x16xf32>,
      %broadcast_in_dim3A_245 = arith.constant 0.000000e+00 : f32
      %broadcast_in_dim3A_246 = vector.broadcast %broadcast_in_dim3A_245 : f32 to vector<16xf32>
      %swap3A_247 = arith.constant 0 : i32
      %swap3A_248 = arith.index_cast %swap3A_247 : i32 to index
      %swap3A_249 = arith.index_cast %scan3A_237 : i32 to index
      %swap3A_250 = arith.constant 16 : index
      %swap3A_251 = tpu.vector_load %arg8[%swap3A_248, %swap3A_249, %swap3A_250] {strides = array<i32>} : memref<5x80x64xf32, #tpu.memory_space<vmem>>, vector<1x1x16xf32>,
      %swap3A_252 = vector.shape_cast %swap3A_251 : vector<1x1x16xf32> to vector<16xf32>
      %swap3A_253 = vector.shape_cast %broadcast_in_dim3A_246 : vector<16xf32> to vector<1x1x16xf32>
      tpu.vector_store %arg8[%swap3A_248, %swap3A_249, %swap3A_250], %swap3A_253 {strides = array<i32>} : memref<5x80x64xf32, #tpu.memory_space<vmem>>, vector<1x1x16xf32>,
      %broadcast_in_dim3A_254 = arith.constant 0.000000e+00 : f32
      %broadcast_in_dim3A_255 = vector.broadcast %broadcast_in_dim3A_254 : f32 to vector<16xf32>
      %swap3A_256 = arith.constant 0 : i32
      %swap3A_257 = arith.index_cast %swap3A_256 : i32 to index
      %swap3A_258 = arith.index_cast %scan3A_237 : i32 to index
      %swap3A_259 = arith.constant 32 : index
      %swap3A_260 = tpu.vector_load %arg8[%swap3A_257, %swap3A_258, %swap3A_259] {strides = array<i32>} : memref<5x80x64xf32, #tpu.memory_space<vmem>>, vector<1x1x16xf32>,
      %swap3A_261 = vector.shape_cast %swap3A_260 : vector<1x1x16xf32> to vector<16xf32>
      %swap3A_262 = vector.shape_cast %broadcast_in_dim3A_255 : vector<16xf32> to vector<1x1x16xf32>
      tpu.vector_store %arg8[%swap3A_257, %swap3A_258, %swap3A_259], %swap3A_262 {strides = array<i32>} : memref<5x80x64xf32, #tpu.memory_space<vmem>>, vector<1x1x16xf32>,
      %broadcast_in_dim3A_263 = arith.constant 0.000000e+00 : f32
      %broadcast_in_dim3A_264 = vector.broadcast %broadcast_in_dim3A_263 : f32 to vector<16xf32>
      %swap3A_265 = arith.constant 0 : i32
      %swap3A_266 = arith.index_cast %swap3A_265 : i32 to index
      %swap3A_267 = arith.index_cast %scan3A_237 : i32 to index
      %swap3A_268 = arith.constant 48 : index
      %swap3A_269 = tpu.vector_load %arg8[%swap3A_266, %swap3A_267, %swap3A_268] {strides = array<i32>} : memref<5x80x64xf32, #tpu.memory_space<vmem>>, vector<1x1x16xf32>,
      %swap3A_270 = vector.shape_cast %swap3A_269 : vector<1x1x16xf32> to vector<16xf32>
      %swap3A_271 = vector.shape_cast %broadcast_in_dim3A_264 : vector<16xf32> to vector<1x1x16xf32>
      tpu.vector_store %arg8[%swap3A_266, %swap3A_267, %swap3A_268], %swap3A_271 {strides = array<i32>} : memref<5x80x64xf32, #tpu.memory_space<vmem>>, vector<1x1x16xf32>,
    }
    %scan3A_7 = arith.constant 80 : i32
    %mul3A_8 = arith.constant 625 : i32
    %mul3A_9 = arith.muli %arg1, %mul3A_8 : i32
    %add3A_10 = arith.constant 0 : i32
    %add3A_11 = arith.addi %mul3A_9, %add3A_10 : i32
    %run_scoped3A = arith.constant 0 : i32
    "tpu.region"() ({
      %run_scoped3A_237 = tpu.sem_alloc : memref<!tpu.dma_semaphore, #tpu.memory_space<semaphore_mem>>
      %dma_start3A_238 = arith.constant 0 : i32
      %dma_start3A_239 = arith.constant 0 : i32
      %dma_start3A_240 = tpu.memref_slice %arg8[%run_scoped3A, %dma_start3A_238, %dma_start3A_239] : memref<5x80x64xf32, #tpu.memory_space<vmem>> -> memref<1x80x64xf32, #tpu.memory_space<vmem>>
      %dma_start3A_241 = tpu.memref_squeeze %dma_start3A_240 : memref<1x80x64xf32, #tpu.memory_space<vmem>> -> memref<80x64xf32, #tpu.memory_space<vmem>>
      %dma_start3A_242 = arith.constant 0 : i32
      %dma_start3A_243 = tpu.memref_slice %arg10[%add3A_11, %dma_start3A_242] : memref<10000x64xf32, #tpu.memory_space<vmem_shared>> -> memref<80x64xf32, #tpu.memory_space<vmem_shared>>
      %dma_start3A_244 = arith.constant 0 : i32
      %dma_start3A_245 = tpu.memref_slice %arg10[%add3A_11, %dma_start3A_244] : memref<10000x64xf32, #tpu.memory_space<vmem_shared>> -> memref<80x64xf32, #tpu.memory_space<vmem_shared>>
      %dma_start3A_246 = arith.constant 0 : i32
      %dma_start3A_247 = arith.constant 0 : i32
      %dma_start3A_248 = tpu.memref_slice %arg8[%run_scoped3A, %dma_start3A_246, %dma_start3A_247] : memref<5x80x64xf32, #tpu.memory_space<vmem>> -> memref<1x80x64xf32, #tpu.memory_space<vmem>>
      %dma_start3A_249 = tpu.memref_squeeze %dma_start3A_248 : memref<1x80x64xf32, #tpu.memory_space<vmem>> -> memref<80x64xf32, #tpu.memory_space<vmem>>
      tpu.enqueue_dma source(%dma_start3A_249 : memref<80x64xf32, #tpu.memory_space<vmem>>) target(%dma_start3A_245 : memref<80x64xf32, #tpu.memory_space<vmem_shared>>) target_semaphore(%run_scoped3A_237 : memref<!tpu.dma_semaphore, #tpu.memory_space<semaphore_mem>>)
      %dma_wait3A_250 = arith.constant 0 : i32
      %dma_wait3A_251 = arith.constant 0 : i32
      %dma_wait3A_252 = tpu.memref_slice %arg8[%run_scoped3A, %dma_wait3A_250, %dma_wait3A_251] : memref<5x80x64xf32, #tpu.memory_space<vmem>> -> memref<1x80x64xf32, #tpu.memory_space<vmem>>
      %dma_wait3A_253 = tpu.memref_squeeze %dma_wait3A_252 : memref<1x80x64xf32, #tpu.memory_space<vmem>> -> memref<80x64xf32, #tpu.memory_space<vmem>>
      %dma_wait3A_254 = arith.constant 0 : i32
      %dma_wait3A_255 = tpu.memref_slice %arg10[%add3A_11, %dma_wait3A_254] : memref<10000x64xf32, #tpu.memory_space<vmem_shared>> -> memref<80x64xf32, #tpu.memory_space<vmem_shared>>
      %dma_wait3A_256 = arith.constant 0 : i32
      %dma_wait3A_257 = tpu.memref_slice %arg10[%add3A_11, %dma_wait3A_256] : memref<10000x64xf32, #tpu.memory_space<vmem_shared>> -> memref<80x64xf32, #tpu.memory_space<vmem_shared>>
      %dma_wait3A_258 = arith.constant 0 : i32
      %dma_wait3A_259 = arith.constant 0 : i32
      %dma_wait3A_260 = tpu.memref_slice %arg8[%run_scoped3A, %dma_wait3A_258, %dma_wait3A_259] : memref<5x80x64xf32, #tpu.memory_space<vmem>> -> memref<1x80x64xf32, #tpu.memory_space<vmem>>
      %dma_wait3A_261 = tpu.memref_squeeze %dma_wait3A_260 : memref<1x80x64xf32, #tpu.memory_space<vmem>> -> memref<80x64xf32, #tpu.memory_space<vmem>>
      tpu.wait_dma2 semaphore(%run_scoped3A_237 : memref<!tpu.dma_semaphore, #tpu.memory_space<semaphore_mem>>) src(%dma_wait3A_261 : memref<80x64xf32, #tpu.memory_space<vmem>>) dst(%dma_wait3A_257 : memref<80x64xf32, #tpu.memory_space<vmem_shared>>)
      tpu.yield
    }) : () -> ()
    %add3A_12 = arith.constant 80 : i32
    %add3A_13 = arith.addi %mul3A_9, %add3A_12 : i32
    %run_scoped3A_14 = arith.constant 0 : i32
    "tpu.region"() ({
      %run_scoped3A_237 = tpu.sem_alloc : memref<!tpu.dma_semaphore, #tpu.memory_space<semaphore_mem>>
      %dma_start3A_238 = arith.constant 0 : i32
      %dma_start3A_239 = arith.constant 0 : i32
      %dma_start3A_240 = tpu.memref_slice %arg8[%run_scoped3A_14, %dma_start3A_238, %dma_start3A_239] : memref<5x80x64xf32, #tpu.memory_space<vmem>> -> memref<1x80x64xf32, #tpu.memory_space<vmem>>
      %dma_start3A_241 = tpu.memref_squeeze %dma_start3A_240 : memref<1x80x64xf32, #tpu.memory_space<vmem>> -> memref<80x64xf32, #tpu.memory_space<vmem>>
      %dma_start3A_242 = arith.constant 0 : i32
      %dma_start3A_243 = tpu.memref_slice %arg10[%add3A_13, %dma_start3A_242] : memref<10000x64xf32, #tpu.memory_space<vmem_shared>> -> memref<80x64xf32, #tpu.memory_space<vmem_shared>>
      %dma_start3A_244 = arith.constant 0 : i32
      %dma_start3A_245 = tpu.memref_slice %arg10[%add3A_13, %dma_start3A_244] : memref<10000x64xf32, #tpu.memory_space<vmem_shared>> -> memref<80x64xf32, #tpu.memory_space<vmem_shared>>
      %dma_start3A_246 = arith.constant 0 : i32
      %dma_start3A_247 = arith.constant 0 : i32
      %dma_start3A_248 = tpu.memref_slice %arg8[%run_scoped3A_14, %dma_start3A_246, %dma_start3A_247] : memref<5x80x64xf32, #tpu.memory_space<vmem>> -> memref<1x80x64xf32, #tpu.memory_space<vmem>>
      %dma_start3A_249 = tpu.memref_squeeze %dma_start3A_248 : memref<1x80x64xf32, #tpu.memory_space<vmem>> -> memref<80x64xf32, #tpu.memory_space<vmem>>
      tpu.enqueue_dma source(%dma_start3A_249 : memref<80x64xf32, #tpu.memory_space<vmem>>) target(%dma_start3A_245 : memref<80x64xf32, #tpu.memory_space<vmem_shared>>) target_semaphore(%run_scoped3A_237 : memref<!tpu.dma_semaphore, #tpu.memory_space<semaphore_mem>>)
      %dma_wait3A_250 = arith.constant 0 : i32
      %dma_wait3A_251 = arith.constant 0 : i32
      %dma_wait3A_252 = tpu.memref_slice %arg8[%run_scoped3A_14, %dma_wait3A_250, %dma_wait3A_251] : memref<5x80x64xf32, #tpu.memory_space<vmem>> -> memref<1x80x64xf32, #tpu.memory_space<vmem>>
      %dma_wait3A_253 = tpu.memref_squeeze %dma_wait3A_252 : memref<1x80x64xf32, #tpu.memory_space<vmem>> -> memref<80x64xf32, #tpu.memory_space<vmem>>
      %dma_wait3A_254 = arith.constant 0 : i32
      %dma_wait3A_255 = tpu.memref_slice %arg10[%add3A_13, %dma_wait3A_254] : memref<10000x64xf32, #tpu.memory_space<vmem_shared>> -> memref<80x64xf32, #tpu.memory_space<vmem_shared>>
      %dma_wait3A_256 = arith.constant 0 : i32
      %dma_wait3A_257 = tpu.memref_slice %arg10[%add3A_13, %dma_wait3A_256] : memref<10000x64xf32, #tpu.memory_space<vmem_shared>> -> memref<80x64xf32, #tpu.memory_space<vmem_shared>>
      %dma_wait3A_258 = arith.constant 0 : i32
      %dma_wait3A_259 = arith.constant 0 : i32
      %dma_wait3A_260 = tpu.memref_slice %arg8[%run_scoped3A_14, %dma_wait3A_258, %dma_wait3A_259] : memref<5x80x64xf32, #tpu.memory_space<vmem>> -> memref<1x80x64xf32, #tpu.memory_space<vmem>>
      %dma_wait3A_261 = tpu.memref_squeeze %dma_wait3A_260 : memref<1x80x64xf32, #tpu.memory_space<vmem>> -> memref<80x64xf32, #tpu.memory_space<vmem>>
      tpu.wait_dma2 semaphore(%run_scoped3A_237 : memref<!tpu.dma_semaphore, #tpu.memory_space<semaphore_mem>>) src(%dma_wait3A_261 : memref<80x64xf32, #tpu.memory_space<vmem>>) dst(%dma_wait3A_257 : memref<80x64xf32, #tpu.memory_space<vmem_shared>>)
      tpu.yield
    }) : () -> ()
    %add3A_15 = arith.constant 160 : i32
    %add3A_16 = arith.addi %mul3A_9, %add3A_15 : i32
    %run_scoped3A_17 = arith.constant 0 : i32
    "tpu.region"() ({
      %run_scoped3A_237 = tpu.sem_alloc : memref<!tpu.dma_semaphore, #tpu.memory_space<semaphore_mem>>
      %dma_start3A_238 = arith.constant 0 : i32
      %dma_start3A_239 = arith.constant 0 : i32
      %dma_start3A_240 = tpu.memref_slice %arg8[%run_scoped3A_17, %dma_start3A_238, %dma_start3A_239] : memref<5x80x64xf32, #tpu.memory_space<vmem>> -> memref<1x80x64xf32, #tpu.memory_space<vmem>>
      %dma_start3A_241 = tpu.memref_squeeze %dma_start3A_240 : memref<1x80x64xf32, #tpu.memory_space<vmem>> -> memref<80x64xf32, #tpu.memory_space<vmem>>
      %dma_start3A_242 = arith.constant 0 : i32
      %dma_start3A_243 = tpu.memref_slice %arg10[%add3A_16, %dma_start3A_242] : memref<10000x64xf32, #tpu.memory_space<vmem_shared>> -> memref<80x64xf32, #tpu.memory_space<vmem_shared>>
      %dma_start3A_244 = arith.constant 0 : i32
      %dma_start3A_245 = tpu.memref_slice %arg10[%add3A_16, %dma_start3A_244] : memref<10000x64xf32, #tpu.memory_space<vmem_shared>> -> memref<80x64xf32, #tpu.memory_space<vmem_shared>>
      %dma_start3A_246 = arith.constant 0 : i32
      %dma_start3A_247 = arith.constant 0 : i32
      %dma_start3A_248 = tpu.memref_slice %arg8[%run_scoped3A_17, %dma_start3A_246, %dma_start3A_247] : memref<5x80x64xf32, #tpu.memory_space<vmem>> -> memref<1x80x64xf32, #tpu.memory_space<vmem>>
      %dma_start3A_249 = tpu.memref_squeeze %dma_start3A_248 : memref<1x80x64xf32, #tpu.memory_space<vmem>> -> memref<80x64xf32, #tpu.memory_space<vmem>>
      tpu.enqueue_dma source(%dma_start3A_249 : memref<80x64xf32, #tpu.memory_space<vmem>>) target(%dma_start3A_245 : memref<80x64xf32, #tpu.memory_space<vmem_shared>>) target_semaphore(%run_scoped3A_237 : memref<!tpu.dma_semaphore, #tpu.memory_space<semaphore_mem>>)
      %dma_wait3A_250 = arith.constant 0 : i32
      %dma_wait3A_251 = arith.constant 0 : i32
      %dma_wait3A_252 = tpu.memref_slice %arg8[%run_scoped3A_17, %dma_wait3A_250, %dma_wait3A_251] : memref<5x80x64xf32, #tpu.memory_space<vmem>> -> memref<1x80x64xf32, #tpu.memory_space<vmem>>
      %dma_wait3A_253 = tpu.memref_squeeze %dma_wait3A_252 : memref<1x80x64xf32, #tpu.memory_space<vmem>> -> memref<80x64xf32, #tpu.memory_space<vmem>>
      %dma_wait3A_254 = arith.constant 0 : i32
      %dma_wait3A_255 = tpu.memref_slice %arg10[%add3A_16, %dma_wait3A_254] : memref<10000x64xf32, #tpu.memory_space<vmem_shared>> -> memref<80x64xf32, #tpu.memory_space<vmem_shared>>
      %dma_wait3A_256 = arith.constant 0 : i32
      %dma_wait3A_257 = tpu.memref_slice %arg10[%add3A_16, %dma_wait3A_256] : memref<10000x64xf32, #tpu.memory_space<vmem_shared>> -> memref<80x64xf32, #tpu.memory_space<vmem_shared>>
      %dma_wait3A_258 = arith.constant 0 : i32
      %dma_wait3A_259 = arith.constant 0 : i32
      %dma_wait3A_260 = tpu.memref_slice %arg8[%run_scoped3A_17, %dma_wait3A_258, %dma_wait3A_259] : memref<5x80x64xf32, #tpu.memory_space<vmem>> -> memref<1x80x64xf32, #tpu.memory_space<vmem>>
      %dma_wait3A_261 = tpu.memref_squeeze %dma_wait3A_260 : memref<1x80x64xf32, #tpu.memory_space<vmem>> -> memref<80x64xf32, #tpu.memory_space<vmem>>
      tpu.wait_dma2 semaphore(%run_scoped3A_237 : memref<!tpu.dma_semaphore, #tpu.memory_space<semaphore_mem>>) src(%dma_wait3A_261 : memref<80x64xf32, #tpu.memory_space<vmem>>) dst(%dma_wait3A_257 : memref<80x64xf32, #tpu.memory_space<vmem_shared>>)
      tpu.yield
    }) : () -> ()
    %add3A_18 = arith.constant 240 : i32
    %add3A_19 = arith.addi %mul3A_9, %add3A_18 : i32
    %run_scoped3A_20 = arith.constant 0 : i32
    "tpu.region"() ({
      %run_scoped3A_237 = tpu.sem_alloc : memref<!tpu.dma_semaphore, #tpu.memory_space<semaphore_mem>>
      %dma_start3A_238 = arith.constant 0 : i32
      %dma_start3A_239 = arith.constant 0 : i32
      %dma_start3A_240 = tpu.memref_slice %arg8[%run_scoped3A_20, %dma_start3A_238, %dma_start3A_239] : memref<5x80x64xf32, #tpu.memory_space<vmem>> -> memref<1x80x64xf32, #tpu.memory_space<vmem>>
      %dma_start3A_241 = tpu.memref_squeeze %dma_start3A_240 : memref<1x80x64xf32, #tpu.memory_space<vmem>> -> memref<80x64xf32, #tpu.memory_space<vmem>>
      %dma_start3A_242 = arith.constant 0 : i32
      %dma_start3A_243 = tpu.memref_slice %arg10[%add3A_19, %dma_start3A_242] : memref<10000x64xf32, #tpu.memory_space<vmem_shared>> -> memref<80x64xf32, #tpu.memory_space<vmem_shared>>
      %dma_start3A_244 = arith.constant 0 : i32
      %dma_start3A_245 = tpu.memref_slice %arg10[%add3A_19, %dma_start3A_244] : memref<10000x64xf32, #tpu.memory_space<vmem_shared>> -> memref<80x64xf32, #tpu.memory_space<vmem_shared>>
      %dma_start3A_246 = arith.constant 0 : i32
      %dma_start3A_247 = arith.constant 0 : i32
      %dma_start3A_248 = tpu.memref_slice %arg8[%run_scoped3A_20, %dma_start3A_246, %dma_start3A_247] : memref<5x80x64xf32, #tpu.memory_space<vmem>> -> memref<1x80x64xf32, #tpu.memory_space<vmem>>
      %dma_start3A_249 = tpu.memref_squeeze %dma_start3A_248 : memref<1x80x64xf32, #tpu.memory_space<vmem>> -> memref<80x64xf32, #tpu.memory_space<vmem>>
      tpu.enqueue_dma source(%dma_start3A_249 : memref<80x64xf32, #tpu.memory_space<vmem>>) target(%dma_start3A_245 : memref<80x64xf32, #tpu.memory_space<vmem_shared>>) target_semaphore(%run_scoped3A_237 : memref<!tpu.dma_semaphore, #tpu.memory_space<semaphore_mem>>)
      %dma_wait3A_250 = arith.constant 0 : i32
      %dma_wait3A_251 = arith.constant 0 : i32
      %dma_wait3A_252 = tpu.memref_slice %arg8[%run_scoped3A_20, %dma_wait3A_250, %dma_wait3A_251] : memref<5x80x64xf32, #tpu.memory_space<vmem>> -> memref<1x80x64xf32, #tpu.memory_space<vmem>>
      %dma_wait3A_253 = tpu.memref_squeeze %dma_wait3A_252 : memref<1x80x64xf32, #tpu.memory_space<vmem>> -> memref<80x64xf32, #tpu.memory_space<vmem>>
      %dma_wait3A_254 = arith.constant 0 : i32
      %dma_wait3A_255 = tpu.memref_slice %arg10[%add3A_19, %dma_wait3A_254] : memref<10000x64xf32, #tpu.memory_space<vmem_shared>> -> memref<80x64xf32, #tpu.memory_space<vmem_shared>>
      %dma_wait3A_256 = arith.constant 0 : i32
      %dma_wait3A_257 = tpu.memref_slice %arg10[%add3A_19, %dma_wait3A_256] : memref<10000x64xf32, #tpu.memory_space<vmem_shared>> -> memref<80x64xf32, #tpu.memory_space<vmem_shared>>
      %dma_wait3A_258 = arith.constant 0 : i32
      %dma_wait3A_259 = arith.constant 0 : i32
      %dma_wait3A_260 = tpu.memref_slice %arg8[%run_scoped3A_20, %dma_wait3A_258, %dma_wait3A_259] : memref<5x80x64xf32, #tpu.memory_space<vmem>> -> memref<1x80x64xf32, #tpu.memory_space<vmem>>
      %dma_wait3A_261 = tpu.memref_squeeze %dma_wait3A_260 : memref<1x80x64xf32, #tpu.memory_space<vmem>> -> memref<80x64xf32, #tpu.memory_space<vmem>>
      tpu.wait_dma2 semaphore(%run_scoped3A_237 : memref<!tpu.dma_semaphore, #tpu.memory_space<semaphore_mem>>) src(%dma_wait3A_261 : memref<80x64xf32, #tpu.memory_space<vmem>>) dst(%dma_wait3A_257 : memref<80x64xf32, #tpu.memory_space<vmem_shared>>)
      tpu.yield
    }) : () -> ()
    %add3A_21 = arith.constant 320 : i32
    %add3A_22 = arith.addi %mul3A_9, %add3A_21 : i32
    %run_scoped3A_23 = arith.constant 0 : i32
    "tpu.region"() ({
      %run_scoped3A_237 = tpu.sem_alloc : memref<!tpu.dma_semaphore, #tpu.memory_space<semaphore_mem>>
      %dma_start3A_238 = arith.constant 0 : i32
      %dma_start3A_239 = arith.constant 0 : i32
      %dma_start3A_240 = tpu.memref_slice %arg8[%run_scoped3A_23, %dma_start3A_238, %dma_start3A_239] : memref<5x80x64xf32, #tpu.memory_space<vmem>> -> memref<1x80x64xf32, #tpu.memory_space<vmem>>
      %dma_start3A_241 = tpu.memref_squeeze %dma_start3A_240 : memref<1x80x64xf32, #tpu.memory_space<vmem>> -> memref<80x64xf32, #tpu.memory_space<vmem>>
      %dma_start3A_242 = arith.constant 0 : i32
      %dma_start3A_243 = tpu.memref_slice %arg10[%add3A_22, %dma_start3A_242] : memref<10000x64xf32, #tpu.memory_space<vmem_shared>> -> memref<80x64xf32, #tpu.memory_space<vmem_shared>>
      %dma_start3A_244 = arith.constant 0 : i32
      %dma_start3A_245 = tpu.memref_slice %arg10[%add3A_22, %dma_start3A_244] : memref<10000x64xf32, #tpu.memory_space<vmem_shared>> -> memref<80x64xf32, #tpu.memory_space<vmem_shared>>
      %dma_start3A_246 = arith.constant 0 : i32
      %dma_start3A_247 = arith.constant 0 : i32
      %dma_start3A_248 = tpu.memref_slice %arg8[%run_scoped3A_23, %dma_start3A_246, %dma_start3A_247] : memref<5x80x64xf32, #tpu.memory_space<vmem>> -> memref<1x80x64xf32, #tpu.memory_space<vmem>>
      %dma_start3A_249 = tpu.memref_squeeze %dma_start3A_248 : memref<1x80x64xf32, #tpu.memory_space<vmem>> -> memref<80x64xf32, #tpu.memory_space<vmem>>
      tpu.enqueue_dma source(%dma_start3A_249 : memref<80x64xf32, #tpu.memory_space<vmem>>) target(%dma_start3A_245 : memref<80x64xf32, #tpu.memory_space<vmem_shared>>) target_semaphore(%run_scoped3A_237 : memref<!tpu.dma_semaphore, #tpu.memory_space<semaphore_mem>>)
      %dma_wait3A_250 = arith.constant 0 : i32
      %dma_wait3A_251 = arith.constant 0 : i32
      %dma_wait3A_252 = tpu.memref_slice %arg8[%run_scoped3A_23, %dma_wait3A_250, %dma_wait3A_251] : memref<5x80x64xf32, #tpu.memory_space<vmem>> -> memref<1x80x64xf32, #tpu.memory_space<vmem>>
      %dma_wait3A_253 = tpu.memref_squeeze %dma_wait3A_252 : memref<1x80x64xf32, #tpu.memory_space<vmem>> -> memref<80x64xf32, #tpu.memory_space<vmem>>
      %dma_wait3A_254 = arith.constant 0 : i32
      %dma_wait3A_255 = tpu.memref_slice %arg10[%add3A_22, %dma_wait3A_254] : memref<10000x64xf32, #tpu.memory_space<vmem_shared>> -> memref<80x64xf32, #tpu.memory_space<vmem_shared>>
      %dma_wait3A_256 = arith.constant 0 : i32
      %dma_wait3A_257 = tpu.memref_slice %arg10[%add3A_22, %dma_wait3A_256] : memref<10000x64xf32, #tpu.memory_space<vmem_shared>> -> memref<80x64xf32, #tpu.memory_space<vmem_shared>>
      %dma_wait3A_258 = arith.constant 0 : i32
      %dma_wait3A_259 = arith.constant 0 : i32
      %dma_wait3A_260 = tpu.memref_slice %arg8[%run_scoped3A_23, %dma_wait3A_258, %dma_wait3A_259] : memref<5x80x64xf32, #tpu.memory_space<vmem>> -> memref<1x80x64xf32, #tpu.memory_space<vmem>>
      %dma_wait3A_261 = tpu.memref_squeeze %dma_wait3A_260 : memref<1x80x64xf32, #tpu.memory_space<vmem>> -> memref<80x64xf32, #tpu.memory_space<vmem>>
      tpu.wait_dma2 semaphore(%run_scoped3A_237 : memref<!tpu.dma_semaphore, #tpu.memory_space<semaphore_mem>>) src(%dma_wait3A_261 : memref<80x64xf32, #tpu.memory_space<vmem>>) dst(%dma_wait3A_257 : memref<80x64xf32, #tpu.memory_space<vmem_shared>>)
      tpu.yield
    }) : () -> ()
    %add3A_24 = arith.constant 400 : i32
    %add3A_25 = arith.addi %mul3A_9, %add3A_24 : i32
    %run_scoped3A_26 = arith.constant 0 : i32
    "tpu.region"() ({
      %run_scoped3A_237 = tpu.sem_alloc : memref<!tpu.dma_semaphore, #tpu.memory_space<semaphore_mem>>
      %dma_start3A_238 = arith.constant 0 : i32
      %dma_start3A_239 = arith.constant 0 : i32
      %dma_start3A_240 = tpu.memref_slice %arg8[%run_scoped3A_26, %dma_start3A_238, %dma_start3A_239] : memref<5x80x64xf32, #tpu.memory_space<vmem>> -> memref<1x80x64xf32, #tpu.memory_space<vmem>>
      %dma_start3A_241 = tpu.memref_squeeze %dma_start3A_240 : memref<1x80x64xf32, #tpu.memory_space<vmem>> -> memref<80x64xf32, #tpu.memory_space<vmem>>
      %dma_start3A_242 = arith.constant 0 : i32
      %dma_start3A_243 = tpu.memref_slice %arg10[%add3A_25, %dma_start3A_242] : memref<10000x64xf32, #tpu.memory_space<vmem_shared>> -> memref<80x64xf32, #tpu.memory_space<vmem_shared>>
      %dma_start3A_244 = arith.constant 0 : i32
      %dma_start3A_245 = tpu.memref_slice %arg10[%add3A_25, %dma_start3A_244] : memref<10000x64xf32, #tpu.memory_space<vmem_shared>> -> memref<80x64xf32, #tpu.memory_space<vmem_shared>>
      %dma_start3A_246 = arith.constant 0 : i32
      %dma_start3A_247 = arith.constant 0 : i32
      %dma_start3A_248 = tpu.memref_slice %arg8[%run_scoped3A_26, %dma_start3A_246, %dma_start3A_247] : memref<5x80x64xf32, #tpu.memory_space<vmem>> -> memref<1x80x64xf32, #tpu.memory_space<vmem>>
      %dma_start3A_249 = tpu.memref_squeeze %dma_start3A_248 : memref<1x80x64xf32, #tpu.memory_space<vmem>> -> memref<80x64xf32, #tpu.memory_space<vmem>>
      tpu.enqueue_dma source(%dma_start3A_249 : memref<80x64xf32, #tpu.memory_space<vmem>>) target(%dma_start3A_245 : memref<80x64xf32, #tpu.memory_space<vmem_shared>>) target_semaphore(%run_scoped3A_237 : memref<!tpu.dma_semaphore, #tpu.memory_space<semaphore_mem>>)
      %dma_wait3A_250 = arith.constant 0 : i32
      %dma_wait3A_251 = arith.constant 0 : i32
      %dma_wait3A_252 = tpu.memref_slice %arg8[%run_scoped3A_26, %dma_wait3A_250, %dma_wait3A_251] : memref<5x80x64xf32, #tpu.memory_space<vmem>> -> memref<1x80x64xf32, #tpu.memory_space<vmem>>
      %dma_wait3A_253 = tpu.memref_squeeze %dma_wait3A_252 : memref<1x80x64xf32, #tpu.memory_space<vmem>> -> memref<80x64xf32, #tpu.memory_space<vmem>>
      %dma_wait3A_254 = arith.constant 0 : i32
      %dma_wait3A_255 = tpu.memref_slice %arg10[%add3A_25, %dma_wait3A_254] : memref<10000x64xf32, #tpu.memory_space<vmem_shared>> -> memref<80x64xf32, #tpu.memory_space<vmem_shared>>
      %dma_wait3A_256 = arith.constant 0 : i32
      %dma_wait3A_257 = tpu.memref_slice %arg10[%add3A_25, %dma_wait3A_256] : memref<10000x64xf32, #tpu.memory_space<vmem_shared>> -> memref<80x64xf32, #tpu.memory_space<vmem_shared>>
      %dma_wait3A_258 = arith.constant 0 : i32
      %dma_wait3A_259 = arith.constant 0 : i32
      %dma_wait3A_260 = tpu.memref_slice %arg8[%run_scoped3A_26, %dma_wait3A_258, %dma_wait3A_259] : memref<5x80x64xf32, #tpu.memory_space<vmem>> -> memref<1x80x64xf32, #tpu.memory_space<vmem>>
      %dma_wait3A_261 = tpu.memref_squeeze %dma_wait3A_260 : memref<1x80x64xf32, #tpu.memory_space<vmem>> -> memref<80x64xf32, #tpu.memory_space<vmem>>
      tpu.wait_dma2 semaphore(%run_scoped3A_237 : memref<!tpu.dma_semaphore, #tpu.memory_space<semaphore_mem>>) src(%dma_wait3A_261 : memref<80x64xf32, #tpu.memory_space<vmem>>) dst(%dma_wait3A_257 : memref<80x64xf32, #tpu.memory_space<vmem_shared>>)
      tpu.yield
    }) : () -> ()
    %add3A_27 = arith.constant 480 : i32
    %add3A_28 = arith.addi %mul3A_9, %add3A_27 : i32
    %run_scoped3A_29 = arith.constant 0 : i32
    "tpu.region"() ({
      %run_scoped3A_237 = tpu.sem_alloc : memref<!tpu.dma_semaphore, #tpu.memory_space<semaphore_mem>>
      %dma_start3A_238 = arith.constant 0 : i32
      %dma_start3A_239 = arith.constant 0 : i32
      %dma_start3A_240 = tpu.memref_slice %arg8[%run_scoped3A_29, %dma_start3A_238, %dma_start3A_239] : memref<5x80x64xf32, #tpu.memory_space<vmem>> -> memref<1x80x64xf32, #tpu.memory_space<vmem>>
      %dma_start3A_241 = tpu.memref_squeeze %dma_start3A_240 : memref<1x80x64xf32, #tpu.memory_space<vmem>> -> memref<80x64xf32, #tpu.memory_space<vmem>>
      %dma_start3A_242 = arith.constant 0 : i32
      %dma_start3A_243 = tpu.memref_slice %arg10[%add3A_28, %dma_start3A_242] : memref<10000x64xf32, #tpu.memory_space<vmem_shared>> -> memref<80x64xf32, #tpu.memory_space<vmem_shared>>
      %dma_start3A_244 = arith.constant 0 : i32
      %dma_start3A_245 = tpu.memref_slice %arg10[%add3A_28, %dma_start3A_244] : memref<10000x64xf32, #tpu.memory_space<vmem_shared>> -> memref<80x64xf32, #tpu.memory_space<vmem_shared>>
      %dma_start3A_246 = arith.constant 0 : i32
      %dma_start3A_247 = arith.constant 0 : i32
      %dma_start3A_248 = tpu.memref_slice %arg8[%run_scoped3A_29, %dma_start3A_246, %dma_start3A_247] : memref<5x80x64xf32, #tpu.memory_space<vmem>> -> memref<1x80x64xf32, #tpu.memory_space<vmem>>
      %dma_start3A_249 = tpu.memref_squeeze %dma_start3A_248 : memref<1x80x64xf32, #tpu.memory_space<vmem>> -> memref<80x64xf32, #tpu.memory_space<vmem>>
      tpu.enqueue_dma source(%dma_start3A_249 : memref<80x64xf32, #tpu.memory_space<vmem>>) target(%dma_start3A_245 : memref<80x64xf32, #tpu.memory_space<vmem_shared>>) target_semaphore(%run_scoped3A_237 : memref<!tpu.dma_semaphore, #tpu.memory_space<semaphore_mem>>)
      %dma_wait3A_250 = arith.constant 0 : i32
      %dma_wait3A_251 = arith.constant 0 : i32
      %dma_wait3A_252 = tpu.memref_slice %arg8[%run_scoped3A_29, %dma_wait3A_250, %dma_wait3A_251] : memref<5x80x64xf32, #tpu.memory_space<vmem>> -> memref<1x80x64xf32, #tpu.memory_space<vmem>>
      %dma_wait3A_253 = tpu.memref_squeeze %dma_wait3A_252 : memref<1x80x64xf32, #tpu.memory_space<vmem>> -> memref<80x64xf32, #tpu.memory_space<vmem>>
      %dma_wait3A_254 = arith.constant 0 : i32
      %dma_wait3A_255 = tpu.memref_slice %arg10[%add3A_28, %dma_wait3A_254] : memref<10000x64xf32, #tpu.memory_space<vmem_shared>> -> memref<80x64xf32, #tpu.memory_space<vmem_shared>>
      %dma_wait3A_256 = arith.constant 0 : i32
      %dma_wait3A_257 = tpu.memref_slice %arg10[%add3A_28, %dma_wait3A_256] : memref<10000x64xf32, #tpu.memory_space<vmem_shared>> -> memref<80x64xf32, #tpu.memory_space<vmem_shared>>
      %dma_wait3A_258 = arith.constant 0 : i32
      %dma_wait3A_259 = arith.constant 0 : i32
      %dma_wait3A_260 = tpu.memref_slice %arg8[%run_scoped3A_29, %dma_wait3A_258, %dma_wait3A_259] : memref<5x80x64xf32, #tpu.memory_space<vmem>> -> memref<1x80x64xf32, #tpu.memory_space<vmem>>
      %dma_wait3A_261 = tpu.memref_squeeze %dma_wait3A_260 : memref<1x80x64xf32, #tpu.memory_space<vmem>> -> memref<80x64xf32, #tpu.memory_space<vmem>>
      tpu.wait_dma2 semaphore(%run_scoped3A_237 : memref<!tpu.dma_semaphore, #tpu.memory_space<semaphore_mem>>) src(%dma_wait3A_261 : memref<80x64xf32, #tpu.memory_space<vmem>>) dst(%dma_wait3A_257 : memref<80x64xf32, #tpu.memory_space<vmem_shared>>)
      tpu.yield
    }) : () -> ()
    %add3A_30 = arith.constant 560 : i32
    %add3A_31 = arith.addi %mul3A_9, %add3A_30 : i32
    %run_scoped3A_32 = arith.constant 0 : i32
    "tpu.region"() ({
      %run_scoped3A_237 = tpu.sem_alloc : memref<!tpu.dma_semaphore, #tpu.memory_space<semaphore_mem>>
      %dma_start3A_238 = arith.constant 0 : i32
      %dma_start3A_239 = arith.constant 0 : i32
      %dma_start3A_240 = tpu.memref_slice %arg8[%run_scoped3A_32, %dma_start3A_238, %dma_start3A_239] : memref<5x80x64xf32, #tpu.memory_space<vmem>> -> memref<1x65x64xf32, #tpu.memory_space<vmem>>
      %dma_start3A_241 = tpu.memref_squeeze %dma_start3A_240 : memref<1x65x64xf32, #tpu.memory_space<vmem>> -> memref<65x64xf32, #tpu.memory_space<vmem>>
      %dma_start3A_242 = arith.constant 0 : i32
      %dma_start3A_243 = tpu.memref_slice %arg10[%add3A_31, %dma_start3A_242] : memref<10000x64xf32, #tpu.memory_space<vmem_shared>> -> memref<65x64xf32, #tpu.memory_space<vmem_shared>>
      %dma_start3A_244 = arith.constant 0 : i32
      %dma_start3A_245 = tpu.memref_slice %arg10[%add3A_31, %dma_start3A_244] : memref<10000x64xf32, #tpu.memory_space<vmem_shared>> -> memref<65x64xf32, #tpu.memory_space<vmem_shared>>
      %dma_start3A_246 = arith.constant 0 : i32
      %dma_start3A_247 = arith.constant 0 : i32
      %dma_start3A_248 = tpu.memref_slice %arg8[%run_scoped3A_32, %dma_start3A_246, %dma_start3A_247] : memref<5x80x64xf32, #tpu.memory_space<vmem>> -> memref<1x65x64xf32, #tpu.memory_space<vmem>>
      %dma_start3A_249 = tpu.memref_squeeze %dma_start3A_248 : memref<1x65x64xf32, #tpu.memory_space<vmem>> -> memref<65x64xf32, #tpu.memory_space<vmem>>
      tpu.enqueue_dma source(%dma_start3A_249 : memref<65x64xf32, #tpu.memory_space<vmem>>) target(%dma_start3A_245 : memref<65x64xf32, #tpu.memory_space<vmem_shared>>) target_semaphore(%run_scoped3A_237 : memref<!tpu.dma_semaphore, #tpu.memory_space<semaphore_mem>>)
      %dma_wait3A_250 = arith.constant 0 : i32
      %dma_wait3A_251 = arith.constant 0 : i32
      %dma_wait3A_252 = tpu.memref_slice %arg8[%run_scoped3A_32, %dma_wait3A_250, %dma_wait3A_251] : memref<5x80x64xf32, #tpu.memory_space<vmem>> -> memref<1x65x64xf32, #tpu.memory_space<vmem>>
      %dma_wait3A_253 = tpu.memref_squeeze %dma_wait3A_252 : memref<1x65x64xf32, #tpu.memory_space<vmem>> -> memref<65x64xf32, #tpu.memory_space<vmem>>
      %dma_wait3A_254 = arith.constant 0 : i32
      %dma_wait3A_255 = tpu.memref_slice %arg10[%add3A_31, %dma_wait3A_254] : memref<10000x64xf32, #tpu.memory_space<vmem_shared>> -> memref<65x64xf32, #tpu.memory_space<vmem_shared>>
      %dma_wait3A_256 = arith.constant 0 : i32
      %dma_wait3A_257 = tpu.memref_slice %arg10[%add3A_31, %dma_wait3A_256] : memref<10000x64xf32, #tpu.memory_space<vmem_shared>> -> memref<65x64xf32, #tpu.memory_space<vmem_shared>>
      %dma_wait3A_258 = arith.constant 0 : i32
      %dma_wait3A_259 = arith.constant 0 : i32
      %dma_wait3A_260 = tpu.memref_slice %arg8[%run_scoped3A_32, %dma_wait3A_258, %dma_wait3A_259] : memref<5x80x64xf32, #tpu.memory_space<vmem>> -> memref<1x65x64xf32, #tpu.memory_space<vmem>>
      %dma_wait3A_261 = tpu.memref_squeeze %dma_wait3A_260 : memref<1x65x64xf32, #tpu.memory_space<vmem>> -> memref<65x64xf32, #tpu.memory_space<vmem>>
      tpu.wait_dma2 semaphore(%run_scoped3A_237 : memref<!tpu.dma_semaphore, #tpu.memory_space<semaphore_mem>>) src(%dma_wait3A_261 : memref<65x64xf32, #tpu.memory_space<vmem>>) dst(%dma_wait3A_257 : memref<65x64xf32, #tpu.memory_space<vmem_shared>>)
      tpu.yield
    }) : () -> ()
    %barrier3A = arith.constant 0 : index
    tpu.barrier barrier_id(%barrier3A)
    %add3A_33 = arith.constant 0 : i32
    %add3A_34 = arith.addi %mul3A_2, %add3A_33 : i32
    %mul3A_35 = arith.constant 80 : i32
    %mul3A_36 = arith.muli %add3A_34, %mul3A_35 : i32
    %dma_start3A = arith.constant 0 : i32
    %dma_start3A_37 = arith.constant 0 : i32
    %dma_start3A_38 = arith.constant 0 : i32
    %dma_start3A_39 = tpu.memref_slice %arg7[%dma_start3A, %dma_start3A_37, %dma_start3A_38] : memref<5x2x80xi32, #tpu.memory_space<vmem>> -> memref<1x1x80xi32, #tpu.memory_space<vmem>>
    %dma_start3A_40 = tpu.memref_squeeze %dma_start3A_39 : memref<1x1x80xi32, #tpu.memory_space<vmem>> -> memref<80xi32, #tpu.memory_space<vmem>>
    %dma_start3A_41 = tpu.memref_slice %arg4[%mul3A_36] : memref<320000xi32, #tpu.memory_space<hbm>> -> memref<80xi32, #tpu.memory_space<hbm>>
    %dma_start3A_42 = arith.constant 0 : i32
    %dma_start3A_43 = tpu.memref_slice %arg7[%dma_start3A, %dma_start3A_37, %dma_start3A_42] : memref<5x2x80xi32, #tpu.memory_space<vmem>> -> memref<1x1x80xi32, #tpu.memory_space<vmem>>
    %dma_start3A_44 = tpu.memref_squeeze %dma_start3A_43 : memref<1x1x80xi32, #tpu.memory_space<vmem>> -> memref<80xi32, #tpu.memory_space<vmem>>
    %dma_start3A_45 = tpu.memref_slice %arg4[%mul3A_36] : memref<320000xi32, #tpu.memory_space<hbm>> -> memref<80xi32, #tpu.memory_space<hbm>>
    tpu.enqueue_dma source(%dma_start3A_45 : memref<80xi32, #tpu.memory_space<hbm>>) target(%dma_start3A_44 : memref<80xi32, #tpu.memory_space<vmem>>) target_semaphore(%arg16 : memref<!tpu.dma_semaphore, #tpu.memory_space<semaphore_mem>>)
    %add3A_46 = arith.constant 0 : i32
    %add3A_47 = arith.addi %mul3A_2, %add3A_46 : i32
    %mul3A_48 = arith.constant 80 : i32
    %mul3A_49 = arith.muli %add3A_47, %mul3A_48 : i32
    %dma_start3A_50 = arith.constant 0 : i32
    %dma_start3A_51 = arith.constant 1 : i32
    %dma_start3A_52 = arith.constant 0 : i32
    %dma_start3A_53 = tpu.memref_slice %arg7[%dma_start3A_50, %dma_start3A_51, %dma_start3A_52] : memref<5x2x80xi32, #tpu.memory_space<vmem>> -> memref<1x1x80xi32, #tpu.memory_space<vmem>>
    %dma_start3A_54 = tpu.memref_squeeze %dma_start3A_53 : memref<1x1x80xi32, #tpu.memory_space<vmem>> -> memref<80xi32, #tpu.memory_space<vmem>>
    %dma_start3A_55 = tpu.memref_slice %arg5[%mul3A_49] : memref<320000xi32, #tpu.memory_space<hbm>> -> memref<80xi32, #tpu.memory_space<hbm>>
    %dma_start3A_56 = arith.constant 0 : i32
    %dma_start3A_57 = tpu.memref_slice %arg7[%dma_start3A_50, %dma_start3A_51, %dma_start3A_56] : memref<5x2x80xi32, #tpu.memory_space<vmem>> -> memref<1x1x80xi32, #tpu.memory_space<vmem>>
    %dma_start3A_58 = tpu.memref_squeeze %dma_start3A_57 : memref<1x1x80xi32, #tpu.memory_space<vmem>> -> memref<80xi32, #tpu.memory_space<vmem>>
    %dma_start3A_59 = tpu.memref_slice %arg5[%mul3A_49] : memref<320000xi32, #tpu.memory_space<hbm>> -> memref<80xi32, #tpu.memory_space<hbm>>
    tpu.enqueue_dma source(%dma_start3A_59 : memref<80xi32, #tpu.memory_space<hbm>>) target(%dma_start3A_58 : memref<80xi32, #tpu.memory_space<vmem>>) target_semaphore(%arg16 : memref<!tpu.dma_semaphore, #tpu.memory_space<semaphore_mem>>)
    %add3A_60 = arith.constant 1 : i32
    %add3A_61 = arith.addi %mul3A_2, %add3A_60 : i32
    %mul3A_62 = arith.constant 80 : i32
    %mul3A_63 = arith.muli %add3A_61, %mul3A_62 : i32
    %dma_start3A_64 = arith.constant 1 : i32
    %dma_start3A_65 = arith.constant 0 : i32
    %dma_start3A_66 = arith.constant 0 : i32
    %dma_start3A_67 = tpu.memref_slice %arg7[%dma_start3A_64, %dma_start3A_65, %dma_start3A_66] : memref<5x2x80xi32, #tpu.memory_space<vmem>> -> memref<1x1x80xi32, #tpu.memory_space<vmem>>
    %dma_start3A_68 = tpu.memref_squeeze %dma_start3A_67 : memref<1x1x80xi32, #tpu.memory_space<vmem>> -> memref<80xi32, #tpu.memory_space<vmem>>
    %dma_start3A_69 = tpu.memref_slice %arg4[%mul3A_63] : memref<320000xi32, #tpu.memory_space<hbm>> -> memref<80xi32, #tpu.memory_space<hbm>>
    %dma_start3A_70 = arith.constant 0 : i32
    %dma_start3A_71 = tpu.memref_slice %arg7[%dma_start3A_64, %dma_start3A_65, %dma_start3A_70] : memref<5x2x80xi32, #tpu.memory_space<vmem>> -> memref<1x1x80xi32, #tpu.memory_space<vmem>>
    %dma_start3A_72 = tpu.memref_squeeze %dma_start3A_71 : memref<1x1x80xi32, #tpu.memory_space<vmem>> -> memref<80xi32, #tpu.memory_space<vmem>>
    %dma_start3A_73 = tpu.memref_slice %arg4[%mul3A_63] : memref<320000xi32, #tpu.memory_space<hbm>> -> memref<80xi32, #tpu.memory_space<hbm>>
    tpu.enqueue_dma source(%dma_start3A_73 : memref<80xi32, #tpu.memory_space<hbm>>) target(%dma_start3A_72 : memref<80xi32, #tpu.memory_space<vmem>>) target_semaphore(%arg17 : memref<!tpu.dma_semaphore, #tpu.memory_space<semaphore_mem>>)
    %add3A_74 = arith.constant 1 : i32
    %add3A_75 = arith.addi %mul3A_2, %add3A_74 : i32
    %mul3A_76 = arith.constant 80 : i32
    %mul3A_77 = arith.muli %add3A_75, %mul3A_76 : i32
    %dma_start3A_78 = arith.constant 1 : i32
    %dma_start3A_79 = arith.constant 1 : i32
    %dma_start3A_80 = arith.constant 0 : i32
    %dma_start3A_81 = tpu.memref_slice %arg7[%dma_start3A_78, %dma_start3A_79, %dma_start3A_80] : memref<5x2x80xi32, #tpu.memory_space<vmem>> -> memref<1x1x80xi32, #tpu.memory_space<vmem>>
    %dma_start3A_82 = tpu.memref_squeeze %dma_start3A_81 : memref<1x1x80xi32, #tpu.memory_space<vmem>> -> memref<80xi32, #tpu.memory_space<vmem>>
    %dma_start3A_83 = tpu.memref_slice %arg5[%mul3A_77] : memref<320000xi32, #tpu.memory_space<hbm>> -> memref<80xi32, #tpu.memory_space<hbm>>
    %dma_start3A_84 = arith.constant 0 : i32
    %dma_start3A_85 = tpu.memref_slice %arg7[%dma_start3A_78, %dma_start3A_79, %dma_start3A_84] : memref<5x2x80xi32, #tpu.memory_space<vmem>> -> memref<1x1x80xi32, #tpu.memory_space<vmem>>
    %dma_start3A_86 = tpu.memref_squeeze %dma_start3A_85 : memref<1x1x80xi32, #tpu.memory_space<vmem>> -> memref<80xi32, #tpu.memory_space<vmem>>
    %dma_start3A_87 = tpu.memref_slice %arg5[%mul3A_77] : memref<320000xi32, #tpu.memory_space<hbm>> -> memref<80xi32, #tpu.memory_space<hbm>>
    tpu.enqueue_dma source(%dma_start3A_87 : memref<80xi32, #tpu.memory_space<hbm>>) target(%dma_start3A_86 : memref<80xi32, #tpu.memory_space<vmem>>) target_semaphore(%arg17 : memref<!tpu.dma_semaphore, #tpu.memory_space<semaphore_mem>>)
    %add3A_88 = arith.constant 2 : i32
    %add3A_89 = arith.addi %mul3A_2, %add3A_88 : i32
    %mul3A_90 = arith.constant 80 : i32
    %mul3A_91 = arith.muli %add3A_89, %mul3A_90 : i32
    %dma_start3A_92 = arith.constant 2 : i32
    %dma_start3A_93 = arith.constant 0 : i32
    %dma_start3A_94 = arith.constant 0 : i32
    %dma_start3A_95 = tpu.memref_slice %arg7[%dma_start3A_92, %dma_start3A_93, %dma_start3A_94] : memref<5x2x80xi32, #tpu.memory_space<vmem>> -> memref<1x1x80xi32, #tpu.memory_space<vmem>>
    %dma_start3A_96 = tpu.memref_squeeze %dma_start3A_95 : memref<1x1x80xi32, #tpu.memory_space<vmem>> -> memref<80xi32, #tpu.memory_space<vmem>>
    %dma_start3A_97 = tpu.memref_slice %arg4[%mul3A_91] : memref<320000xi32, #tpu.memory_space<hbm>> -> memref<80xi32, #tpu.memory_space<hbm>>
    %dma_start3A_98 = arith.constant 0 : i32
    %dma_start3A_99 = tpu.memref_slice %arg7[%dma_start3A_92, %dma_start3A_93, %dma_start3A_98] : memref<5x2x80xi32, #tpu.memory_space<vmem>> -> memref<1x1x80xi32, #tpu.memory_space<vmem>>
    %dma_start3A_100 = tpu.memref_squeeze %dma_start3A_99 : memref<1x1x80xi32, #tpu.memory_space<vmem>> -> memref<80xi32, #tpu.memory_space<vmem>>
    %dma_start3A_101 = tpu.memref_slice %arg4[%mul3A_91] : memref<320000xi32, #tpu.memory_space<hbm>> -> memref<80xi32, #tpu.memory_space<hbm>>
    tpu.enqueue_dma source(%dma_start3A_101 : memref<80xi32, #tpu.memory_space<hbm>>) target(%dma_start3A_100 : memref<80xi32, #tpu.memory_space<vmem>>) target_semaphore(%arg18 : memref<!tpu.dma_semaphore, #tpu.memory_space<semaphore_mem>>)
    %add3A_102 = arith.constant 2 : i32
    %add3A_103 = arith.addi %mul3A_2, %add3A_102 : i32
    %mul3A_104 = arith.constant 80 : i32
    %mul3A_105 = arith.muli %add3A_103, %mul3A_104 : i32
    %dma_start3A_106 = arith.constant 2 : i32
    %dma_start3A_107 = arith.constant 1 : i32
    %dma_start3A_108 = arith.constant 0 : i32
    %dma_start3A_109 = tpu.memref_slice %arg7[%dma_start3A_106, %dma_start3A_107, %dma_start3A_108] : memref<5x2x80xi32, #tpu.memory_space<vmem>> -> memref<1x1x80xi32, #tpu.memory_space<vmem>>
    %dma_start3A_110 = tpu.memref_squeeze %dma_start3A_109 : memref<1x1x80xi32, #tpu.memory_space<vmem>> -> memref<80xi32, #tpu.memory_space<vmem>>
    %dma_start3A_111 = tpu.memref_slice %arg5[%mul3A_105] : memref<320000xi32, #tpu.memory_space<hbm>> -> memref<80xi32, #tpu.memory_space<hbm>>
    %dma_start3A_112 = arith.constant 0 : i32
    %dma_start3A_113 = tpu.memref_slice %arg7[%dma_start3A_106, %dma_start3A_107, %dma_start3A_112] : memref<5x2x80xi32, #tpu.memory_space<vmem>> -> memref<1x1x80xi32, #tpu.memory_space<vmem>>
    %dma_start3A_114 = tpu.memref_squeeze %dma_start3A_113 : memref<1x1x80xi32, #tpu.memory_space<vmem>> -> memref<80xi32, #tpu.memory_space<vmem>>
    %dma_start3A_115 = tpu.memref_slice %arg5[%mul3A_105] : memref<320000xi32, #tpu.memory_space<hbm>> -> memref<80xi32, #tpu.memory_space<hbm>>
    tpu.enqueue_dma source(%dma_start3A_115 : memref<80xi32, #tpu.memory_space<hbm>>) target(%dma_start3A_114 : memref<80xi32, #tpu.memory_space<vmem>>) target_semaphore(%arg18 : memref<!tpu.dma_semaphore, #tpu.memory_space<semaphore_mem>>)
    %dma_wait3A = arith.constant 0 : i32
    %dma_wait3A_116 = arith.constant 0 : i32
    %dma_wait3A_117 = arith.constant 0 : i32
    %dma_wait3A_118 = tpu.memref_slice %arg7[%dma_wait3A, %dma_wait3A_116, %dma_wait3A_117] : memref<5x2x80xi32, #tpu.memory_space<vmem>> -> memref<1x1x80xi32, #tpu.memory_space<vmem>>
    %dma_wait3A_119 = tpu.memref_squeeze %dma_wait3A_118 : memref<1x1x80xi32, #tpu.memory_space<vmem>> -> memref<80xi32, #tpu.memory_space<vmem>>
    %dma_wait3A_120 = arith.constant 0 : i32
    %dma_wait3A_121 = tpu.memref_slice %arg4[%dma_wait3A_120] : memref<320000xi32, #tpu.memory_space<hbm>> -> memref<80xi32, #tpu.memory_space<hbm>>
    %dma_wait3A_122 = arith.constant 0 : i32
    %dma_wait3A_123 = tpu.memref_slice %arg7[%dma_wait3A, %dma_wait3A_116, %dma_wait3A_122] : memref<5x2x80xi32, #tpu.memory_space<vmem>> -> memref<1x1x80xi32, #tpu.memory_space<vmem>>
    %dma_wait3A_124 = tpu.memref_squeeze %dma_wait3A_123 : memref<1x1x80xi32, #tpu.memory_space<vmem>> -> memref<80xi32, #tpu.memory_space<vmem>>
    %dma_wait3A_125 = arith.constant 0 : i32
    %dma_wait3A_126 = tpu.memref_slice %arg4[%dma_wait3A_125] : memref<320000xi32, #tpu.memory_space<hbm>> -> memref<80xi32, #tpu.memory_space<hbm>>
    tpu.wait_dma2 semaphore(%arg16 : memref<!tpu.dma_semaphore, #tpu.memory_space<semaphore_mem>>) src(%dma_wait3A_126 : memref<80xi32, #tpu.memory_space<hbm>>) dst(%dma_wait3A_124 : memref<80xi32, #tpu.memory_space<vmem>>)
    %dma_wait3A_127 = arith.constant 0 : i32
    %dma_wait3A_128 = arith.constant 1 : i32
    %dma_wait3A_129 = arith.constant 0 : i32
    %dma_wait3A_130 = tpu.memref_slice %arg7[%dma_wait3A_127, %dma_wait3A_128, %dma_wait3A_129] : memref<5x2x80xi32, #tpu.memory_space<vmem>> -> memref<1x1x80xi32, #tpu.memory_space<vmem>>
    %dma_wait3A_131 = tpu.memref_squeeze %dma_wait3A_130 : memref<1x1x80xi32, #tpu.memory_space<vmem>> -> memref<80xi32, #tpu.memory_space<vmem>>
    %dma_wait3A_132 = arith.constant 0 : i32
    %dma_wait3A_133 = tpu.memref_slice %arg4[%dma_wait3A_132] : memref<320000xi32, #tpu.memory_space<hbm>> -> memref<80xi32, #tpu.memory_space<hbm>>
    %dma_wait3A_134 = arith.constant 0 : i32
    %dma_wait3A_135 = tpu.memref_slice %arg7[%dma_wait3A_127, %dma_wait3A_128, %dma_wait3A_134] : memref<5x2x80xi32, #tpu.memory_space<vmem>> -> memref<1x1x80xi32, #tpu.memory_space<vmem>>
    %dma_wait3A_136 = tpu.memref_squeeze %dma_wait3A_135 : memref<1x1x80xi32, #tpu.memory_space<vmem>> -> memref<80xi32, #tpu.memory_space<vmem>>
    %dma_wait3A_137 = arith.constant 0 : i32
    %dma_wait3A_138 = tpu.memref_slice %arg4[%dma_wait3A_137] : memref<320000xi32, #tpu.memory_space<hbm>> -> memref<80xi32, #tpu.memory_space<hbm>>
    tpu.wait_dma2 semaphore(%arg16 : memref<!tpu.dma_semaphore, #tpu.memory_space<semaphore_mem>>) src(%dma_wait3A_138 : memref<80xi32, #tpu.memory_space<hbm>>) dst(%dma_wait3A_136 : memref<80xi32, #tpu.memory_space<vmem>>)
    %dma_start3A_139 = arith.constant 0 : i32
    %dma_start3A_140 = arith.constant 0 : i32
    %dma_start3A_141 = arith.constant 0 : i32
    %dma_start3A_142 = arith.constant 0 : i32
    %dma_start3A_143 = arith.constant 0 : i32
    %dma_start3A_144 = tpu.memref_slice %arg8[%dma_start3A_141, %dma_start3A_142, %dma_start3A_143] : memref<5x80x64xf32, #tpu.memory_space<vmem>> -> memref<1x80x64xf32, #tpu.memory_space<vmem>>
    %dma_start3A_145 = tpu.memref_squeeze %dma_start3A_144 : memref<1x80x64xf32, #tpu.memory_space<vmem>> -> memref<80x64xf32, #tpu.memory_space<vmem>>
    %dma_start3A_146 = arith.constant 0 : i32
    %dma_start3A_147 = tpu.memref_slice %arg7[%dma_start3A_139, %dma_start3A_140, %dma_start3A_146] : memref<5x2x80xi32, #tpu.memory_space<vmem>> -> memref<1x1x80xi32, #tpu.memory_space<vmem>>
    %dma_start3A_148 = tpu.memref_squeeze %dma_start3A_147 : memref<1x1x80xi32, #tpu.memory_space<vmem>> -> memref<80xi32, #tpu.memory_space<vmem>>
    %dma_start3A_149 = arith.constant 0 : i32
    %dma_start3A_150 = arith.constant 0 : i32
    %dma_start3A_151 = tpu.memref_slice %arg2[%dma_start3A_149, %dma_start3A_150] : memref<10000x64xf32, #tpu.memory_space<hbm>> -> memref<10000x64xf32, #tpu.memory_space<hbm>>
    tpu.enqueue_indirect_dma source(%dma_start3A_151 : memref<10000x64xf32, #tpu.memory_space<hbm>>) target(%dma_start3A_145 : memref<80x64xf32, #tpu.memory_space<vmem>>) offsets(%dma_start3A_148 : memref<80xi32, #tpu.memory_space<vmem>>) semaphore(%arg11 : memref<!tpu.dma_semaphore, #tpu.memory_space<semaphore_mem>>)
    %add3A_152 = arith.constant 0 : i32
    %add3A_153 = arith.addi %mul3A_2, %add3A_152 : i32
    %dma_start3A_154 = arith.constant 0 : i32
    %dma_start3A_155 = arith.constant 0 : i32
    %dma_start3A_156 = arith.constant 0 : i32
    %dma_start3A_157 = tpu.memref_slice %arg9[%dma_start3A_154, %dma_start3A_155, %dma_start3A_156] : memref<5x40x128xf32, #tpu.memory_space<vmem>> -> memref<1x40x128xf32, #tpu.memory_space<vmem>>
    %dma_start3A_158 = tpu.memref_squeeze %dma_start3A_157 : memref<1x40x128xf32, #tpu.memory_space<vmem>> -> memref<40x128xf32, #tpu.memory_space<vmem>>
    %dma_start3A_159 = arith.constant 0 : i32
    %dma_start3A_160 = arith.constant 0 : i32
    %dma_start3A_161 = tpu.memref_slice %arg3[%add3A_153, %dma_start3A_159, %dma_start3A_160] : memref<4000x40x128xf32, #tpu.memory_space<hbm>> -> memref<1x40x128xf32, #tpu.memory_space<hbm>>
    %dma_start3A_162 = tpu.memref_squeeze %dma_start3A_161 : memref<1x40x128xf32, #tpu.memory_space<hbm>> -> memref<40x128xf32, #tpu.memory_space<hbm>>
    %dma_start3A_163 = arith.constant 0 : i32
    %dma_start3A_164 = arith.constant 0 : i32
    %dma_start3A_165 = tpu.memref_slice %arg9[%dma_start3A_154, %dma_start3A_163, %dma_start3A_164] : memref<5x40x128xf32, #tpu.memory_space<vmem>> -> memref<1x40x128xf32, #tpu.memory_space<vmem>>
    %dma_start3A_166 = tpu.memref_squeeze %dma_start3A_165 : memref<1x40x128xf32, #tpu.memory_space<vmem>> -> memref<40x128xf32, #tpu.memory_space<vmem>>
    %dma_start3A_167 = arith.constant 0 : i32
    %dma_start3A_168 = arith.constant 0 : i32
    %dma_start3A_169 = tpu.memref_slice %arg3[%add3A_153, %dma_start3A_167, %dma_start3A_168] : memref<4000x40x128xf32, #tpu.memory_space<hbm>> -> memref<1x40x128xf32, #tpu.memory_space<hbm>>
    %dma_start3A_170 = tpu.memref_squeeze %dma_start3A_169 : memref<1x40x128xf32, #tpu.memory_space<hbm>> -> memref<40x128xf32, #tpu.memory_space<hbm>>
    tpu.enqueue_dma source(%dma_start3A_170 : memref<40x128xf32, #tpu.memory_space<hbm>>) target(%dma_start3A_166 : memref<40x128xf32, #tpu.memory_space<vmem>>) target_semaphore(%arg11 : memref<!tpu.dma_semaphore, #tpu.memory_space<semaphore_mem>>)
    %dma_wait3A_171 = arith.constant 1 : i32
    %dma_wait3A_172 = arith.constant 0 : i32
    %dma_wait3A_173 = arith.constant 0 : i32
    %dma_wait3A_174 = tpu.memref_slice %arg7[%dma_wait3A_171, %dma_wait3A_172, %dma_wait3A_173] : memref<5x2x80xi32, #tpu.memory_space<vmem>> -> memref<1x1x80xi32, #tpu.memory_space<vmem>>
    %dma_wait3A_175 = tpu.memref_squeeze %dma_wait3A_174 : memref<1x1x80xi32, #tpu.memory_space<vmem>> -> memref<80xi32, #tpu.memory_space<vmem>>
    %dma_wait3A_176 = arith.constant 0 : i32
    %dma_wait3A_177 = tpu.memref_slice %arg4[%dma_wait3A_176] : memref<320000xi32, #tpu.memory_space<hbm>> -> memref<80xi32, #tpu.memory_space<hbm>>
    %dma_wait3A_178 = arith.constant 0 : i32
    %dma_wait3A_179 = tpu.memref_slice %arg7[%dma_wait3A_171, %dma_wait3A_172, %dma_wait3A_178] : memref<5x2x80xi32, #tpu.memory_space<vmem>> -> memref<1x1x80xi32, #tpu.memory_space<vmem>>
    %dma_wait3A_180 = tpu.memref_squeeze %dma_wait3A_179 : memref<1x1x80xi32, #tpu.memory_space<vmem>> -> memref<80xi32, #tpu.memory_space<vmem>>
    %dma_wait3A_181 = arith.constant 0 : i32
    %dma_wait3A_182 = tpu.memref_slice %arg4[%dma_wait3A_181] : memref<320000xi32, #tpu.memory_space<hbm>> -> memref<80xi32, #tpu.memory_space<hbm>>
    tpu.wait_dma2 semaphore(%arg17 : memref<!tpu.dma_semaphore, #tpu.memory_space<semaphore_mem>>) src(%dma_wait3A_182 : memref<80xi32, #tpu.memory_space<hbm>>) dst(%dma_wait3A_180 : memref<80xi32, #tpu.memory_space<vmem>>)
    %dma_wait3A_183 = arith.constant 1 : i32
    %dma_wait3A_184 = arith.constant 1 : i32
    %dma_wait3A_185 = arith.constant 0 : i32
    %dma_wait3A_186 = tpu.memref_slice %arg7[%dma_wait3A_183, %dma_wait3A_184, %dma_wait3A_185] : memref<5x2x80xi32, #tpu.memory_space<vmem>> -> memref<1x1x80xi32, #tpu.memory_space<vmem>>
    %dma_wait3A_187 = tpu.memref_squeeze %dma_wait3A_186 : memref<1x1x80xi32, #tpu.memory_space<vmem>> -> memref<80xi32, #tpu.memory_space<vmem>>
    %dma_wait3A_188 = arith.constant 0 : i32
    %dma_wait3A_189 = tpu.memref_slice %arg4[%dma_wait3A_188] : memref<320000xi32, #tpu.memory_space<hbm>> -> memref<80xi32, #tpu.memory_space<hbm>>
    %dma_wait3A_190 = arith.constant 0 : i32
    %dma_wait3A_191 = tpu.memref_slice %arg7[%dma_wait3A_183, %dma_wait3A_184, %dma_wait3A_190] : memref<5x2x80xi32, #tpu.memory_space<vmem>> -> memref<1x1x80xi32, #tpu.memory_space<vmem>>
    %dma_wait3A_192 = tpu.memref_squeeze %dma_wait3A_191 : memref<1x1x80xi32, #tpu.memory_space<vmem>> -> memref<80xi32, #tpu.memory_space<vmem>>
    %dma_wait3A_193 = arith.constant 0 : i32
    %dma_wait3A_194 = tpu.memref_slice %arg4[%dma_wait3A_193] : memref<320000xi32, #tpu.memory_space<hbm>> -> memref<80xi32, #tpu.memory_space<hbm>>
    tpu.wait_dma2 semaphore(%arg17 : memref<!tpu.dma_semaphore, #tpu.memory_space<semaphore_mem>>) src(%dma_wait3A_194 : memref<80xi32, #tpu.memory_space<hbm>>) dst(%dma_wait3A_192 : memref<80xi32, #tpu.memory_space<vmem>>)
    %dma_start3A_195 = arith.constant 1 : i32
    %dma_start3A_196 = arith.constant 0 : i32
    %dma_start3A_197 = arith.constant 1 : i32
    %dma_start3A_198 = arith.constant 0 : i32
    %dma_start3A_199 = arith.constant 0 : i32
    %dma_start3A_200 = tpu.memref_slice %arg8[%dma_start3A_197, %dma_start3A_198, %dma_start3A_199] : memref<5x80x64xf32, #tpu.memory_space<vmem>> -> memref<1x80x64xf32, #tpu.memory_space<vmem>>
    %dma_start3A_201 = tpu.memref_squeeze %dma_start3A_200 : memref<1x80x64xf32, #tpu.memory_space<vmem>> -> memref<80x64xf32, #tpu.memory_space<vmem>>
    %dma_start3A_202 = arith.constant 0 : i32
    %dma_start3A_203 = tpu.memref_slice %arg7[%dma_start3A_195, %dma_start3A_196, %dma_start3A_202] : memref<5x2x80xi32, #tpu.memory_space<vmem>> -> memref<1x1x80xi32, #tpu.memory_space<vmem>>
    %dma_start3A_204 = tpu.memref_squeeze %dma_start3A_203 : memref<1x1x80xi32, #tpu.memory_space<vmem>> -> memref<80xi32, #tpu.memory_space<vmem>>
    %dma_start3A_205 = arith.constant 0 : i32
    %dma_start3A_206 = arith.constant 0 : i32
    %dma_start3A_207 = tpu.memref_slice %arg2[%dma_start3A_205, %dma_start3A_206] : memref<10000x64xf32, #tpu.memory_space<hbm>> -> memref<10000x64xf32, #tpu.memory_space<hbm>>
    tpu.enqueue_indirect_dma source(%dma_start3A_207 : memref<10000x64xf32, #tpu.memory_space<hbm>>) target(%dma_start3A_201 : memref<80x64xf32, #tpu.memory_space<vmem>>) offsets(%dma_start3A_204 : memref<80xi32, #tpu.memory_space<vmem>>) semaphore(%arg12 : memref<!tpu.dma_semaphore, #tpu.memory_space<semaphore_mem>>)
    %add3A_208 = arith.constant 1 : i32
    %add3A_209 = arith.addi %mul3A_2, %add3A_208 : i32
    %dma_start3A_210 = arith.constant 1 : i32
    %dma_start3A_211 = arith.constant 0 : i32
    %dma_start3A_212 = arith.constant 0 : i32
    %dma_start3A_213 = tpu.memref_slice %arg9[%dma_start3A_210, %dma_start3A_211, %dma_start3A_212] : memref<5x40x128xf32, #tpu.memory_space<vmem>> -> memref<1x40x128xf32, #tpu.memory_space<vmem>>
    %dma_start3A_214 = tpu.memref_squeeze %dma_start3A_213 : memref<1x40x128xf32, #tpu.memory_space<vmem>> -> memref<40x128xf32, #tpu.memory_space<vmem>>
    %dma_start3A_215 = arith.constant 0 : i32
    %dma_start3A_216 = arith.constant 0 : i32
    %dma_start3A_217 = tpu.memref_slice %arg3[%add3A_209, %dma_start3A_215, %dma_start3A_216] : memref<4000x40x128xf32, #tpu.memory_space<hbm>> -> memref<1x40x128xf32, #tpu.memory_space<hbm>>
    %dma_start3A_218 = tpu.memref_squeeze %dma_start3A_217 : memref<1x40x128xf32, #tpu.memory_space<hbm>> -> memref<40x128xf32, #tpu.memory_space<hbm>>
    %dma_start3A_219 = arith.constant 0 : i32
    %dma_start3A_220 = arith.constant 0 : i32
    %dma_start3A_221 = tpu.memref_slice %arg9[%dma_start3A_210, %dma_start3A_219, %dma_start3A_220] : memref<5x40x128xf32, #tpu.memory_space<vmem>> -> memref<1x40x128xf32, #tpu.memory_space<vmem>>
    %dma_start3A_222 = tpu.memref_squeeze %dma_start3A_221 : memref<1x40x128xf32, #tpu.memory_space<vmem>> -> memref<40x128xf32, #tpu.memory_space<vmem>>
    %dma_start3A_223 = arith.constant 0 : i32
    %dma_start3A_224 = arith.constant 0 : i32
    %dma_start3A_225 = tpu.memref_slice %arg3[%add3A_209, %dma_start3A_223, %dma_start3A_224] : memref<4000x40x128xf32, #tpu.memory_space<hbm>> -> memref<1x40x128xf32, #tpu.memory_space<hbm>>
    %dma_start3A_226 = tpu.memref_squeeze %dma_start3A_225 : memref<1x40x128xf32, #tpu.memory_space<hbm>> -> memref<40x128xf32, #tpu.memory_space<hbm>>
    tpu.enqueue_dma source(%dma_start3A_226 : memref<40x128xf32, #tpu.memory_space<hbm>>) target(%dma_start3A_222 : memref<40x128xf32, #tpu.memory_space<vmem>>) target_semaphore(%arg12 : memref<!tpu.dma_semaphore, #tpu.memory_space<semaphore_mem>>)
    %scan3A_227 = arith.constant 0 : i32
    %scan3A_228 = arith.constant 0 : i32
    %scan3A_229 = arith.constant 25 : i32
    %scan3A_230 = arith.addi %scan3A_228, %scan3A_229 : i32
    %scan3A_231 = arith.constant 1 : i32
    scf.for %scan3A_237 = %scan3A_228 to %scan3A_230 step %scan3A_231  : i32 {
      %mul3A_238 = arith.constant 5 : i32
      %mul3A_239 = arith.muli %scan3A_237, %mul3A_238 : i32
      %add3A_240 = arith.constant 0 : i32
      %add3A_241 = arith.addi %mul3A_239, %add3A_240 : i32
      %dma_wait3A_242 = arith.constant 0 : i32
      %dma_wait3A_243 = arith.constant 0 : i32
      %dma_wait3A_244 = arith.constant 0 : i32
      %dma_wait3A_245 = tpu.memref_slice %arg8[%dma_wait3A_242, %dma_wait3A_243, %dma_wait3A_244] : memref<5x80x64xf32, #tpu.memory_space<vmem>> -> memref<1x80x64xf32, #tpu.memory_space<vmem>>
      %dma_wait3A_246 = tpu.memref_squeeze %dma_wait3A_245 : memref<1x80x64xf32, #tpu.memory_space<vmem>> -> memref<80x64xf32, #tpu.memory_space<vmem>>
      %dma_wait3A_247 = arith.constant 0 : i32
      %dma_wait3A_248 = arith.constant 0 : i32
      %dma_wait3A_249 = tpu.memref_slice %arg2[%dma_wait3A_247, %dma_wait3A_248] : memref<10000x64xf32, #tpu.memory_space<hbm>> -> memref<80x64xf32, #tpu.memory_space<hbm>>
      %dma_wait3A_250 = arith.constant 0 : i32
      %dma_wait3A_251 = arith.constant 0 : i32
      %dma_wait3A_252 = tpu.memref_slice %arg8[%dma_wait3A_242, %dma_wait3A_250, %dma_wait3A_251] : memref<5x80x64xf32, #tpu.memory_space<vmem>> -> memref<1x80x64xf32, #tpu.memory_space<vmem>>
      %dma_wait3A_253 = tpu.memref_squeeze %dma_wait3A_252 : memref<1x80x64xf32, #tpu.memory_space<vmem>> -> memref<80x64xf32, #tpu.memory_space<vmem>>
      %dma_wait3A_254 = arith.constant 0 : i32
      %dma_wait3A_255 = arith.constant 0 : i32
      %dma_wait3A_256 = tpu.memref_slice %arg2[%dma_wait3A_254, %dma_wait3A_255] : memref<10000x64xf32, #tpu.memory_space<hbm>> -> memref<80x64xf32, #tpu.memory_space<hbm>>
      tpu.wait_dma2 semaphore(%arg11 : memref<!tpu.dma_semaphore, #tpu.memory_space<semaphore_mem>>) src(%dma_wait3A_256 : memref<80x64xf32, #tpu.memory_space<hbm>>) dst(%dma_wait3A_253 : memref<80x64xf32, #tpu.memory_space<vmem>>)
      %dma_wait3A_257 = arith.constant 0 : i32
      %dma_wait3A_258 = arith.constant 0 : i32
      %dma_wait3A_259 = arith.constant 0 : i32
      %dma_wait3A_260 = arith.constant 0 : i32
      %dma_wait3A_261 = tpu.memref_slice %arg9[%dma_wait3A_258, %dma_wait3A_259, %dma_wait3A_260] : memref<5x40x128xf32, #tpu.memory_space<vmem>> -> memref<1x40x128xf32, #tpu.memory_space<vmem>>
      %dma_wait3A_262 = tpu.memref_squeeze %dma_wait3A_261 : memref<1x40x128xf32, #tpu.memory_space<vmem>> -> memref<40x128xf32, #tpu.memory_space<vmem>>
      %dma_wait3A_263 = arith.constant 0 : i32
      %dma_wait3A_264 = arith.constant 0 : i32
      %dma_wait3A_265 = tpu.memref_slice %arg3[%dma_wait3A_257, %dma_wait3A_263, %dma_wait3A_264] : memref<4000x40x128xf32, #tpu.memory_space<hbm>> -> memref<1x40x128xf32, #tpu.memory_space<hbm>>
      %dma_wait3A_266 = tpu.memref_squeeze %dma_wait3A_265 : memref<1x40x128xf32, #tpu.memory_space<hbm>> -> memref<40x128xf32, #tpu.memory_space<hbm>>
      %dma_wait3A_267 = arith.constant 0 : i32
      %dma_wait3A_268 = arith.constant 0 : i32
      %dma_wait3A_269 = tpu.memref_slice %arg9[%dma_wait3A_258, %dma_wait3A_267, %dma_wait3A_268] : memref<5x40x128xf32, #tpu.memory_space<vmem>> -> memref<1x40x128xf32, #tpu.memory_space<vmem>>
      %dma_wait3A_270 = tpu.memref_squeeze %dma_wait3A_269 : memref<1x40x128xf32, #tpu.memory_space<vmem>> -> memref<40x128xf32, #tpu.memory_space<vmem>>
      %dma_wait3A_271 = arith.constant 0 : i32
      %dma_wait3A_272 = arith.constant 0 : i32
      %dma_wait3A_273 = tpu.memref_slice %arg3[%dma_wait3A_257, %dma_wait3A_271, %dma_wait3A_272] : memref<4000x40x128xf32, #tpu.memory_space<hbm>> -> memref<1x40x128xf32, #tpu.memory_space<hbm>>
      %dma_wait3A_274 = tpu.memref_squeeze %dma_wait3A_273 : memref<1x40x128xf32, #tpu.memory_space<hbm>> -> memref<40x128xf32, #tpu.memory_space<hbm>>
      tpu.wait_dma2 semaphore(%arg11 : memref<!tpu.dma_semaphore, #tpu.memory_space<semaphore_mem>>) src(%dma_wait3A_274 : memref<40x128xf32, #tpu.memory_space<hbm>>) dst(%dma_wait3A_270 : memref<40x128xf32, #tpu.memory_space<vmem>>)
      %scan3A_275 = arith.constant 0 : i32
      %scan3A_276 = arith.constant 0 : i32
      %scan3A_277 = arith.constant 40 : i32
      %scan3A_278 = arith.addi %scan3A_276, %scan3A_277 : i32
      %scan3A_279 = arith.constant 1 : i32
      scf.for %scan3A_650 = %scan3A_276 to %scan3A_278 step %scan3A_279  : i32 {
        %add3A_651 = arith.constant 0 : i32
        %add3A_652 = arith.addi %add3A_651, %scan3A_650 : i32
        %get3A = arith.constant 0 : i32
        %get3A_653 = arith.index_cast %get3A : i32 to index
        %get3A_654 = arith.index_cast %add3A_652 : i32 to index
        %get3A_655 = arith.constant 0 : index
        %get3A_656 = tpu.vector_load %arg8[%get3A_653, %get3A_654, %get3A_655] {strides = array<i32>} : memref<5x80x64xf32, #tpu.memory_space<vmem>>, vector<1x1x16xf32>,
        %get3A_657 = vector.shape_cast %get3A_656 : vector<1x1x16xf32> to vector<16xf32>
        %get3A_658 = arith.constant 0 : i32
        %get3A_659 = arith.index_cast %get3A_658 : i32 to index
        %get3A_660 = arith.index_cast %scan3A_650 : i32 to index
        %get3A_661 = arith.constant 0 : index
        %get3A_662 = tpu.vector_load %arg9[%get3A_659, %get3A_660, %get3A_661] {strides = array<i32>} : memref<5x40x128xf32, #tpu.memory_space<vmem>>, vector<1x1x16xf32>,
        %get3A_663 = vector.shape_cast %get3A_662 : vector<1x1x16xf32> to vector<16xf32>
        %add3A_664 = arith.addf %get3A_657, %get3A_663 : vector<16xf32>
        %max3A = arith.constant 0.000000e+00 : f32
        %max3A_665 = vector.broadcast %max3A : f32 to vector<16xf32>
        %max3A_666 = arith.maximumf %add3A_664, %max3A_665 : vector<16xf32>
        %add3A_667 = arith.constant 0 : i32
        %add3A_668 = arith.addi %add3A_667, %scan3A_650 : i32
        %swap3A = arith.constant 0 : i32
        %swap3A_669 = arith.index_cast %swap3A : i32 to index
        %swap3A_670 = arith.index_cast %add3A_668 : i32 to index
        %swap3A_671 = arith.constant 0 : index
        %swap3A_672 = tpu.vector_load %arg8[%swap3A_669, %swap3A_670, %swap3A_671] {strides = array<i32>} : memref<5x80x64xf32, #tpu.memory_space<vmem>>, vector<1x1x16xf32>,
        %swap3A_673 = vector.shape_cast %swap3A_672 : vector<1x1x16xf32> to vector<16xf32>
        %swap3A_674 = vector.shape_cast %max3A_666 : vector<16xf32> to vector<1x1x16xf32>
        tpu.vector_store %arg8[%swap3A_669, %swap3A_670, %swap3A_671], %swap3A_674 {strides = array<i32>} : memref<5x80x64xf32, #tpu.memory_space<vmem>>, vector<1x1x16xf32>,
        %add3A_675 = arith.constant 0 : i32
        %add3A_676 = arith.addi %add3A_675, %scan3A_650 : i32
        %get3A_677 = arith.constant 0 : i32
        %get3A_678 = arith.index_cast %get3A_677 : i32 to index
        %get3A_679 = arith.index_cast %add3A_676 : i32 to index
        %get3A_680 = arith.constant 16 : index
        %get3A_681 = tpu.vector_load %arg8[%get3A_678, %get3A_679, %get3A_680] {strides = array<i32>} : memref<5x80x64xf32, #tpu.memory_space<vmem>>, vector<1x1x16xf32>,
        %get3A_682 = vector.shape_cast %get3A_681 : vector<1x1x16xf32> to vector<16xf32>
        %get3A_683 = arith.constant 0 : i32
        %get3A_684 = arith.index_cast %get3A_683 : i32 to index
        %get3A_685 = arith.index_cast %scan3A_650 : i32 to index
        %get3A_686 = arith.constant 16 : index
        %get3A_687 = tpu.vector_load %arg9[%get3A_684, %get3A_685, %get3A_686] {strides = array<i32>} : memref<5x40x128xf32, #tpu.memory_space<vmem>>, vector<1x1x16xf32>,
        %get3A_688 = vector.shape_cast %get3A_687 : vector<1x1x16xf32> to vector<16xf32>
        %add3A_689 = arith.addf %get3A_682, %get3A_688 : vector<16xf32>
        %max3A_690 = arith.constant 0.000000e+00 : f32
        %max3A_691 = vector.broadcast %max3A_690 : f32 to vector<16xf32>
        %max3A_692 = arith.maximumf %add3A_689, %max3A_691 : vector<16xf32>
        %add3A_693 = arith.constant 0 : i32
        %add3A_694 = arith.addi %add3A_693, %scan3A_650 : i32
        %swap3A_695 = arith.constant 0 : i32
        %swap3A_696 = arith.index_cast %swap3A_695 : i32 to index
        %swap3A_697 = arith.index_cast %add3A_694 : i32 to index
        %swap3A_698 = arith.constant 16 : index
        %swap3A_699 = tpu.vector_load %arg8[%swap3A_696, %swap3A_697, %swap3A_698] {strides = array<i32>} : memref<5x80x64xf32, #tpu.memory_space<vmem>>, vector<1x1x16xf32>,
        %swap3A_700 = vector.shape_cast %swap3A_699 : vector<1x1x16xf32> to vector<16xf32>
        %swap3A_701 = vector.shape_cast %max3A_692 : vector<16xf32> to vector<1x1x16xf32>
        tpu.vector_store %arg8[%swap3A_696, %swap3A_697, %swap3A_698], %swap3A_701 {strides = array<i32>} : memref<5x80x64xf32, #tpu.memory_space<vmem>>, vector<1x1x16xf32>,
        %add3A_702 = arith.constant 0 : i32
        %add3A_703 = arith.addi %add3A_702, %scan3A_650 : i32
        %get3A_704 = arith.constant 0 : i32
        %get3A_705 = arith.index_cast %get3A_704 : i32 to index
        %get3A_706 = arith.index_cast %add3A_703 : i32 to index
        %get3A_707 = arith.constant 32 : index
        %get3A_708 = tpu.vector_load %arg8[%get3A_705, %get3A_706, %get3A_707] {strides = array<i32>} : memref<5x80x64xf32, #tpu.memory_space<vmem>>, vector<1x1x16xf32>,
        %get3A_709 = vector.shape_cast %get3A_708 : vector<1x1x16xf32> to vector<16xf32>
        %get3A_710 = arith.constant 0 : i32
        %get3A_711 = arith.index_cast %get3A_710 : i32 to index
        %get3A_712 = arith.index_cast %scan3A_650 : i32 to index
        %get3A_713 = arith.constant 32 : index
        %get3A_714 = tpu.vector_load %arg9[%get3A_711, %get3A_712, %get3A_713] {strides = array<i32>} : memref<5x40x128xf32, #tpu.memory_space<vmem>>, vector<1x1x16xf32>,
        %get3A_715 = vector.shape_cast %get3A_714 : vector<1x1x16xf32> to vector<16xf32>
        %add3A_716 = arith.addf %get3A_709, %get3A_715 : vector<16xf32>
        %max3A_717 = arith.constant 0.000000e+00 : f32
        %max3A_718 = vector.broadcast %max3A_717 : f32 to vector<16xf32>
        %max3A_719 = arith.maximumf %add3A_716, %max3A_718 : vector<16xf32>
        %add3A_720 = arith.constant 0 : i32
        %add3A_721 = arith.addi %add3A_720, %scan3A_650 : i32
        %swap3A_722 = arith.constant 0 : i32
        %swap3A_723 = arith.index_cast %swap3A_722 : i32 to index
        %swap3A_724 = arith.index_cast %add3A_721 : i32 to index
        %swap3A_725 = arith.constant 32 : index
        %swap3A_726 = tpu.vector_load %arg8[%swap3A_723, %swap3A_724, %swap3A_725] {strides = array<i32>} : memref<5x80x64xf32, #tpu.memory_space<vmem>>, vector<1x1x16xf32>,
        %swap3A_727 = vector.shape_cast %swap3A_726 : vector<1x1x16xf32> to vector<16xf32>
        %swap3A_728 = vector.shape_cast %max3A_719 : vector<16xf32> to vector<1x1x16xf32>
        tpu.vector_store %arg8[%swap3A_723, %swap3A_724, %swap3A_725], %swap3A_728 {strides = array<i32>} : memref<5x80x64xf32, #tpu.memory_space<vmem>>, vector<1x1x16xf32>,
        %add3A_729 = arith.constant 0 : i32
        %add3A_730 = arith.addi %add3A_729, %scan3A_650 : i32
        %get3A_731 = arith.constant 0 : i32
        %get3A_732 = arith.index_cast %get3A_731 : i32 to index
        %get3A_733 = arith.index_cast %add3A_730 : i32 to index
        %get3A_734 = arith.constant 48 : index
        %get3A_735 = tpu.vector_load %arg8[%get3A_732, %get3A_733, %get3A_734] {strides = array<i32>} : memref<5x80x64xf32, #tpu.memory_space<vmem>>, vector<1x1x16xf32>,
        %get3A_736 = vector.shape_cast %get3A_735 : vector<1x1x16xf32> to vector<16xf32>
        %get3A_737 = arith.constant 0 : i32
        %get3A_738 = arith.index_cast %get3A_737 : i32 to index
        %get3A_739 = arith.index_cast %scan3A_650 : i32 to index
        %get3A_740 = arith.constant 48 : index
        %get3A_741 = tpu.vector_load %arg9[%get3A_738, %get3A_739, %get3A_740] {strides = array<i32>} : memref<5x40x128xf32, #tpu.memory_space<vmem>>, vector<1x1x16xf32>,
        %get3A_742 = vector.shape_cast %get3A_741 : vector<1x1x16xf32> to vector<16xf32>
        %add3A_743 = arith.addf %get3A_736, %get3A_742 : vector<16xf32>
        %max3A_744 = arith.constant 0.000000e+00 : f32
        %max3A_745 = vector.broadcast %max3A_744 : f32 to vector<16xf32>
        %max3A_746 = arith.maximumf %add3A_743, %max3A_745 : vector<16xf32>
        %add3A_747 = arith.constant 0 : i32
        %add3A_748 = arith.addi %add3A_747, %scan3A_650 : i32
        %swap3A_749 = arith.constant 0 : i32
        %swap3A_750 = arith.index_cast %swap3A_749 : i32 to index
        %swap3A_751 = arith.index_cast %add3A_748 : i32 to index
        %swap3A_752 = arith.constant 48 : index
        %swap3A_753 = tpu.vector_load %arg8[%swap3A_750, %swap3A_751, %swap3A_752] {strides = array<i32>} : memref<5x80x64xf32, #tpu.memory_space<vmem>>, vector<1x1x16xf32>,
        %swap3A_754 = vector.shape_cast %swap3A_753 : vector<1x1x16xf32> to vector<16xf32>
        %swap3A_755 = vector.shape_cast %max3A_746 : vector<16xf32> to vector<1x1x16xf32>
        tpu.vector_store %arg8[%swap3A_750, %swap3A_751, %swap3A_752], %swap3A_755 {strides = array<i32>} : memref<5x80x64xf32, #tpu.memory_space<vmem>>, vector<1x1x16xf32>,
        %add3A_756 = arith.constant 40 : i32
        %add3A_757 = arith.addi %add3A_756, %scan3A_650 : i32
        %get3A_758 = arith.constant 0 : i32
        %get3A_759 = arith.index_cast %get3A_758 : i32 to index
        %get3A_760 = arith.index_cast %add3A_757 : i32 to index
        %get3A_761 = arith.constant 0 : index
        %get3A_762 = tpu.vector_load %arg8[%get3A_759, %get3A_760, %get3A_761] {strides = array<i32>} : memref<5x80x64xf32, #tpu.memory_space<vmem>>, vector<1x1x16xf32>,
        %get3A_763 = vector.shape_cast %get3A_762 : vector<1x1x16xf32> to vector<16xf32>
        %get3A_764 = arith.constant 0 : i32
        %get3A_765 = arith.index_cast %get3A_764 : i32 to index
        %get3A_766 = arith.index_cast %scan3A_650 : i32 to index
        %get3A_767 = arith.constant 64 : index
        %get3A_768 = tpu.vector_load %arg9[%get3A_765, %get3A_766, %get3A_767] {strides = array<i32>} : memref<5x40x128xf32, #tpu.memory_space<vmem>>, vector<1x1x16xf32>,
        %get3A_769 = vector.shape_cast %get3A_768 : vector<1x1x16xf32> to vector<16xf32>
        %add3A_770 = arith.addf %get3A_763, %get3A_769 : vector<16xf32>
        %max3A_771 = arith.constant 0.000000e+00 : f32
        %max3A_772 = vector.broadcast %max3A_771 : f32 to vector<16xf32>
        %max3A_773 = arith.maximumf %add3A_770, %max3A_772 : vector<16xf32>
        %add3A_774 = arith.constant 40 : i32
        %add3A_775 = arith.addi %add3A_774, %scan3A_650 : i32
        %swap3A_776 = arith.constant 0 : i32
        %swap3A_777 = arith.index_cast %swap3A_776 : i32 to index
        %swap3A_778 = arith.index_cast %add3A_775 : i32 to index
        %swap3A_779 = arith.constant 0 : index
        %swap3A_780 = tpu.vector_load %arg8[%swap3A_777, %swap3A_778, %swap3A_779] {strides = array<i32>} : memref<5x80x64xf32, #tpu.memory_space<vmem>>, vector<1x1x16xf32>,
        %swap3A_781 = vector.shape_cast %swap3A_780 : vector<1x1x16xf32> to vector<16xf32>
        %swap3A_782 = vector.shape_cast %max3A_773 : vector<16xf32> to vector<1x1x16xf32>
        tpu.vector_store %arg8[%swap3A_777, %swap3A_778, %swap3A_779], %swap3A_782 {strides = array<i32>} : memref<5x80x64xf32, #tpu.memory_space<vmem>>, vector<1x1x16xf32>,
        %add3A_783 = arith.constant 40 : i32
        %add3A_784 = arith.addi %add3A_783, %scan3A_650 : i32
        %get3A_785 = arith.constant 0 : i32
        %get3A_786 = arith.index_cast %get3A_785 : i32 to index
        %get3A_787 = arith.index_cast %add3A_784 : i32 to index
        %get3A_788 = arith.constant 16 : index
        %get3A_789 = tpu.vector_load %arg8[%get3A_786, %get3A_787, %get3A_788] {strides = array<i32>} : memref<5x80x64xf32, #tpu.memory_space<vmem>>, vector<1x1x16xf32>,
        %get3A_790 = vector.shape_cast %get3A_789 : vector<1x1x16xf32> to vector<16xf32>
        %get3A_791 = arith.constant 0 : i32
        %get3A_792 = arith.index_cast %get3A_791 : i32 to index
        %get3A_793 = arith.index_cast %scan3A_650 : i32 to index
        %get3A_794 = arith.constant 80 : index
        %get3A_795 = tpu.vector_load %arg9[%get3A_792, %get3A_793, %get3A_794] {strides = array<i32>} : memref<5x40x128xf32, #tpu.memory_space<vmem>>, vector<1x1x16xf32>,
        %get3A_796 = vector.shape_cast %get3A_795 : vector<1x1x16xf32> to vector<16xf32>
        %add3A_797 = arith.addf %get3A_790, %get3A_796 : vector<16xf32>
        %max3A_798 = arith.constant 0.000000e+00 : f32
        %max3A_799 = vector.broadcast %max3A_798 : f32 to vector<16xf32>
        %max3A_800 = arith.maximumf %add3A_797, %max3A_799 : vector<16xf32>
        %add3A_801 = arith.constant 40 : i32
        %add3A_802 = arith.addi %add3A_801, %scan3A_650 : i32
        %swap3A_803 = arith.constant 0 : i32
        %swap3A_804 = arith.index_cast %swap3A_803 : i32 to index
        %swap3A_805 = arith.index_cast %add3A_802 : i32 to index
        %swap3A_806 = arith.constant 16 : index
        %swap3A_807 = tpu.vector_load %arg8[%swap3A_804, %swap3A_805, %swap3A_806] {strides = array<i32>} : memref<5x80x64xf32, #tpu.memory_space<vmem>>, vector<1x1x16xf32>,
        %swap3A_808 = vector.shape_cast %swap3A_807 : vector<1x1x16xf32> to vector<16xf32>
        %swap3A_809 = vector.shape_cast %max3A_800 : vector<16xf32> to vector<1x1x16xf32>
        tpu.vector_store %arg8[%swap3A_804, %swap3A_805, %swap3A_806], %swap3A_809 {strides = array<i32>} : memref<5x80x64xf32, #tpu.memory_space<vmem>>, vector<1x1x16xf32>,
        %add3A_810 = arith.constant 40 : i32
        %add3A_811 = arith.addi %add3A_810, %scan3A_650 : i32
        %get3A_812 = arith.constant 0 : i32
        %get3A_813 = arith.index_cast %get3A_812 : i32 to index
        %get3A_814 = arith.index_cast %add3A_811 : i32 to index
        %get3A_815 = arith.constant 32 : index
        %get3A_816 = tpu.vector_load %arg8[%get3A_813, %get3A_814, %get3A_815] {strides = array<i32>} : memref<5x80x64xf32, #tpu.memory_space<vmem>>, vector<1x1x16xf32>,
        %get3A_817 = vector.shape_cast %get3A_816 : vector<1x1x16xf32> to vector<16xf32>
        %get3A_818 = arith.constant 0 : i32
        %get3A_819 = arith.index_cast %get3A_818 : i32 to index
        %get3A_820 = arith.index_cast %scan3A_650 : i32 to index
        %get3A_821 = arith.constant 96 : index
        %get3A_822 = tpu.vector_load %arg9[%get3A_819, %get3A_820, %get3A_821] {strides = array<i32>} : memref<5x40x128xf32, #tpu.memory_space<vmem>>, vector<1x1x16xf32>,
        %get3A_823 = vector.shape_cast %get3A_822 : vector<1x1x16xf32> to vector<16xf32>
        %add3A_824 = arith.addf %get3A_817, %get3A_823 : vector<16xf32>
        %max3A_825 = arith.constant 0.000000e+00 : f32
        %max3A_826 = vector.broadcast %max3A_825 : f32 to vector<16xf32>
        %max3A_827 = arith.maximumf %add3A_824, %max3A_826 : vector<16xf32>
        %add3A_828 = arith.constant 40 : i32
        %add3A_829 = arith.addi %add3A_828, %scan3A_650 : i32
        %swap3A_830 = arith.constant 0 : i32
        %swap3A_831 = arith.index_cast %swap3A_830 : i32 to index
        %swap3A_832 = arith.index_cast %add3A_829 : i32 to index
        %swap3A_833 = arith.constant 32 : index
        %swap3A_834 = tpu.vector_load %arg8[%swap3A_831, %swap3A_832, %swap3A_833] {strides = array<i32>} : memref<5x80x64xf32, #tpu.memory_space<vmem>>, vector<1x1x16xf32>,
        %swap3A_835 = vector.shape_cast %swap3A_834 : vector<1x1x16xf32> to vector<16xf32>
        %swap3A_836 = vector.shape_cast %max3A_827 : vector<16xf32> to vector<1x1x16xf32>
        tpu.vector_store %arg8[%swap3A_831, %swap3A_832, %swap3A_833], %swap3A_836 {strides = array<i32>} : memref<5x80x64xf32, #tpu.memory_space<vmem>>, vector<1x1x16xf32>,
        %add3A_837 = arith.constant 40 : i32
        %add3A_838 = arith.addi %add3A_837, %scan3A_650 : i32
        %get3A_839 = arith.constant 0 : i32
        %get3A_840 = arith.index_cast %get3A_839 : i32 to index
        %get3A_841 = arith.index_cast %add3A_838 : i32 to index
        %get3A_842 = arith.constant 48 : index
        %get3A_843 = tpu.vector_load %arg8[%get3A_840, %get3A_841, %get3A_842] {strides = array<i32>} : memref<5x80x64xf32, #tpu.memory_space<vmem>>, vector<1x1x16xf32>,
        %get3A_844 = vector.shape_cast %get3A_843 : vector<1x1x16xf32> to vector<16xf32>
        %get3A_845 = arith.constant 0 : i32
        %get3A_846 = arith.index_cast %get3A_845 : i32 to index
        %get3A_847 = arith.index_cast %scan3A_650 : i32 to index
        %get3A_848 = arith.constant 112 : index
        %get3A_849 = tpu.vector_load %arg9[%get3A_846, %get3A_847, %get3A_848] {strides = array<i32>} : memref<5x40x128xf32, #tpu.memory_space<vmem>>, vector<1x1x16xf32>,
        %get3A_850 = vector.shape_cast %get3A_849 : vector<1x1x16xf32> to vector<16xf32>
        %add3A_851 = arith.addf %get3A_844, %get3A_850 : vector<16xf32>
        %max3A_852 = arith.constant 0.000000e+00 : f32
        %max3A_853 = vector.broadcast %max3A_852 : f32 to vector<16xf32>
        %max3A_854 = arith.maximumf %add3A_851, %max3A_853 : vector<16xf32>
        %add3A_855 = arith.constant 40 : i32
        %add3A_856 = arith.addi %add3A_855, %scan3A_650 : i32
        %swap3A_857 = arith.constant 0 : i32
        %swap3A_858 = arith.index_cast %swap3A_857 : i32 to index
        %swap3A_859 = arith.index_cast %add3A_856 : i32 to index
        %swap3A_860 = arith.constant 48 : index
        %swap3A_861 = tpu.vector_load %arg8[%swap3A_858, %swap3A_859, %swap3A_860] {strides = array<i32>} : memref<5x80x64xf32, #tpu.memory_space<vmem>>, vector<1x1x16xf32>,
        %swap3A_862 = vector.shape_cast %swap3A_861 : vector<1x1x16xf32> to vector<16xf32>
        %swap3A_863 = vector.shape_cast %max3A_854 : vector<16xf32> to vector<1x1x16xf32>
        tpu.vector_store %arg8[%swap3A_858, %swap3A_859, %swap3A_860], %swap3A_863 {strides = array<i32>} : memref<5x80x64xf32, #tpu.memory_space<vmem>>, vector<1x1x16xf32>,
      }
      %scan3A_280 = arith.constant 40 : i32
      %dma_start3A_281 = arith.constant 0 : i32
      %dma_start3A_282 = arith.constant 0 : i32
      %dma_start3A_283 = arith.constant 1 : i32
      %dma_start3A_284 = arith.constant 0 : i32
      %dma_start3A_285 = arith.constant 0 : i32
      %dma_start3A_286 = tpu.memref_slice %arg8[%dma_start3A_281, %dma_start3A_284, %dma_start3A_285] : memref<5x80x64xf32, #tpu.memory_space<vmem>> -> memref<1x80x64xf32, #tpu.memory_space<vmem>>
      %dma_start3A_287 = tpu.memref_squeeze %dma_start3A_286 : memref<1x80x64xf32, #tpu.memory_space<vmem>> -> memref<80x64xf32, #tpu.memory_space<vmem>>
      %dma_start3A_288 = arith.constant 0 : i32
      %dma_start3A_289 = tpu.memref_slice %arg7[%dma_start3A_282, %dma_start3A_283, %dma_start3A_288] : memref<5x2x80xi32, #tpu.memory_space<vmem>> -> memref<1x1x80xi32, #tpu.memory_space<vmem>>
      %dma_start3A_290 = tpu.memref_squeeze %dma_start3A_289 : memref<1x1x80xi32, #tpu.memory_space<vmem>> -> memref<80xi32, #tpu.memory_space<vmem>>
      %dma_start3A_291 = arith.constant 0 : i32
      %dma_start3A_292 = arith.constant 0 : i32
      %dma_start3A_293 = tpu.memref_slice %arg10[%dma_start3A_291, %dma_start3A_292] : memref<10000x64xf32, #tpu.memory_space<vmem_shared>> -> memref<10000x64xf32, #tpu.memory_space<vmem_shared>>
      tpu.enqueue_indirect_dma source(%dma_start3A_287 : memref<80x64xf32, #tpu.memory_space<vmem>>) target(%dma_start3A_293 : memref<10000x64xf32, #tpu.memory_space<vmem_shared>>) offsets(%dma_start3A_290 : memref<80xi32, #tpu.memory_space<vmem>>) semaphore(%arg21 : memref<!tpu.dma_semaphore, #tpu.memory_space<semaphore_mem>>) {add = true}
      %add3A_294 = arith.constant 2 : i32
      %add3A_295 = arith.addi %add3A_241, %add3A_294 : i32
      %lt3A = arith.constant 125 : i32
      %lt3A_296 = arith.cmpi slt, %add3A_295, %lt3A : i32
      %convert_element_type3A = arith.extui %lt3A_296 : i1 to i32
      %cond3A = arith.constant 0 : i32
      %cond3A_297 = arith.cmpi ne, %convert_element_type3A, %cond3A : i32
      scf.if %cond3A_297 {
        %dma_wait3A_650 = arith.constant 2 : i32
        %dma_wait3A_651 = arith.constant 0 : i32
        %dma_wait3A_652 = arith.constant 0 : i32
        %dma_wait3A_653 = tpu.memref_slice %arg7[%dma_wait3A_650, %dma_wait3A_651, %dma_wait3A_652] : memref<5x2x80xi32, #tpu.memory_space<vmem>> -> memref<1x1x80xi32, #tpu.memory_space<vmem>>
        %dma_wait3A_654 = tpu.memref_squeeze %dma_wait3A_653 : memref<1x1x80xi32, #tpu.memory_space<vmem>> -> memref<80xi32, #tpu.memory_space<vmem>>
        %dma_wait3A_655 = arith.constant 0 : i32
        %dma_wait3A_656 = tpu.memref_slice %arg4[%dma_wait3A_655] : memref<320000xi32, #tpu.memory_space<hbm>> -> memref<80xi32, #tpu.memory_space<hbm>>
        %dma_wait3A_657 = arith.constant 0 : i32
        %dma_wait3A_658 = tpu.memref_slice %arg7[%dma_wait3A_650, %dma_wait3A_651, %dma_wait3A_657] : memref<5x2x80xi32, #tpu.memory_space<vmem>> -> memref<1x1x80xi32, #tpu.memory_space<vmem>>
        %dma_wait3A_659 = tpu.memref_squeeze %dma_wait3A_658 : memref<1x1x80xi32, #tpu.memory_space<vmem>> -> memref<80xi32, #tpu.memory_space<vmem>>
        %dma_wait3A_660 = arith.constant 0 : i32
        %dma_wait3A_661 = tpu.memref_slice %arg4[%dma_wait3A_660] : memref<320000xi32, #tpu.memory_space<hbm>> -> memref<80xi32, #tpu.memory_space<hbm>>
        tpu.wait_dma2 semaphore(%arg18 : memref<!tpu.dma_semaphore, #tpu.memory_space<semaphore_mem>>) src(%dma_wait3A_661 : memref<80xi32, #tpu.memory_space<hbm>>) dst(%dma_wait3A_659 : memref<80xi32, #tpu.memory_space<vmem>>)
        %dma_wait3A_662 = arith.constant 2 : i32
        %dma_wait3A_663 = arith.constant 1 : i32
        %dma_wait3A_664 = arith.constant 0 : i32
        %dma_wait3A_665 = tpu.memref_slice %arg7[%dma_wait3A_662, %dma_wait3A_663, %dma_wait3A_664] : memref<5x2x80xi32, #tpu.memory_space<vmem>> -> memref<1x1x80xi32, #tpu.memory_space<vmem>>
        %dma_wait3A_666 = tpu.memref_squeeze %dma_wait3A_665 : memref<1x1x80xi32, #tpu.memory_space<vmem>> -> memref<80xi32, #tpu.memory_space<vmem>>
        %dma_wait3A_667 = arith.constant 0 : i32
        %dma_wait3A_668 = tpu.memref_slice %arg4[%dma_wait3A_667] : memref<320000xi32, #tpu.memory_space<hbm>> -> memref<80xi32, #tpu.memory_space<hbm>>
        %dma_wait3A_669 = arith.constant 0 : i32
        %dma_wait3A_670 = tpu.memref_slice %arg7[%dma_wait3A_662, %dma_wait3A_663, %dma_wait3A_669] : memref<5x2x80xi32, #tpu.memory_space<vmem>> -> memref<1x1x80xi32, #tpu.memory_space<vmem>>
        %dma_wait3A_671 = tpu.memref_squeeze %dma_wait3A_670 : memref<1x1x80xi32, #tpu.memory_space<vmem>> -> memref<80xi32, #tpu.memory_space<vmem>>
        %dma_wait3A_672 = arith.constant 0 : i32
        %dma_wait3A_673 = tpu.memref_slice %arg4[%dma_wait3A_672] : memref<320000xi32, #tpu.memory_space<hbm>> -> memref<80xi32, #tpu.memory_space<hbm>>
        tpu.wait_dma2 semaphore(%arg18 : memref<!tpu.dma_semaphore, #tpu.memory_space<semaphore_mem>>) src(%dma_wait3A_673 : memref<80xi32, #tpu.memory_space<hbm>>) dst(%dma_wait3A_671 : memref<80xi32, #tpu.memory_space<vmem>>)
        %add3A_674 = arith.constant 2 : i32
        %add3A_675 = arith.addi %add3A_241, %add3A_674 : i32
        %dma_start3A_676 = arith.constant 2 : i32
        %dma_start3A_677 = arith.constant 0 : i32
        %dma_start3A_678 = arith.constant 2 : i32
        %dma_start3A_679 = arith.constant 0 : i32
        %dma_start3A_680 = arith.constant 0 : i32
        %dma_start3A_681 = tpu.memref_slice %arg8[%dma_start3A_678, %dma_start3A_679, %dma_start3A_680] : memref<5x80x64xf32, #tpu.memory_space<vmem>> -> memref<1x80x64xf32, #tpu.memory_space<vmem>>
        %dma_start3A_682 = tpu.memref_squeeze %dma_start3A_681 : memref<1x80x64xf32, #tpu.memory_space<vmem>> -> memref<80x64xf32, #tpu.memory_space<vmem>>
        %dma_start3A_683 = arith.constant 0 : i32
        %dma_start3A_684 = tpu.memref_slice %arg7[%dma_start3A_676, %dma_start3A_677, %dma_start3A_683] : memref<5x2x80xi32, #tpu.memory_space<vmem>> -> memref<1x1x80xi32, #tpu.memory_space<vmem>>
        %dma_start3A_685 = tpu.memref_squeeze %dma_start3A_684 : memref<1x1x80xi32, #tpu.memory_space<vmem>> -> memref<80xi32, #tpu.memory_space<vmem>>
        %dma_start3A_686 = arith.constant 0 : i32
        %dma_start3A_687 = arith.constant 0 : i32
        %dma_start3A_688 = tpu.memref_slice %arg2[%dma_start3A_686, %dma_start3A_687] : memref<10000x64xf32, #tpu.memory_space<hbm>> -> memref<10000x64xf32, #tpu.memory_space<hbm>>
        tpu.enqueue_indirect_dma source(%dma_start3A_688 : memref<10000x64xf32, #tpu.memory_space<hbm>>) target(%dma_start3A_682 : memref<80x64xf32, #tpu.memory_space<vmem>>) offsets(%dma_start3A_685 : memref<80xi32, #tpu.memory_space<vmem>>) semaphore(%arg13 : memref<!tpu.dma_semaphore, #tpu.memory_space<semaphore_mem>>)
        %add3A_689 = arith.addi %mul3A_2, %add3A_675 : i32
        %dma_start3A_690 = arith.constant 2 : i32
        %dma_start3A_691 = arith.constant 0 : i32
        %dma_start3A_692 = arith.constant 0 : i32
        %dma_start3A_693 = tpu.memref_slice %arg9[%dma_start3A_690, %dma_start3A_691, %dma_start3A_692] : memref<5x40x128xf32, #tpu.memory_space<vmem>> -> memref<1x40x128xf32, #tpu.memory_space<vmem>>
        %dma_start3A_694 = tpu.memref_squeeze %dma_start3A_693 : memref<1x40x128xf32, #tpu.memory_space<vmem>> -> memref<40x128xf32, #tpu.memory_space<vmem>>
        %dma_start3A_695 = arith.constant 0 : i32
        %dma_start3A_696 = arith.constant 0 : i32
        %dma_start3A_697 = tpu.memref_slice %arg3[%add3A_689, %dma_start3A_695, %dma_start3A_696] : memref<4000x40x128xf32, #tpu.memory_space<hbm>> -> memref<1x40x128xf32, #tpu.memory_space<hbm>>
        %dma_start3A_698 = tpu.memref_squeeze %dma_start3A_697 : memref<1x40x128xf32, #tpu.memory_space<hbm>> -> memref<40x128xf32, #tpu.memory_space<hbm>>
        %dma_start3A_699 = arith.constant 0 : i32
        %dma_start3A_700 = arith.constant 0 : i32
        %dma_start3A_701 = tpu.memref_slice %arg9[%dma_start3A_690, %dma_start3A_699, %dma_start3A_700] : memref<5x40x128xf32, #tpu.memory_space<vmem>> -> memref<1x40x128xf32, #tpu.memory_space<vmem>>
        %dma_start3A_702 = tpu.memref_squeeze %dma_start3A_701 : memref<1x40x128xf32, #tpu.memory_space<vmem>> -> memref<40x128xf32, #tpu.memory_space<vmem>>
        %dma_start3A_703 = arith.constant 0 : i32
        %dma_start3A_704 = arith.constant 0 : i32
        %dma_start3A_705 = tpu.memref_slice %arg3[%add3A_689, %dma_start3A_703, %dma_start3A_704] : memref<4000x40x128xf32, #tpu.memory_space<hbm>> -> memref<1x40x128xf32, #tpu.memory_space<hbm>>
        %dma_start3A_706 = tpu.memref_squeeze %dma_start3A_705 : memref<1x40x128xf32, #tpu.memory_space<hbm>> -> memref<40x128xf32, #tpu.memory_space<hbm>>
        tpu.enqueue_dma source(%dma_start3A_706 : memref<40x128xf32, #tpu.memory_space<hbm>>) target(%dma_start3A_702 : memref<40x128xf32, #tpu.memory_space<vmem>>) target_semaphore(%arg13 : memref<!tpu.dma_semaphore, #tpu.memory_space<semaphore_mem>>)
      } else {
      }
      %add3A_298 = arith.constant 3 : i32
      %add3A_299 = arith.addi %add3A_241, %add3A_298 : i32
      %lt3A_300 = arith.constant 125 : i32
      %lt3A_301 = arith.cmpi slt, %add3A_299, %lt3A_300 : i32
      %convert_element_type3A_302 = arith.extui %lt3A_301 : i1 to i32
      %cond3A_303 = arith.constant 0 : i32
      %cond3A_304 = arith.cmpi ne, %convert_element_type3A_302, %cond3A_303 : i32
      scf.if %cond3A_304 {
        %add3A_650 = arith.constant 3 : i32
        %add3A_651 = arith.addi %add3A_241, %add3A_650 : i32
        %add3A_652 = arith.addi %mul3A_2, %add3A_651 : i32
        %mul3A_653 = arith.constant 80 : i32
        %mul3A_654 = arith.muli %add3A_652, %mul3A_653 : i32
        %dma_start3A_655 = arith.constant 3 : i32
        %dma_start3A_656 = arith.constant 0 : i32
        %dma_start3A_657 = arith.constant 0 : i32
        %dma_start3A_658 = tpu.memref_slice %arg7[%dma_start3A_655, %dma_start3A_656, %dma_start3A_657] : memref<5x2x80xi32, #tpu.memory_space<vmem>> -> memref<1x1x80xi32, #tpu.memory_space<vmem>>
        %dma_start3A_659 = tpu.memref_squeeze %dma_start3A_658 : memref<1x1x80xi32, #tpu.memory_space<vmem>> -> memref<80xi32, #tpu.memory_space<vmem>>
        %dma_start3A_660 = tpu.memref_slice %arg4[%mul3A_654] : memref<320000xi32, #tpu.memory_space<hbm>> -> memref<80xi32, #tpu.memory_space<hbm>>
        %dma_start3A_661 = arith.constant 0 : i32
        %dma_start3A_662 = tpu.memref_slice %arg7[%dma_start3A_655, %dma_start3A_656, %dma_start3A_661] : memref<5x2x80xi32, #tpu.memory_space<vmem>> -> memref<1x1x80xi32, #tpu.memory_space<vmem>>
        %dma_start3A_663 = tpu.memref_squeeze %dma_start3A_662 : memref<1x1x80xi32, #tpu.memory_space<vmem>> -> memref<80xi32, #tpu.memory_space<vmem>>
        %dma_start3A_664 = tpu.memref_slice %arg4[%mul3A_654] : memref<320000xi32, #tpu.memory_space<hbm>> -> memref<80xi32, #tpu.memory_space<hbm>>
        tpu.enqueue_dma source(%dma_start3A_664 : memref<80xi32, #tpu.memory_space<hbm>>) target(%dma_start3A_663 : memref<80xi32, #tpu.memory_space<vmem>>) target_semaphore(%arg19 : memref<!tpu.dma_semaphore, #tpu.memory_space<semaphore_mem>>)
        %add3A_665 = arith.addi %mul3A_2, %add3A_651 : i32
        %mul3A_666 = arith.constant 80 : i32
        %mul3A_667 = arith.muli %add3A_665, %mul3A_666 : i32
        %dma_start3A_668 = arith.constant 3 : i32
        %dma_start3A_669 = arith.constant 1 : i32
        %dma_start3A_670 = arith.constant 0 : i32
        %dma_start3A_671 = tpu.memref_slice %arg7[%dma_start3A_668, %dma_start3A_669, %dma_start3A_670] : memref<5x2x80xi32, #tpu.memory_space<vmem>> -> memref<1x1x80xi32, #tpu.memory_space<vmem>>
        %dma_start3A_672 = tpu.memref_squeeze %dma_start3A_671 : memref<1x1x80xi32, #tpu.memory_space<vmem>> -> memref<80xi32, #tpu.memory_space<vmem>>
        %dma_start3A_673 = tpu.memref_slice %arg5[%mul3A_667] : memref<320000xi32, #tpu.memory_space<hbm>> -> memref<80xi32, #tpu.memory_space<hbm>>
        %dma_start3A_674 = arith.constant 0 : i32
        %dma_start3A_675 = tpu.memref_slice %arg7[%dma_start3A_668, %dma_start3A_669, %dma_start3A_674] : memref<5x2x80xi32, #tpu.memory_space<vmem>> -> memref<1x1x80xi32, #tpu.memory_space<vmem>>
        %dma_start3A_676 = tpu.memref_squeeze %dma_start3A_675 : memref<1x1x80xi32, #tpu.memory_space<vmem>> -> memref<80xi32, #tpu.memory_space<vmem>>
        %dma_start3A_677 = tpu.memref_slice %arg5[%mul3A_667] : memref<320000xi32, #tpu.memory_space<hbm>> -> memref<80xi32, #tpu.memory_space<hbm>>
        tpu.enqueue_dma source(%dma_start3A_677 : memref<80xi32, #tpu.memory_space<hbm>>) target(%dma_start3A_676 : memref<80xi32, #tpu.memory_space<vmem>>) target_semaphore(%arg19 : memref<!tpu.dma_semaphore, #tpu.memory_space<semaphore_mem>>)
      } else {
      }
      %mul3A_305 = arith.constant 5 : i32
      %mul3A_306 = arith.muli %scan3A_237, %mul3A_305 : i32
      %add3A_307 = arith.constant 1 : i32
      %add3A_308 = arith.addi %mul3A_306, %add3A_307 : i32
      %dma_wait3A_309 = arith.constant 1 : i32
      %dma_wait3A_310 = arith.constant 0 : i32
      %dma_wait3A_311 = arith.constant 0 : i32
      %dma_wait3A_312 = tpu.memref_slice %arg8[%dma_wait3A_309, %dma_wait3A_310, %dma_wait3A_311] : memref<5x80x64xf32, #tpu.memory_space<vmem>> -> memref<1x80x64xf32, #tpu.memory_space<vmem>>
      %dma_wait3A_313 = tpu.memref_squeeze %dma_wait3A_312 : memref<1x80x64xf32, #tpu.memory_space<vmem>> -> memref<80x64xf32, #tpu.memory_space<vmem>>
      %dma_wait3A_314 = arith.constant 0 : i32
      %dma_wait3A_315 = arith.constant 0 : i32
      %dma_wait3A_316 = tpu.memref_slice %arg2[%dma_wait3A_314, %dma_wait3A_315] : memref<10000x64xf32, #tpu.memory_space<hbm>> -> memref<80x64xf32, #tpu.memory_space<hbm>>
      %dma_wait3A_317 = arith.constant 0 : i32
      %dma_wait3A_318 = arith.constant 0 : i32
      %dma_wait3A_319 = tpu.memref_slice %arg8[%dma_wait3A_309, %dma_wait3A_317, %dma_wait3A_318] : memref<5x80x64xf32, #tpu.memory_space<vmem>> -> memref<1x80x64xf32, #tpu.memory_space<vmem>>
      %dma_wait3A_320 = tpu.memref_squeeze %dma_wait3A_319 : memref<1x80x64xf32, #tpu.memory_space<vmem>> -> memref<80x64xf32, #tpu.memory_space<vmem>>
      %dma_wait3A_321 = arith.constant 0 : i32
      %dma_wait3A_322 = arith.constant 0 : i32
      %dma_wait3A_323 = tpu.memref_slice %arg2[%dma_wait3A_321, %dma_wait3A_322] : memref<10000x64xf32, #tpu.memory_space<hbm>> -> memref<80x64xf32, #tpu.memory_space<hbm>>
      tpu.wait_dma2 semaphore(%arg12 : memref<!tpu.dma_semaphore, #tpu.memory_space<semaphore_mem>>) src(%dma_wait3A_323 : memref<80x64xf32, #tpu.memory_space<hbm>>) dst(%dma_wait3A_320 : memref<80x64xf32, #tpu.memory_space<vmem>>)
      %dma_wait3A_324 = arith.constant 0 : i32
      %dma_wait3A_325 = arith.constant 1 : i32
      %dma_wait3A_326 = arith.constant 0 : i32
      %dma_wait3A_327 = arith.constant 0 : i32
      %dma_wait3A_328 = tpu.memref_slice %arg9[%dma_wait3A_325, %dma_wait3A_326, %dma_wait3A_327] : memref<5x40x128xf32, #tpu.memory_space<vmem>> -> memref<1x40x128xf32, #tpu.memory_space<vmem>>
      %dma_wait3A_329 = tpu.memref_squeeze %dma_wait3A_328 : memref<1x40x128xf32, #tpu.memory_space<vmem>> -> memref<40x128xf32, #tpu.memory_space<vmem>>
      %dma_wait3A_330 = arith.constant 0 : i32
      %dma_wait3A_331 = arith.constant 0 : i32
      %dma_wait3A_332 = tpu.memref_slice %arg3[%dma_wait3A_324, %dma_wait3A_330, %dma_wait3A_331] : memref<4000x40x128xf32, #tpu.memory_space<hbm>> -> memref<1x40x128xf32, #tpu.memory_space<hbm>>
      %dma_wait3A_333 = tpu.memref_squeeze %dma_wait3A_332 : memref<1x40x128xf32, #tpu.memory_space<hbm>> -> memref<40x128xf32, #tpu.memory_space<hbm>>
      %dma_wait3A_334 = arith.constant 0 : i32
      %dma_wait3A_335 = arith.constant 0 : i32
      %dma_wait3A_336 = tpu.memref_slice %arg9[%dma_wait3A_325, %dma_wait3A_334, %dma_wait3A_335] : memref<5x40x128xf32, #tpu.memory_space<vmem>> -> memref<1x40x128xf32, #tpu.memory_space<vmem>>
      %dma_wait3A_337 = tpu.memref_squeeze %dma_wait3A_336 : memref<1x40x128xf32, #tpu.memory_space<vmem>> -> memref<40x128xf32, #tpu.memory_space<vmem>>
      %dma_wait3A_338 = arith.constant 0 : i32
      %dma_wait3A_339 = arith.constant 0 : i32
      %dma_wait3A_340 = tpu.memref_slice %arg3[%dma_wait3A_324, %dma_wait3A_338, %dma_wait3A_339] : memref<4000x40x128xf32, #tpu.memory_space<hbm>> -> memref<1x40x128xf32, #tpu.memory_space<hbm>>
      %dma_wait3A_341 = tpu.memref_squeeze %dma_wait3A_340 : memref<1x40x128xf32, #tpu.memory_space<hbm>> -> memref<40x128xf32, #tpu.memory_space<hbm>>
      tpu.wait_dma2 semaphore(%arg12 : memref<!tpu.dma_semaphore, #tpu.memory_space<semaphore_mem>>) src(%dma_wait3A_341 : memref<40x128xf32, #tpu.memory_space<hbm>>) dst(%dma_wait3A_337 : memref<40x128xf32, #tpu.memory_space<vmem>>)
      %scan3A_342 = arith.constant 0 : i32
      %scan3A_343 = arith.constant 0 : i32
      %scan3A_344 = arith.constant 40 : i32
      %scan3A_345 = arith.addi %scan3A_343, %scan3A_344 : i32
      %scan3A_346 = arith.constant 1 : i32
      scf.for %scan3A_650 = %scan3A_343 to %scan3A_345 step %scan3A_346  : i32 {
        %add3A_651 = arith.constant 0 : i32
        %add3A_652 = arith.addi %add3A_651, %scan3A_650 : i32
        %get3A = arith.constant 1 : i32
        %get3A_653 = arith.index_cast %get3A : i32 to index
        %get3A_654 = arith.index_cast %add3A_652 : i32 to index
        %get3A_655 = arith.constant 0 : index
        %get3A_656 = tpu.vector_load %arg8[%get3A_653, %get3A_654, %get3A_655] {strides = array<i32>} : memref<5x80x64xf32, #tpu.memory_space<vmem>>, vector<1x1x16xf32>,
        %get3A_657 = vector.shape_cast %get3A_656 : vector<1x1x16xf32> to vector<16xf32>
        %get3A_658 = arith.constant 1 : i32
        %get3A_659 = arith.index_cast %get3A_658 : i32 to index
        %get3A_660 = arith.index_cast %scan3A_650 : i32 to index
        %get3A_661 = arith.constant 0 : index
        %get3A_662 = tpu.vector_load %arg9[%get3A_659, %get3A_660, %get3A_661] {strides = array<i32>} : memref<5x40x128xf32, #tpu.memory_space<vmem>>, vector<1x1x16xf32>,
        %get3A_663 = vector.shape_cast %get3A_662 : vector<1x1x16xf32> to vector<16xf32>
        %add3A_664 = arith.addf %get3A_657, %get3A_663 : vector<16xf32>
        %max3A = arith.constant 0.000000e+00 : f32
        %max3A_665 = vector.broadcast %max3A : f32 to vector<16xf32>
        %max3A_666 = arith.maximumf %add3A_664, %max3A_665 : vector<16xf32>
        %add3A_667 = arith.constant 0 : i32
        %add3A_668 = arith.addi %add3A_667, %scan3A_650 : i32
        %swap3A = arith.constant 1 : i32
        %swap3A_669 = arith.index_cast %swap3A : i32 to index
        %swap3A_670 = arith.index_cast %add3A_668 : i32 to index
        %swap3A_671 = arith.constant 0 : index
        %swap3A_672 = tpu.vector_load %arg8[%swap3A_669, %swap3A_670, %swap3A_671] {strides = array<i32>} : memref<5x80x64xf32, #tpu.memory_space<vmem>>, vector<1x1x16xf32>,
        %swap3A_673 = vector.shape_cast %swap3A_672 : vector<1x1x16xf32> to vector<16xf32>
        %swap3A_674 = vector.shape_cast %max3A_666 : vector<16xf32> to vector<1x1x16xf32>
        tpu.vector_store %arg8[%swap3A_669, %swap3A_670, %swap3A_671], %swap3A_674 {strides = array<i32>} : memref<5x80x64xf32, #tpu.memory_space<vmem>>, vector<1x1x16xf32>,
        %add3A_675 = arith.constant 0 : i32
        %add3A_676 = arith.addi %add3A_675, %scan3A_650 : i32
        %get3A_677 = arith.constant 1 : i32
        %get3A_678 = arith.index_cast %get3A_677 : i32 to index
        %get3A_679 = arith.index_cast %add3A_676 : i32 to index
        %get3A_680 = arith.constant 16 : index
        %get3A_681 = tpu.vector_load %arg8[%get3A_678, %get3A_679, %get3A_680] {strides = array<i32>} : memref<5x80x64xf32, #tpu.memory_space<vmem>>, vector<1x1x16xf32>,
        %get3A_682 = vector.shape_cast %get3A_681 : vector<1x1x16xf32> to vector<16xf32>
        %get3A_683 = arith.constant 1 : i32
        %get3A_684 = arith.index_cast %get3A_683 : i32 to index
        %get3A_685 = arith.index_cast %scan3A_650 : i32 to index
        %get3A_686 = arith.constant 16 : index
        %get3A_687 = tpu.vector_load %arg9[%get3A_684, %get3A_685, %get3A_686] {strides = array<i32>} : memref<5x40x128xf32, #tpu.memory_space<vmem>>, vector<1x1x16xf32>,
        %get3A_688 = vector.shape_cast %get3A_687 : vector<1x1x16xf32> to vector<16xf32>
        %add3A_689 = arith.addf %get3A_682, %get3A_688 : vector<16xf32>
        %max3A_690 = arith.constant 0.000000e+00 : f32
        %max3A_691 = vector.broadcast %max3A_690 : f32 to vector<16xf32>
        %max3A_692 = arith.maximumf %add3A_689, %max3A_691 : vector<16xf32>
        %add3A_693 = arith.constant 0 : i32
        %add3A_694 = arith.addi %add3A_693, %scan3A_650 : i32
        %swap3A_695 = arith.constant 1 : i32
        %swap3A_696 = arith.index_cast %swap3A_695 : i32 to index
        %swap3A_697 = arith.index_cast %add3A_694 : i32 to index
        %swap3A_698 = arith.constant 16 : index
        %swap3A_699 = tpu.vector_load %arg8[%swap3A_696, %swap3A_697, %swap3A_698] {strides = array<i32>} : memref<5x80x64xf32, #tpu.memory_space<vmem>>, vector<1x1x16xf32>,
        %swap3A_700 = vector.shape_cast %swap3A_699 : vector<1x1x16xf32> to vector<16xf32>
        %swap3A_701 = vector.shape_cast %max3A_692 : vector<16xf32> to vector<1x1x16xf32>
        tpu.vector_store %arg8[%swap3A_696, %swap3A_697, %swap3A_698], %swap3A_701 {strides = array<i32>} : memref<5x80x64xf32, #tpu.memory_space<vmem>>, vector<1x1x16xf32>,
        %add3A_702 = arith.constant 0 : i32
        %add3A_703 = arith.addi %add3A_702, %scan3A_650 : i32
        %get3A_704 = arith.constant 1 : i32
        %get3A_705 = arith.index_cast %get3A_704 : i32 to index
        %get3A_706 = arith.index_cast %add3A_703 : i32 to index
        %get3A_707 = arith.constant 32 : index
        %get3A_708 = tpu.vector_load %arg8[%get3A_705, %get3A_706, %get3A_707] {strides = array<i32>} : memref<5x80x64xf32, #tpu.memory_space<vmem>>, vector<1x1x16xf32>,
        %get3A_709 = vector.shape_cast %get3A_708 : vector<1x1x16xf32> to vector<16xf32>
        %get3A_710 = arith.constant 1 : i32
        %get3A_711 = arith.index_cast %get3A_710 : i32 to index
        %get3A_712 = arith.index_cast %scan3A_650 : i32 to index
        %get3A_713 = arith.constant 32 : index
        %get3A_714 = tpu.vector_load %arg9[%get3A_711, %get3A_712, %get3A_713] {strides = array<i32>} : memref<5x40x128xf32, #tpu.memory_space<vmem>>, vector<1x1x16xf32>,
        %get3A_715 = vector.shape_cast %get3A_714 : vector<1x1x16xf32> to vector<16xf32>
        %add3A_716 = arith.addf %get3A_709, %get3A_715 : vector<16xf32>
        %max3A_717 = arith.constant 0.000000e+00 : f32
        %max3A_718 = vector.broadcast %max3A_717 : f32 to vector<16xf32>
        %max3A_719 = arith.maximumf %add3A_716, %max3A_718 : vector<16xf32>
        %add3A_720 = arith.constant 0 : i32
        %add3A_721 = arith.addi %add3A_720, %scan3A_650 : i32
        %swap3A_722 = arith.constant 1 : i32
        %swap3A_723 = arith.index_cast %swap3A_722 : i32 to index
        %swap3A_724 = arith.index_cast %add3A_721 : i32 to index
        %swap3A_725 = arith.constant 32 : index
        %swap3A_726 = tpu.vector_load %arg8[%swap3A_723, %swap3A_724, %swap3A_725] {strides = array<i32>} : memref<5x80x64xf32, #tpu.memory_space<vmem>>, vector<1x1x16xf32>,
        %swap3A_727 = vector.shape_cast %swap3A_726 : vector<1x1x16xf32> to vector<16xf32>
        %swap3A_728 = vector.shape_cast %max3A_719 : vector<16xf32> to vector<1x1x16xf32>
        tpu.vector_store %arg8[%swap3A_723, %swap3A_724, %swap3A_725], %swap3A_728 {strides = array<i32>} : memref<5x80x64xf32, #tpu.memory_space<vmem>>, vector<1x1x16xf32>,
        %add3A_729 = arith.constant 0 : i32
        %add3A_730 = arith.addi %add3A_729, %scan3A_650 : i32
        %get3A_731 = arith.constant 1 : i32
        %get3A_732 = arith.index_cast %get3A_731 : i32 to index
        %get3A_733 = arith.index_cast %add3A_730 : i32 to index
        %get3A_734 = arith.constant 48 : index
        %get3A_735 = tpu.vector_load %arg8[%get3A_732, %get3A_733, %get3A_734] {strides = array<i32>} : memref<5x80x64xf32, #tpu.memory_space<vmem>>, vector<1x1x16xf32>,
        %get3A_736 = vector.shape_cast %get3A_735 : vector<1x1x16xf32> to vector<16xf32>
        %get3A_737 = arith.constant 1 : i32
        %get3A_738 = arith.index_cast %get3A_737 : i32 to index
        %get3A_739 = arith.index_cast %scan3A_650 : i32 to index
        %get3A_740 = arith.constant 48 : index
        %get3A_741 = tpu.vector_load %arg9[%get3A_738, %get3A_739, %get3A_740] {strides = array<i32>} : memref<5x40x128xf32, #tpu.memory_space<vmem>>, vector<1x1x16xf32>,
        %get3A_742 = vector.shape_cast %get3A_741 : vector<1x1x16xf32> to vector<16xf32>
        %add3A_743 = arith.addf %get3A_736, %get3A_742 : vector<16xf32>
        %max3A_744 = arith.constant 0.000000e+00 : f32
        %max3A_745 = vector.broadcast %max3A_744 : f32 to vector<16xf32>
        %max3A_746 = arith.maximumf %add3A_743, %max3A_745 : vector<16xf32>
        %add3A_747 = arith.constant 0 : i32
        %add3A_748 = arith.addi %add3A_747, %scan3A_650 : i32
        %swap3A_749 = arith.constant 1 : i32
        %swap3A_750 = arith.index_cast %swap3A_749 : i32 to index
        %swap3A_751 = arith.index_cast %add3A_748 : i32 to index
        %swap3A_752 = arith.constant 48 : index
        %swap3A_753 = tpu.vector_load %arg8[%swap3A_750, %swap3A_751, %swap3A_752] {strides = array<i32>} : memref<5x80x64xf32, #tpu.memory_space<vmem>>, vector<1x1x16xf32>,
        %swap3A_754 = vector.shape_cast %swap3A_753 : vector<1x1x16xf32> to vector<16xf32>
        %swap3A_755 = vector.shape_cast %max3A_746 : vector<16xf32> to vector<1x1x16xf32>
        tpu.vector_store %arg8[%swap3A_750, %swap3A_751, %swap3A_752], %swap3A_755 {strides = array<i32>} : memref<5x80x64xf32, #tpu.memory_space<vmem>>, vector<1x1x16xf32>,
        %add3A_756 = arith.constant 40 : i32
        %add3A_757 = arith.addi %add3A_756, %scan3A_650 : i32
        %get3A_758 = arith.constant 1 : i32
        %get3A_759 = arith.index_cast %get3A_758 : i32 to index
        %get3A_760 = arith.index_cast %add3A_757 : i32 to index
        %get3A_761 = arith.constant 0 : index
        %get3A_762 = tpu.vector_load %arg8[%get3A_759, %get3A_760, %get3A_761] {strides = array<i32>} : memref<5x80x64xf32, #tpu.memory_space<vmem>>, vector<1x1x16xf32>,
        %get3A_763 = vector.shape_cast %get3A_762 : vector<1x1x16xf32> to vector<16xf32>
        %get3A_764 = arith.constant 1 : i32
        %get3A_765 = arith.index_cast %get3A_764 : i32 to index
        %get3A_766 = arith.index_cast %scan3A_650 : i32 to index
        %get3A_767 = arith.constant 64 : index
        %get3A_768 = tpu.vector_load %arg9[%get3A_765, %get3A_766, %get3A_767] {strides = array<i32>} : memref<5x40x128xf32, #tpu.memory_space<vmem>>, vector<1x1x16xf32>,
        %get3A_769 = vector.shape_cast %get3A_768 : vector<1x1x16xf32> to vector<16xf32>
        %add3A_770 = arith.addf %get3A_763, %get3A_769 : vector<16xf32>
        %max3A_771 = arith.constant 0.000000e+00 : f32
        %max3A_772 = vector.broadcast %max3A_771 : f32 to vector<16xf32>
        %max3A_773 = arith.maximumf %add3A_770, %max3A_772 : vector<16xf32>
        %add3A_774 = arith.constant 40 : i32
        %add3A_775 = arith.addi %add3A_774, %scan3A_650 : i32
        %swap3A_776 = arith.constant 1 : i32
        %swap3A_777 = arith.index_cast %swap3A_776 : i32 to index
        %swap3A_778 = arith.index_cast %add3A_775 : i32 to index
        %swap3A_779 = arith.constant 0 : index
        %swap3A_780 = tpu.vector_load %arg8[%swap3A_777, %swap3A_778, %swap3A_779] {strides = array<i32>} : memref<5x80x64xf32, #tpu.memory_space<vmem>>, vector<1x1x16xf32>,
        %swap3A_781 = vector.shape_cast %swap3A_780 : vector<1x1x16xf32> to vector<16xf32>
        %swap3A_782 = vector.shape_cast %max3A_773 : vector<16xf32> to vector<1x1x16xf32>
        tpu.vector_store %arg8[%swap3A_777, %swap3A_778, %swap3A_779], %swap3A_782 {strides = array<i32>} : memref<5x80x64xf32, #tpu.memory_space<vmem>>, vector<1x1x16xf32>,
        %add3A_783 = arith.constant 40 : i32
        %add3A_784 = arith.addi %add3A_783, %scan3A_650 : i32
        %get3A_785 = arith.constant 1 : i32
        %get3A_786 = arith.index_cast %get3A_785 : i32 to index
        %get3A_787 = arith.index_cast %add3A_784 : i32 to index
        %get3A_788 = arith.constant 16 : index
        %get3A_789 = tpu.vector_load %arg8[%get3A_786, %get3A_787, %get3A_788] {strides = array<i32>} : memref<5x80x64xf32, #tpu.memory_space<vmem>>, vector<1x1x16xf32>,
        %get3A_790 = vector.shape_cast %get3A_789 : vector<1x1x16xf32> to vector<16xf32>
        %get3A_791 = arith.constant 1 : i32
        %get3A_792 = arith.index_cast %get3A_791 : i32 to index
        %get3A_793 = arith.index_cast %scan3A_650 : i32 to index
        %get3A_794 = arith.constant 80 : index
        %get3A_795 = tpu.vector_load %arg9[%get3A_792, %get3A_793, %get3A_794] {strides = array<i32>} : memref<5x40x128xf32, #tpu.memory_space<vmem>>, vector<1x1x16xf32>,
        %get3A_796 = vector.shape_cast %get3A_795 : vector<1x1x16xf32> to vector<16xf32>
        %add3A_797 = arith.addf %get3A_790, %get3A_796 : vector<16xf32>
        %max3A_798 = arith.constant 0.000000e+00 : f32
        %max3A_799 = vector.broadcast %max3A_798 : f32 to vector<16xf32>
        %max3A_800 = arith.maximumf %add3A_797, %max3A_799 : vector<16xf32>
        %add3A_801 = arith.constant 40 : i32
        %add3A_802 = arith.addi %add3A_801, %scan3A_650 : i32
        %swap3A_803 = arith.constant 1 : i32
        %swap3A_804 = arith.index_cast %swap3A_803 : i32 to index
        %swap3A_805 = arith.index_cast %add3A_802 : i32 to index
        %swap3A_806 = arith.constant 16 : index
        %swap3A_807 = tpu.vector_load %arg8[%swap3A_804, %swap3A_805, %swap3A_806] {strides = array<i32>} : memref<5x80x64xf32, #tpu.memory_space<vmem>>, vector<1x1x16xf32>,
        %swap3A_808 = vector.shape_cast %swap3A_807 : vector<1x1x16xf32> to vector<16xf32>
        %swap3A_809 = vector.shape_cast %max3A_800 : vector<16xf32> to vector<1x1x16xf32>
        tpu.vector_store %arg8[%swap3A_804, %swap3A_805, %swap3A_806], %swap3A_809 {strides = array<i32>} : memref<5x80x64xf32, #tpu.memory_space<vmem>>, vector<1x1x16xf32>,
        %add3A_810 = arith.constant 40 : i32
        %add3A_811 = arith.addi %add3A_810, %scan3A_650 : i32
        %get3A_812 = arith.constant 1 : i32
        %get3A_813 = arith.index_cast %get3A_812 : i32 to index
        %get3A_814 = arith.index_cast %add3A_811 : i32 to index
        %get3A_815 = arith.constant 32 : index
        %get3A_816 = tpu.vector_load %arg8[%get3A_813, %get3A_814, %get3A_815] {strides = array<i32>} : memref<5x80x64xf32, #tpu.memory_space<vmem>>, vector<1x1x16xf32>,
        %get3A_817 = vector.shape_cast %get3A_816 : vector<1x1x16xf32> to vector<16xf32>
        %get3A_818 = arith.constant 1 : i32
        %get3A_819 = arith.index_cast %get3A_818 : i32 to index
        %get3A_820 = arith.index_cast %scan3A_650 : i32 to index
        %get3A_821 = arith.constant 96 : index
        %get3A_822 = tpu.vector_load %arg9[%get3A_819, %get3A_820, %get3A_821] {strides = array<i32>} : memref<5x40x128xf32, #tpu.memory_space<vmem>>, vector<1x1x16xf32>,
        %get3A_823 = vector.shape_cast %get3A_822 : vector<1x1x16xf32> to vector<16xf32>
        %add3A_824 = arith.addf %get3A_817, %get3A_823 : vector<16xf32>
        %max3A_825 = arith.constant 0.000000e+00 : f32
        %max3A_826 = vector.broadcast %max3A_825 : f32 to vector<16xf32>
        %max3A_827 = arith.maximumf %add3A_824, %max3A_826 : vector<16xf32>
        %add3A_828 = arith.constant 40 : i32
        %add3A_829 = arith.addi %add3A_828, %scan3A_650 : i32
        %swap3A_830 = arith.constant 1 : i32
        %swap3A_831 = arith.index_cast %swap3A_830 : i32 to index
        %swap3A_832 = arith.index_cast %add3A_829 : i32 to index
        %swap3A_833 = arith.constant 32 : index
        %swap3A_834 = tpu.vector_load %arg8[%swap3A_831, %swap3A_832, %swap3A_833] {strides = array<i32>} : memref<5x80x64xf32, #tpu.memory_space<vmem>>, vector<1x1x16xf32>,
        %swap3A_835 = vector.shape_cast %swap3A_834 : vector<1x1x16xf32> to vector<16xf32>
        %swap3A_836 = vector.shape_cast %max3A_827 : vector<16xf32> to vector<1x1x16xf32>
        tpu.vector_store %arg8[%swap3A_831, %swap3A_832, %swap3A_833], %swap3A_836 {strides = array<i32>} : memref<5x80x64xf32, #tpu.memory_space<vmem>>, vector<1x1x16xf32>,
        %add3A_837 = arith.constant 40 : i32
        %add3A_838 = arith.addi %add3A_837, %scan3A_650 : i32
        %get3A_839 = arith.constant 1 : i32
        %get3A_840 = arith.index_cast %get3A_839 : i32 to index
        %get3A_841 = arith.index_cast %add3A_838 : i32 to index
        %get3A_842 = arith.constant 48 : index
        %get3A_843 = tpu.vector_load %arg8[%get3A_840, %get3A_841, %get3A_842] {strides = array<i32>} : memref<5x80x64xf32, #tpu.memory_space<vmem>>, vector<1x1x16xf32>,
        %get3A_844 = vector.shape_cast %get3A_843 : vector<1x1x16xf32> to vector<16xf32>
        %get3A_845 = arith.constant 1 : i32
        %get3A_846 = arith.index_cast %get3A_845 : i32 to index
        %get3A_847 = arith.index_cast %scan3A_650 : i32 to index
        %get3A_848 = arith.constant 112 : index
        %get3A_849 = tpu.vector_load %arg9[%get3A_846, %get3A_847, %get3A_848] {strides = array<i32>} : memref<5x40x128xf32, #tpu.memory_space<vmem>>, vector<1x1x16xf32>,
        %get3A_850 = vector.shape_cast %get3A_849 : vector<1x1x16xf32> to vector<16xf32>
        %add3A_851 = arith.addf %get3A_844, %get3A_850 : vector<16xf32>
        %max3A_852 = arith.constant 0.000000e+00 : f32
        %max3A_853 = vector.broadcast %max3A_852 : f32 to vector<16xf32>
        %max3A_854 = arith.maximumf %add3A_851, %max3A_853 : vector<16xf32>
        %add3A_855 = arith.constant 40 : i32
        %add3A_856 = arith.addi %add3A_855, %scan3A_650 : i32
        %swap3A_857 = arith.constant 1 : i32
        %swap3A_858 = arith.index_cast %swap3A_857 : i32 to index
        %swap3A_859 = arith.index_cast %add3A_856 : i32 to index
        %swap3A_860 = arith.constant 48 : index
        %swap3A_861 = tpu.vector_load %arg8[%swap3A_858, %swap3A_859, %swap3A_860] {strides = array<i32>} : memref<5x80x64xf32, #tpu.memory_space<vmem>>, vector<1x1x16xf32>,
        %swap3A_862 = vector.shape_cast %swap3A_861 : vector<1x1x16xf32> to vector<16xf32>
        %swap3A_863 = vector.shape_cast %max3A_854 : vector<16xf32> to vector<1x1x16xf32>
        tpu.vector_store %arg8[%swap3A_858, %swap3A_859, %swap3A_860], %swap3A_863 {strides = array<i32>} : memref<5x80x64xf32, #tpu.memory_space<vmem>>, vector<1x1x16xf32>,
      }
      %scan3A_347 = arith.constant 40 : i32
      %dma_start3A_348 = arith.constant 1 : i32
      %dma_start3A_349 = arith.constant 1 : i32
      %dma_start3A_350 = arith.constant 1 : i32
      %dma_start3A_351 = arith.constant 0 : i32
      %dma_start3A_352 = arith.constant 0 : i32
      %dma_start3A_353 = tpu.memref_slice %arg8[%dma_start3A_348, %dma_start3A_351, %dma_start3A_352] : memref<5x80x64xf32, #tpu.memory_space<vmem>> -> memref<1x80x64xf32, #tpu.memory_space<vmem>>
      %dma_start3A_354 = tpu.memref_squeeze %dma_start3A_353 : memref<1x80x64xf32, #tpu.memory_space<vmem>> -> memref<80x64xf32, #tpu.memory_space<vmem>>
      %dma_start3A_355 = arith.constant 0 : i32
      %dma_start3A_356 = tpu.memref_slice %arg7[%dma_start3A_349, %dma_start3A_350, %dma_start3A_355] : memref<5x2x80xi32, #tpu.memory_space<vmem>> -> memref<1x1x80xi32, #tpu.memory_space<vmem>>
      %dma_start3A_357 = tpu.memref_squeeze %dma_start3A_356 : memref<1x1x80xi32, #tpu.memory_space<vmem>> -> memref<80xi32, #tpu.memory_space<vmem>>
      %dma_start3A_358 = arith.constant 0 : i32
      %dma_start3A_359 = arith.constant 0 : i32
      %dma_start3A_360 = tpu.memref_slice %arg10[%dma_start3A_358, %dma_start3A_359] : memref<10000x64xf32, #tpu.memory_space<vmem_shared>> -> memref<10000x64xf32, #tpu.memory_space<vmem_shared>>
      tpu.enqueue_indirect_dma source(%dma_start3A_354 : memref<80x64xf32, #tpu.memory_space<vmem>>) target(%dma_start3A_360 : memref<10000x64xf32, #tpu.memory_space<vmem_shared>>) offsets(%dma_start3A_357 : memref<80xi32, #tpu.memory_space<vmem>>) semaphore(%arg22 : memref<!tpu.dma_semaphore, #tpu.memory_space<semaphore_mem>>) {add = true}
      %add3A_361 = arith.constant 2 : i32
      %add3A_362 = arith.addi %add3A_308, %add3A_361 : i32
      %lt3A_363 = arith.constant 125 : i32
      %lt3A_364 = arith.cmpi slt, %add3A_362, %lt3A_363 : i32
      %convert_element_type3A_365 = arith.extui %lt3A_364 : i1 to i32
      %cond3A_366 = arith.constant 0 : i32
      %cond3A_367 = arith.cmpi ne, %convert_element_type3A_365, %cond3A_366 : i32
      scf.if %cond3A_367 {
        %dma_wait3A_650 = arith.constant 3 : i32
        %dma_wait3A_651 = arith.constant 0 : i32
        %dma_wait3A_652 = arith.constant 0 : i32
        %dma_wait3A_653 = tpu.memref_slice %arg7[%dma_wait3A_650, %dma_wait3A_651, %dma_wait3A_652] : memref<5x2x80xi32, #tpu.memory_space<vmem>> -> memref<1x1x80xi32, #tpu.memory_space<vmem>>
        %dma_wait3A_654 = tpu.memref_squeeze %dma_wait3A_653 : memref<1x1x80xi32, #tpu.memory_space<vmem>> -> memref<80xi32, #tpu.memory_space<vmem>>
        %dma_wait3A_655 = arith.constant 0 : i32
        %dma_wait3A_656 = tpu.memref_slice %arg4[%dma_wait3A_655] : memref<320000xi32, #tpu.memory_space<hbm>> -> memref<80xi32, #tpu.memory_space<hbm>>
        %dma_wait3A_657 = arith.constant 0 : i32
        %dma_wait3A_658 = tpu.memref_slice %arg7[%dma_wait3A_650, %dma_wait3A_651, %dma_wait3A_657] : memref<5x2x80xi32, #tpu.memory_space<vmem>> -> memref<1x1x80xi32, #tpu.memory_space<vmem>>
        %dma_wait3A_659 = tpu.memref_squeeze %dma_wait3A_658 : memref<1x1x80xi32, #tpu.memory_space<vmem>> -> memref<80xi32, #tpu.memory_space<vmem>>
        %dma_wait3A_660 = arith.constant 0 : i32
        %dma_wait3A_661 = tpu.memref_slice %arg4[%dma_wait3A_660] : memref<320000xi32, #tpu.memory_space<hbm>> -> memref<80xi32, #tpu.memory_space<hbm>>
        tpu.wait_dma2 semaphore(%arg19 : memref<!tpu.dma_semaphore, #tpu.memory_space<semaphore_mem>>) src(%dma_wait3A_661 : memref<80xi32, #tpu.memory_space<hbm>>) dst(%dma_wait3A_659 : memref<80xi32, #tpu.memory_space<vmem>>)
        %dma_wait3A_662 = arith.constant 3 : i32
        %dma_wait3A_663 = arith.constant 1 : i32
        %dma_wait3A_664 = arith.constant 0 : i32
        %dma_wait3A_665 = tpu.memref_slice %arg7[%dma_wait3A_662, %dma_wait3A_663, %dma_wait3A_664] : memref<5x2x80xi32, #tpu.memory_space<vmem>> -> memref<1x1x80xi32, #tpu.memory_space<vmem>>
        %dma_wait3A_666 = tpu.memref_squeeze %dma_wait3A_665 : memref<1x1x80xi32, #tpu.memory_space<vmem>> -> memref<80xi32, #tpu.memory_space<vmem>>
        %dma_wait3A_667 = arith.constant 0 : i32
        %dma_wait3A_668 = tpu.memref_slice %arg4[%dma_wait3A_667] : memref<320000xi32, #tpu.memory_space<hbm>> -> memref<80xi32, #tpu.memory_space<hbm>>
        %dma_wait3A_669 = arith.constant 0 : i32
        %dma_wait3A_670 = tpu.memref_slice %arg7[%dma_wait3A_662, %dma_wait3A_663, %dma_wait3A_669] : memref<5x2x80xi32, #tpu.memory_space<vmem>> -> memref<1x1x80xi32, #tpu.memory_space<vmem>>
        %dma_wait3A_671 = tpu.memref_squeeze %dma_wait3A_670 : memref<1x1x80xi32, #tpu.memory_space<vmem>> -> memref<80xi32, #tpu.memory_space<vmem>>
        %dma_wait3A_672 = arith.constant 0 : i32
        %dma_wait3A_673 = tpu.memref_slice %arg4[%dma_wait3A_672] : memref<320000xi32, #tpu.memory_space<hbm>> -> memref<80xi32, #tpu.memory_space<hbm>>
        tpu.wait_dma2 semaphore(%arg19 : memref<!tpu.dma_semaphore, #tpu.memory_space<semaphore_mem>>) src(%dma_wait3A_673 : memref<80xi32, #tpu.memory_space<hbm>>) dst(%dma_wait3A_671 : memref<80xi32, #tpu.memory_space<vmem>>)
        %add3A_674 = arith.constant 2 : i32
        %add3A_675 = arith.addi %add3A_308, %add3A_674 : i32
        %dma_start3A_676 = arith.constant 3 : i32
        %dma_start3A_677 = arith.constant 0 : i32
        %dma_start3A_678 = arith.constant 3 : i32
        %dma_start3A_679 = arith.constant 0 : i32
        %dma_start3A_680 = arith.constant 0 : i32
        %dma_start3A_681 = tpu.memref_slice %arg8[%dma_start3A_678, %dma_start3A_679, %dma_start3A_680] : memref<5x80x64xf32, #tpu.memory_space<vmem>> -> memref<1x80x64xf32, #tpu.memory_space<vmem>>
        %dma_start3A_682 = tpu.memref_squeeze %dma_start3A_681 : memref<1x80x64xf32, #tpu.memory_space<vmem>> -> memref<80x64xf32, #tpu.memory_space<vmem>>
        %dma_start3A_683 = arith.constant 0 : i32
        %dma_start3A_684 = tpu.memref_slice %arg7[%dma_start3A_676, %dma_start3A_677, %dma_start3A_683] : memref<5x2x80xi32, #tpu.memory_space<vmem>> -> memref<1x1x80xi32, #tpu.memory_space<vmem>>
        %dma_start3A_685 = tpu.memref_squeeze %dma_start3A_684 : memref<1x1x80xi32, #tpu.memory_space<vmem>> -> memref<80xi32, #tpu.memory_space<vmem>>
        %dma_start3A_686 = arith.constant 0 : i32
        %dma_start3A_687 = arith.constant 0 : i32
        %dma_start3A_688 = tpu.memref_slice %arg2[%dma_start3A_686, %dma_start3A_687] : memref<10000x64xf32, #tpu.memory_space<hbm>> -> memref<10000x64xf32, #tpu.memory_space<hbm>>
        tpu.enqueue_indirect_dma source(%dma_start3A_688 : memref<10000x64xf32, #tpu.memory_space<hbm>>) target(%dma_start3A_682 : memref<80x64xf32, #tpu.memory_space<vmem>>) offsets(%dma_start3A_685 : memref<80xi32, #tpu.memory_space<vmem>>) semaphore(%arg14 : memref<!tpu.dma_semaphore, #tpu.memory_space<semaphore_mem>>)
        %add3A_689 = arith.addi %mul3A_2, %add3A_675 : i32
        %dma_start3A_690 = arith.constant 3 : i32
        %dma_start3A_691 = arith.constant 0 : i32
        %dma_start3A_692 = arith.constant 0 : i32
        %dma_start3A_693 = tpu.memref_slice %arg9[%dma_start3A_690, %dma_start3A_691, %dma_start3A_692] : memref<5x40x128xf32, #tpu.memory_space<vmem>> -> memref<1x40x128xf32, #tpu.memory_space<vmem>>
        %dma_start3A_694 = tpu.memref_squeeze %dma_start3A_693 : memref<1x40x128xf32, #tpu.memory_space<vmem>> -> memref<40x128xf32, #tpu.memory_space<vmem>>
        %dma_start3A_695 = arith.constant 0 : i32
        %dma_start3A_696 = arith.constant 0 : i32
        %dma_start3A_697 = tpu.memref_slice %arg3[%add3A_689, %dma_start3A_695, %dma_start3A_696] : memref<4000x40x128xf32, #tpu.memory_space<hbm>> -> memref<1x40x128xf32, #tpu.memory_space<hbm>>
        %dma_start3A_698 = tpu.memref_squeeze %dma_start3A_697 : memref<1x40x128xf32, #tpu.memory_space<hbm>> -> memref<40x128xf32, #tpu.memory_space<hbm>>
        %dma_start3A_699 = arith.constant 0 : i32
        %dma_start3A_700 = arith.constant 0 : i32
        %dma_start3A_701 = tpu.memref_slice %arg9[%dma_start3A_690, %dma_start3A_699, %dma_start3A_700] : memref<5x40x128xf32, #tpu.memory_space<vmem>> -> memref<1x40x128xf32, #tpu.memory_space<vmem>>
        %dma_start3A_702 = tpu.memref_squeeze %dma_start3A_701 : memref<1x40x128xf32, #tpu.memory_space<vmem>> -> memref<40x128xf32, #tpu.memory_space<vmem>>
        %dma_start3A_703 = arith.constant 0 : i32
        %dma_start3A_704 = arith.constant 0 : i32
        %dma_start3A_705 = tpu.memref_slice %arg3[%add3A_689, %dma_start3A_703, %dma_start3A_704] : memref<4000x40x128xf32, #tpu.memory_space<hbm>> -> memref<1x40x128xf32, #tpu.memory_space<hbm>>
        %dma_start3A_706 = tpu.memref_squeeze %dma_start3A_705 : memref<1x40x128xf32, #tpu.memory_space<hbm>> -> memref<40x128xf32, #tpu.memory_space<hbm>>
        tpu.enqueue_dma source(%dma_start3A_706 : memref<40x128xf32, #tpu.memory_space<hbm>>) target(%dma_start3A_702 : memref<40x128xf32, #tpu.memory_space<vmem>>) target_semaphore(%arg14 : memref<!tpu.dma_semaphore, #tpu.memory_space<semaphore_mem>>)
      } else {
      }
      %add3A_368 = arith.constant 3 : i32
      %add3A_369 = arith.addi %add3A_308, %add3A_368 : i32
      %lt3A_370 = arith.constant 125 : i32
      %lt3A_371 = arith.cmpi slt, %add3A_369, %lt3A_370 : i32
      %convert_element_type3A_372 = arith.extui %lt3A_371 : i1 to i32
      %cond3A_373 = arith.constant 0 : i32
      %cond3A_374 = arith.cmpi ne, %convert_element_type3A_372, %cond3A_373 : i32
      scf.if %cond3A_374 {
        %add3A_650 = arith.constant 3 : i32
        %add3A_651 = arith.addi %add3A_308, %add3A_650 : i32
        %add3A_652 = arith.addi %mul3A_2, %add3A_651 : i32
        %mul3A_653 = arith.constant 80 : i32
        %mul3A_654 = arith.muli %add3A_652, %mul3A_653 : i32
        %dma_start3A_655 = arith.constant 4 : i32
        %dma_start3A_656 = arith.constant 0 : i32
        %dma_start3A_657 = arith.constant 0 : i32
        %dma_start3A_658 = tpu.memref_slice %arg7[%dma_start3A_655, %dma_start3A_656, %dma_start3A_657] : memref<5x2x80xi32, #tpu.memory_space<vmem>> -> memref<1x1x80xi32, #tpu.memory_space<vmem>>
        %dma_start3A_659 = tpu.memref_squeeze %dma_start3A_658 : memref<1x1x80xi32, #tpu.memory_space<vmem>> -> memref<80xi32, #tpu.memory_space<vmem>>
        %dma_start3A_660 = tpu.memref_slice %arg4[%mul3A_654] : memref<320000xi32, #tpu.memory_space<hbm>> -> memref<80xi32, #tpu.memory_space<hbm>>
        %dma_start3A_661 = arith.constant 0 : i32
        %dma_start3A_662 = tpu.memref_slice %arg7[%dma_start3A_655, %dma_start3A_656, %dma_start3A_661] : memref<5x2x80xi32, #tpu.memory_space<vmem>> -> memref<1x1x80xi32, #tpu.memory_space<vmem>>
        %dma_start3A_663 = tpu.memref_squeeze %dma_start3A_662 : memref<1x1x80xi32, #tpu.memory_space<vmem>> -> memref<80xi32, #tpu.memory_space<vmem>>
        %dma_start3A_664 = tpu.memref_slice %arg4[%mul3A_654] : memref<320000xi32, #tpu.memory_space<hbm>> -> memref<80xi32, #tpu.memory_space<hbm>>
        tpu.enqueue_dma source(%dma_start3A_664 : memref<80xi32, #tpu.memory_space<hbm>>) target(%dma_start3A_663 : memref<80xi32, #tpu.memory_space<vmem>>) target_semaphore(%arg20 : memref<!tpu.dma_semaphore, #tpu.memory_space<semaphore_mem>>)
        %add3A_665 = arith.addi %mul3A_2, %add3A_651 : i32
        %mul3A_666 = arith.constant 80 : i32
        %mul3A_667 = arith.muli %add3A_665, %mul3A_666 : i32
        %dma_start3A_668 = arith.constant 4 : i32
        %dma_start3A_669 = arith.constant 1 : i32
        %dma_start3A_670 = arith.constant 0 : i32
        %dma_start3A_671 = tpu.memref_slice %arg7[%dma_start3A_668, %dma_start3A_669, %dma_start3A_670] : memref<5x2x80xi32, #tpu.memory_space<vmem>> -> memref<1x1x80xi32, #tpu.memory_space<vmem>>
        %dma_start3A_672 = tpu.memref_squeeze %dma_start3A_671 : memref<1x1x80xi32, #tpu.memory_space<vmem>> -> memref<80xi32, #tpu.memory_space<vmem>>
        %dma_start3A_673 = tpu.memref_slice %arg5[%mul3A_667] : memref<320000xi32, #tpu.memory_space<hbm>> -> memref<80xi32, #tpu.memory_space<hbm>>
        %dma_start3A_674 = arith.constant 0 : i32
        %dma_start3A_675 = tpu.memref_slice %arg7[%dma_start3A_668, %dma_start3A_669, %dma_start3A_674] : memref<5x2x80xi32, #tpu.memory_space<vmem>> -> memref<1x1x80xi32, #tpu.memory_space<vmem>>
        %dma_start3A_676 = tpu.memref_squeeze %dma_start3A_675 : memref<1x1x80xi32, #tpu.memory_space<vmem>> -> memref<80xi32, #tpu.memory_space<vmem>>
        %dma_start3A_677 = tpu.memref_slice %arg5[%mul3A_667] : memref<320000xi32, #tpu.memory_space<hbm>> -> memref<80xi32, #tpu.memory_space<hbm>>
        tpu.enqueue_dma source(%dma_start3A_677 : memref<80xi32, #tpu.memory_space<hbm>>) target(%dma_start3A_676 : memref<80xi32, #tpu.memory_space<vmem>>) target_semaphore(%arg20 : memref<!tpu.dma_semaphore, #tpu.memory_space<semaphore_mem>>)
      } else {
      }
      %mul3A_375 = arith.constant 5 : i32
      %mul3A_376 = arith.muli %scan3A_237, %mul3A_375 : i32
      %add3A_377 = arith.constant 2 : i32
      %add3A_378 = arith.addi %mul3A_376, %add3A_377 : i32
      %dma_wait3A_379 = arith.constant 2 : i32
      %dma_wait3A_380 = arith.constant 0 : i32
      %dma_wait3A_381 = arith.constant 0 : i32
      %dma_wait3A_382 = tpu.memref_slice %arg8[%dma_wait3A_379, %dma_wait3A_380, %dma_wait3A_381] : memref<5x80x64xf32, #tpu.memory_space<vmem>> -> memref<1x80x64xf32, #tpu.memory_space<vmem>>
      %dma_wait3A_383 = tpu.memref_squeeze %dma_wait3A_382 : memref<1x80x64xf32, #tpu.memory_space<vmem>> -> memref<80x64xf32, #tpu.memory_space<vmem>>
      %dma_wait3A_384 = arith.constant 0 : i32
      %dma_wait3A_385 = arith.constant 0 : i32
      %dma_wait3A_386 = tpu.memref_slice %arg2[%dma_wait3A_384, %dma_wait3A_385] : memref<10000x64xf32, #tpu.memory_space<hbm>> -> memref<80x64xf32, #tpu.memory_space<hbm>>
      %dma_wait3A_387 = arith.constant 0 : i32
      %dma_wait3A_388 = arith.constant 0 : i32
      %dma_wait3A_389 = tpu.memref_slice %arg8[%dma_wait3A_379, %dma_wait3A_387, %dma_wait3A_388] : memref<5x80x64xf32, #tpu.memory_space<vmem>> -> memref<1x80x64xf32, #tpu.memory_space<vmem>>
      %dma_wait3A_390 = tpu.memref_squeeze %dma_wait3A_389 : memref<1x80x64xf32, #tpu.memory_space<vmem>> -> memref<80x64xf32, #tpu.memory_space<vmem>>
      %dma_wait3A_391 = arith.constant 0 : i32
      %dma_wait3A_392 = arith.constant 0 : i32
      %dma_wait3A_393 = tpu.memref_slice %arg2[%dma_wait3A_391, %dma_wait3A_392] : memref<10000x64xf32, #tpu.memory_space<hbm>> -> memref<80x64xf32, #tpu.memory_space<hbm>>
      tpu.wait_dma2 semaphore(%arg13 : memref<!tpu.dma_semaphore, #tpu.memory_space<semaphore_mem>>) src(%dma_wait3A_393 : memref<80x64xf32, #tpu.memory_space<hbm>>) dst(%dma_wait3A_390 : memref<80x64xf32, #tpu.memory_space<vmem>>)
      %dma_wait3A_394 = arith.constant 0 : i32
      %dma_wait3A_395 = arith.constant 2 : i32
      %dma_wait3A_396 = arith.constant 0 : i32
      %dma_wait3A_397 = arith.constant 0 : i32
      %dma_wait3A_398 = tpu.memref_slice %arg9[%dma_wait3A_395, %dma_wait3A_396, %dma_wait3A_397] : memref<5x40x128xf32, #tpu.memory_space<vmem>> -> memref<1x40x128xf32, #tpu.memory_space<vmem>>
      %dma_wait3A_399 = tpu.memref_squeeze %dma_wait3A_398 : memref<1x40x128xf32, #tpu.memory_space<vmem>> -> memref<40x128xf32, #tpu.memory_space<vmem>>
      %dma_wait3A_400 = arith.constant 0 : i32
      %dma_wait3A_401 = arith.constant 0 : i32
      %dma_wait3A_402 = tpu.memref_slice %arg3[%dma_wait3A_394, %dma_wait3A_400, %dma_wait3A_401] : memref<4000x40x128xf32, #tpu.memory_space<hbm>> -> memref<1x40x128xf32, #tpu.memory_space<hbm>>
      %dma_wait3A_403 = tpu.memref_squeeze %dma_wait3A_402 : memref<1x40x128xf32, #tpu.memory_space<hbm>> -> memref<40x128xf32, #tpu.memory_space<hbm>>
      %dma_wait3A_404 = arith.constant 0 : i32
      %dma_wait3A_405 = arith.constant 0 : i32
      %dma_wait3A_406 = tpu.memref_slice %arg9[%dma_wait3A_395, %dma_wait3A_404, %dma_wait3A_405] : memref<5x40x128xf32, #tpu.memory_space<vmem>> -> memref<1x40x128xf32, #tpu.memory_space<vmem>>
      %dma_wait3A_407 = tpu.memref_squeeze %dma_wait3A_406 : memref<1x40x128xf32, #tpu.memory_space<vmem>> -> memref<40x128xf32, #tpu.memory_space<vmem>>
      %dma_wait3A_408 = arith.constant 0 : i32
      %dma_wait3A_409 = arith.constant 0 : i32
      %dma_wait3A_410 = tpu.memref_slice %arg3[%dma_wait3A_394, %dma_wait3A_408, %dma_wait3A_409] : memref<4000x40x128xf32, #tpu.memory_space<hbm>> -> memref<1x40x128xf32, #tpu.memory_space<hbm>>
      %dma_wait3A_411 = tpu.memref_squeeze %dma_wait3A_410 : memref<1x40x128xf32, #tpu.memory_space<hbm>> -> memref<40x128xf32, #tpu.memory_space<hbm>>
      tpu.wait_dma2 semaphore(%arg13 : memref<!tpu.dma_semaphore, #tpu.memory_space<semaphore_mem>>) src(%dma_wait3A_411 : memref<40x128xf32, #tpu.memory_space<hbm>>) dst(%dma_wait3A_407 : memref<40x128xf32, #tpu.memory_space<vmem>>)
      %scan3A_412 = arith.constant 0 : i32
      %scan3A_413 = arith.constant 0 : i32
      %scan3A_414 = arith.constant 40 : i32
      %scan3A_415 = arith.addi %scan3A_413, %scan3A_414 : i32
      %scan3A_416 = arith.constant 1 : i32
      scf.for %scan3A_650 = %scan3A_413 to %scan3A_415 step %scan3A_416  : i32 {
        %add3A_651 = arith.constant 0 : i32
        %add3A_652 = arith.addi %add3A_651, %scan3A_650 : i32
        %get3A = arith.constant 2 : i32
        %get3A_653 = arith.index_cast %get3A : i32 to index
        %get3A_654 = arith.index_cast %add3A_652 : i32 to index
        %get3A_655 = arith.constant 0 : index
        %get3A_656 = tpu.vector_load %arg8[%get3A_653, %get3A_654, %get3A_655] {strides = array<i32>} : memref<5x80x64xf32, #tpu.memory_space<vmem>>, vector<1x1x16xf32>,
        %get3A_657 = vector.shape_cast %get3A_656 : vector<1x1x16xf32> to vector<16xf32>
        %get3A_658 = arith.constant 2 : i32
        %get3A_659 = arith.index_cast %get3A_658 : i32 to index
        %get3A_660 = arith.index_cast %scan3A_650 : i32 to index
        %get3A_661 = arith.constant 0 : index
        %get3A_662 = tpu.vector_load %arg9[%get3A_659, %get3A_660, %get3A_661] {strides = array<i32>} : memref<5x40x128xf32, #tpu.memory_space<vmem>>, vector<1x1x16xf32>,
        %get3A_663 = vector.shape_cast %get3A_662 : vector<1x1x16xf32> to vector<16xf32>
        %add3A_664 = arith.addf %get3A_657, %get3A_663 : vector<16xf32>
        %max3A = arith.constant 0.000000e+00 : f32
        %max3A_665 = vector.broadcast %max3A : f32 to vector<16xf32>
        %max3A_666 = arith.maximumf %add3A_664, %max3A_665 : vector<16xf32>
        %add3A_667 = arith.constant 0 : i32
        %add3A_668 = arith.addi %add3A_667, %scan3A_650 : i32
        %swap3A = arith.constant 2 : i32
        %swap3A_669 = arith.index_cast %swap3A : i32 to index
        %swap3A_670 = arith.index_cast %add3A_668 : i32 to index
        %swap3A_671 = arith.constant 0 : index
        %swap3A_672 = tpu.vector_load %arg8[%swap3A_669, %swap3A_670, %swap3A_671] {strides = array<i32>} : memref<5x80x64xf32, #tpu.memory_space<vmem>>, vector<1x1x16xf32>,
        %swap3A_673 = vector.shape_cast %swap3A_672 : vector<1x1x16xf32> to vector<16xf32>
        %swap3A_674 = vector.shape_cast %max3A_666 : vector<16xf32> to vector<1x1x16xf32>
        tpu.vector_store %arg8[%swap3A_669, %swap3A_670, %swap3A_671], %swap3A_674 {strides = array<i32>} : memref<5x80x64xf32, #tpu.memory_space<vmem>>, vector<1x1x16xf32>,
        %add3A_675 = arith.constant 0 : i32
        %add3A_676 = arith.addi %add3A_675, %scan3A_650 : i32
        %get3A_677 = arith.constant 2 : i32
        %get3A_678 = arith.index_cast %get3A_677 : i32 to index
        %get3A_679 = arith.index_cast %add3A_676 : i32 to index
        %get3A_680 = arith.constant 16 : index
        %get3A_681 = tpu.vector_load %arg8[%get3A_678, %get3A_679, %get3A_680] {strides = array<i32>} : memref<5x80x64xf32, #tpu.memory_space<vmem>>, vector<1x1x16xf32>,
        %get3A_682 = vector.shape_cast %get3A_681 : vector<1x1x16xf32> to vector<16xf32>
        %get3A_683 = arith.constant 2 : i32
        %get3A_684 = arith.index_cast %get3A_683 : i32 to index
        %get3A_685 = arith.index_cast %scan3A_650 : i32 to index
        %get3A_686 = arith.constant 16 : index
        %get3A_687 = tpu.vector_load %arg9[%get3A_684, %get3A_685, %get3A_686] {strides = array<i32>} : memref<5x40x128xf32, #tpu.memory_space<vmem>>, vector<1x1x16xf32>,
        %get3A_688 = vector.shape_cast %get3A_687 : vector<1x1x16xf32> to vector<16xf32>
        %add3A_689 = arith.addf %get3A_682, %get3A_688 : vector<16xf32>
        %max3A_690 = arith.constant 0.000000e+00 : f32
        %max3A_691 = vector.broadcast %max3A_690 : f32 to vector<16xf32>
        %max3A_692 = arith.maximumf %add3A_689, %max3A_691 : vector<16xf32>
        %add3A_693 = arith.constant 0 : i32
        %add3A_694 = arith.addi %add3A_693, %scan3A_650 : i32
        %swap3A_695 = arith.constant 2 : i32
        %swap3A_696 = arith.index_cast %swap3A_695 : i32 to index
        %swap3A_697 = arith.index_cast %add3A_694 : i32 to index
        %swap3A_698 = arith.constant 16 : index
        %swap3A_699 = tpu.vector_load %arg8[%swap3A_696, %swap3A_697, %swap3A_698] {strides = array<i32>} : memref<5x80x64xf32, #tpu.memory_space<vmem>>, vector<1x1x16xf32>,
        %swap3A_700 = vector.shape_cast %swap3A_699 : vector<1x1x16xf32> to vector<16xf32>
        %swap3A_701 = vector.shape_cast %max3A_692 : vector<16xf32> to vector<1x1x16xf32>
        tpu.vector_store %arg8[%swap3A_696, %swap3A_697, %swap3A_698], %swap3A_701 {strides = array<i32>} : memref<5x80x64xf32, #tpu.memory_space<vmem>>, vector<1x1x16xf32>,
        %add3A_702 = arith.constant 0 : i32
        %add3A_703 = arith.addi %add3A_702, %scan3A_650 : i32
        %get3A_704 = arith.constant 2 : i32
        %get3A_705 = arith.index_cast %get3A_704 : i32 to index
        %get3A_706 = arith.index_cast %add3A_703 : i32 to index
        %get3A_707 = arith.constant 32 : index
        %get3A_708 = tpu.vector_load %arg8[%get3A_705, %get3A_706, %get3A_707] {strides = array<i32>} : memref<5x80x64xf32, #tpu.memory_space<vmem>>, vector<1x1x16xf32>,
        %get3A_709 = vector.shape_cast %get3A_708 : vector<1x1x16xf32> to vector<16xf32>
        %get3A_710 = arith.constant 2 : i32
        %get3A_711 = arith.index_cast %get3A_710 : i32 to index
        %get3A_712 = arith.index_cast %scan3A_650 : i32 to index
        %get3A_713 = arith.constant 32 : index
        %get3A_714 = tpu.vector_load %arg9[%get3A_711, %get3A_712, %get3A_713] {strides = array<i32>} : memref<5x40x128xf32, #tpu.memory_space<vmem>>, vector<1x1x16xf32>,
        %get3A_715 = vector.shape_cast %get3A_714 : vector<1x1x16xf32> to vector<16xf32>
        %add3A_716 = arith.addf %get3A_709, %get3A_715 : vector<16xf32>
        %max3A_717 = arith.constant 0.000000e+00 : f32
        %max3A_718 = vector.broadcast %max3A_717 : f32 to vector<16xf32>
        %max3A_719 = arith.maximumf %add3A_716, %max3A_718 : vector<16xf32>
        %add3A_720 = arith.constant 0 : i32
        %add3A_721 = arith.addi %add3A_720, %scan3A_650 : i32
        %swap3A_722 = arith.constant 2 : i32
        %swap3A_723 = arith.index_cast %swap3A_722 : i32 to index
        %swap3A_724 = arith.index_cast %add3A_721 : i32 to index
        %swap3A_725 = arith.constant 32 : index
        %swap3A_726 = tpu.vector_load %arg8[%swap3A_723, %swap3A_724, %swap3A_725] {strides = array<i32>} : memref<5x80x64xf32, #tpu.memory_space<vmem>>, vector<1x1x16xf32>,
        %swap3A_727 = vector.shape_cast %swap3A_726 : vector<1x1x16xf32> to vector<16xf32>
        %swap3A_728 = vector.shape_cast %max3A_719 : vector<16xf32> to vector<1x1x16xf32>
        tpu.vector_store %arg8[%swap3A_723, %swap3A_724, %swap3A_725], %swap3A_728 {strides = array<i32>} : memref<5x80x64xf32, #tpu.memory_space<vmem>>, vector<1x1x16xf32>,
        %add3A_729 = arith.constant 0 : i32
        %add3A_730 = arith.addi %add3A_729, %scan3A_650 : i32
        %get3A_731 = arith.constant 2 : i32
        %get3A_732 = arith.index_cast %get3A_731 : i32 to index
        %get3A_733 = arith.index_cast %add3A_730 : i32 to index
        %get3A_734 = arith.constant 48 : index
        %get3A_735 = tpu.vector_load %arg8[%get3A_732, %get3A_733, %get3A_734] {strides = array<i32>} : memref<5x80x64xf32, #tpu.memory_space<vmem>>, vector<1x1x16xf32>,
        %get3A_736 = vector.shape_cast %get3A_735 : vector<1x1x16xf32> to vector<16xf32>
        %get3A_737 = arith.constant 2 : i32
        %get3A_738 = arith.index_cast %get3A_737 : i32 to index
        %get3A_739 = arith.index_cast %scan3A_650 : i32 to index
        %get3A_740 = arith.constant 48 : index
        %get3A_741 = tpu.vector_load %arg9[%get3A_738, %get3A_739, %get3A_740] {strides = array<i32>} : memref<5x40x128xf32, #tpu.memory_space<vmem>>, vector<1x1x16xf32>,
        %get3A_742 = vector.shape_cast %get3A_741 : vector<1x1x16xf32> to vector<16xf32>
        %add3A_743 = arith.addf %get3A_736, %get3A_742 : vector<16xf32>
        %max3A_744 = arith.constant 0.000000e+00 : f32
        %max3A_745 = vector.broadcast %max3A_744 : f32 to vector<16xf32>
        %max3A_746 = arith.maximumf %add3A_743, %max3A_745 : vector<16xf32>
        %add3A_747 = arith.constant 0 : i32
        %add3A_748 = arith.addi %add3A_747, %scan3A_650 : i32
        %swap3A_749 = arith.constant 2 : i32
        %swap3A_750 = arith.index_cast %swap3A_749 : i32 to index
        %swap3A_751 = arith.index_cast %add3A_748 : i32 to index
        %swap3A_752 = arith.constant 48 : index
        %swap3A_753 = tpu.vector_load %arg8[%swap3A_750, %swap3A_751, %swap3A_752] {strides = array<i32>} : memref<5x80x64xf32, #tpu.memory_space<vmem>>, vector<1x1x16xf32>,
        %swap3A_754 = vector.shape_cast %swap3A_753 : vector<1x1x16xf32> to vector<16xf32>
        %swap3A_755 = vector.shape_cast %max3A_746 : vector<16xf32> to vector<1x1x16xf32>
        tpu.vector_store %arg8[%swap3A_750, %swap3A_751, %swap3A_752], %swap3A_755 {strides = array<i32>} : memref<5x80x64xf32, #tpu.memory_space<vmem>>, vector<1x1x16xf32>,
        %add3A_756 = arith.constant 40 : i32
        %add3A_757 = arith.addi %add3A_756, %scan3A_650 : i32
        %get3A_758 = arith.constant 2 : i32
        %get3A_759 = arith.index_cast %get3A_758 : i32 to index
        %get3A_760 = arith.index_cast %add3A_757 : i32 to index
        %get3A_761 = arith.constant 0 : index
        %get3A_762 = tpu.vector_load %arg8[%get3A_759, %get3A_760, %get3A_761] {strides = array<i32>} : memref<5x80x64xf32, #tpu.memory_space<vmem>>, vector<1x1x16xf32>,
        %get3A_763 = vector.shape_cast %get3A_762 : vector<1x1x16xf32> to vector<16xf32>
        %get3A_764 = arith.constant 2 : i32
        %get3A_765 = arith.index_cast %get3A_764 : i32 to index
        %get3A_766 = arith.index_cast %scan3A_650 : i32 to index
        %get3A_767 = arith.constant 64 : index
        %get3A_768 = tpu.vector_load %arg9[%get3A_765, %get3A_766, %get3A_767] {strides = array<i32>} : memref<5x40x128xf32, #tpu.memory_space<vmem>>, vector<1x1x16xf32>,
        %get3A_769 = vector.shape_cast %get3A_768 : vector<1x1x16xf32> to vector<16xf32>
        %add3A_770 = arith.addf %get3A_763, %get3A_769 : vector<16xf32>
        %max3A_771 = arith.constant 0.000000e+00 : f32
        %max3A_772 = vector.broadcast %max3A_771 : f32 to vector<16xf32>
        %max3A_773 = arith.maximumf %add3A_770, %max3A_772 : vector<16xf32>
        %add3A_774 = arith.constant 40 : i32
        %add3A_775 = arith.addi %add3A_774, %scan3A_650 : i32
        %swap3A_776 = arith.constant 2 : i32
        %swap3A_777 = arith.index_cast %swap3A_776 : i32 to index
        %swap3A_778 = arith.index_cast %add3A_775 : i32 to index
        %swap3A_779 = arith.constant 0 : index
        %swap3A_780 = tpu.vector_load %arg8[%swap3A_777, %swap3A_778, %swap3A_779] {strides = array<i32>} : memref<5x80x64xf32, #tpu.memory_space<vmem>>, vector<1x1x16xf32>,
        %swap3A_781 = vector.shape_cast %swap3A_780 : vector<1x1x16xf32> to vector<16xf32>
        %swap3A_782 = vector.shape_cast %max3A_773 : vector<16xf32> to vector<1x1x16xf32>
        tpu.vector_store %arg8[%swap3A_777, %swap3A_778, %swap3A_779], %swap3A_782 {strides = array<i32>} : memref<5x80x64xf32, #tpu.memory_space<vmem>>, vector<1x1x16xf32>,
        %add3A_783 = arith.constant 40 : i32
        %add3A_784 = arith.addi %add3A_783, %scan3A_650 : i32
        %get3A_785 = arith.constant 2 : i32
        %get3A_786 = arith.index_cast %get3A_785 : i32 to index
        %get3A_787 = arith.index_cast %add3A_784 : i32 to index
        %get3A_788 = arith.constant 16 : index
        %get3A_789 = tpu.vector_load %arg8[%get3A_786, %get3A_787, %get3A_788] {strides = array<i32>} : memref<5x80x64xf32, #tpu.memory_space<vmem>>, vector<1x1x16xf32>,
        %get3A_790 = vector.shape_cast %get3A_789 : vector<1x1x16xf32> to vector<16xf32>
        %get3A_791 = arith.constant 2 : i32
        %get3A_792 = arith.index_cast %get3A_791 : i32 to index
        %get3A_793 = arith.index_cast %scan3A_650 : i32 to index
        %get3A_794 = arith.constant 80 : index
        %get3A_795 = tpu.vector_load %arg9[%get3A_792, %get3A_793, %get3A_794] {strides = array<i32>} : memref<5x40x128xf32, #tpu.memory_space<vmem>>, vector<1x1x16xf32>,
        %get3A_796 = vector.shape_cast %get3A_795 : vector<1x1x16xf32> to vector<16xf32>
        %add3A_797 = arith.addf %get3A_790, %get3A_796 : vector<16xf32>
        %max3A_798 = arith.constant 0.000000e+00 : f32
        %max3A_799 = vector.broadcast %max3A_798 : f32 to vector<16xf32>
        %max3A_800 = arith.maximumf %add3A_797, %max3A_799 : vector<16xf32>
        %add3A_801 = arith.constant 40 : i32
        %add3A_802 = arith.addi %add3A_801, %scan3A_650 : i32
        %swap3A_803 = arith.constant 2 : i32
        %swap3A_804 = arith.index_cast %swap3A_803 : i32 to index
        %swap3A_805 = arith.index_cast %add3A_802 : i32 to index
        %swap3A_806 = arith.constant 16 : index
        %swap3A_807 = tpu.vector_load %arg8[%swap3A_804, %swap3A_805, %swap3A_806] {strides = array<i32>} : memref<5x80x64xf32, #tpu.memory_space<vmem>>, vector<1x1x16xf32>,
        %swap3A_808 = vector.shape_cast %swap3A_807 : vector<1x1x16xf32> to vector<16xf32>
        %swap3A_809 = vector.shape_cast %max3A_800 : vector<16xf32> to vector<1x1x16xf32>
        tpu.vector_store %arg8[%swap3A_804, %swap3A_805, %swap3A_806], %swap3A_809 {strides = array<i32>} : memref<5x80x64xf32, #tpu.memory_space<vmem>>, vector<1x1x16xf32>,
        %add3A_810 = arith.constant 40 : i32
        %add3A_811 = arith.addi %add3A_810, %scan3A_650 : i32
        %get3A_812 = arith.constant 2 : i32
        %get3A_813 = arith.index_cast %get3A_812 : i32 to index
        %get3A_814 = arith.index_cast %add3A_811 : i32 to index
        %get3A_815 = arith.constant 32 : index
        %get3A_816 = tpu.vector_load %arg8[%get3A_813, %get3A_814, %get3A_815] {strides = array<i32>} : memref<5x80x64xf32, #tpu.memory_space<vmem>>, vector<1x1x16xf32>,
        %get3A_817 = vector.shape_cast %get3A_816 : vector<1x1x16xf32> to vector<16xf32>
        %get3A_818 = arith.constant 2 : i32
        %get3A_819 = arith.index_cast %get3A_818 : i32 to index
        %get3A_820 = arith.index_cast %scan3A_650 : i32 to index
        %get3A_821 = arith.constant 96 : index
        %get3A_822 = tpu.vector_load %arg9[%get3A_819, %get3A_820, %get3A_821] {strides = array<i32>} : memref<5x40x128xf32, #tpu.memory_space<vmem>>, vector<1x1x16xf32>,
        %get3A_823 = vector.shape_cast %get3A_822 : vector<1x1x16xf32> to vector<16xf32>
        %add3A_824 = arith.addf %get3A_817, %get3A_823 : vector<16xf32>
        %max3A_825 = arith.constant 0.000000e+00 : f32
        %max3A_826 = vector.broadcast %max3A_825 : f32 to vector<16xf32>
        %max3A_827 = arith.maximumf %add3A_824, %max3A_826 : vector<16xf32>
        %add3A_828 = arith.constant 40 : i32
        %add3A_829 = arith.addi %add3A_828, %scan3A_650 : i32
        %swap3A_830 = arith.constant 2 : i32
        %swap3A_831 = arith.index_cast %swap3A_830 : i32 to index
        %swap3A_832 = arith.index_cast %add3A_829 : i32 to index
        %swap3A_833 = arith.constant 32 : index
        %swap3A_834 = tpu.vector_load %arg8[%swap3A_831, %swap3A_832, %swap3A_833] {strides = array<i32>} : memref<5x80x64xf32, #tpu.memory_space<vmem>>, vector<1x1x16xf32>,
        %swap3A_835 = vector.shape_cast %swap3A_834 : vector<1x1x16xf32> to vector<16xf32>
        %swap3A_836 = vector.shape_cast %max3A_827 : vector<16xf32> to vector<1x1x16xf32>
        tpu.vector_store %arg8[%swap3A_831, %swap3A_832, %swap3A_833], %swap3A_836 {strides = array<i32>} : memref<5x80x64xf32, #tpu.memory_space<vmem>>, vector<1x1x16xf32>,
        %add3A_837 = arith.constant 40 : i32
        %add3A_838 = arith.addi %add3A_837, %scan3A_650 : i32
        %get3A_839 = arith.constant 2 : i32
        %get3A_840 = arith.index_cast %get3A_839 : i32 to index
        %get3A_841 = arith.index_cast %add3A_838 : i32 to index
        %get3A_842 = arith.constant 48 : index
        %get3A_843 = tpu.vector_load %arg8[%get3A_840, %get3A_841, %get3A_842] {strides = array<i32>} : memref<5x80x64xf32, #tpu.memory_space<vmem>>, vector<1x1x16xf32>,
        %get3A_844 = vector.shape_cast %get3A_843 : vector<1x1x16xf32> to vector<16xf32>
        %get3A_845 = arith.constant 2 : i32
        %get3A_846 = arith.index_cast %get3A_845 : i32 to index
        %get3A_847 = arith.index_cast %scan3A_650 : i32 to index
        %get3A_848 = arith.constant 112 : index
        %get3A_849 = tpu.vector_load %arg9[%get3A_846, %get3A_847, %get3A_848] {strides = array<i32>} : memref<5x40x128xf32, #tpu.memory_space<vmem>>, vector<1x1x16xf32>,
        %get3A_850 = vector.shape_cast %get3A_849 : vector<1x1x16xf32> to vector<16xf32>
        %add3A_851 = arith.addf %get3A_844, %get3A_850 : vector<16xf32>
        %max3A_852 = arith.constant 0.000000e+00 : f32
        %max3A_853 = vector.broadcast %max3A_852 : f32 to vector<16xf32>
        %max3A_854 = arith.maximumf %add3A_851, %max3A_853 : vector<16xf32>
        %add3A_855 = arith.constant 40 : i32
        %add3A_856 = arith.addi %add3A_855, %scan3A_650 : i32
        %swap3A_857 = arith.constant 2 : i32
        %swap3A_858 = arith.index_cast %swap3A_857 : i32 to index
        %swap3A_859 = arith.index_cast %add3A_856 : i32 to index
        %swap3A_860 = arith.constant 48 : index
        %swap3A_861 = tpu.vector_load %arg8[%swap3A_858, %swap3A_859, %swap3A_860] {strides = array<i32>} : memref<5x80x64xf32, #tpu.memory_space<vmem>>, vector<1x1x16xf32>,
        %swap3A_862 = vector.shape_cast %swap3A_861 : vector<1x1x16xf32> to vector<16xf32>
        %swap3A_863 = vector.shape_cast %max3A_854 : vector<16xf32> to vector<1x1x16xf32>
        tpu.vector_store %arg8[%swap3A_858, %swap3A_859, %swap3A_860], %swap3A_863 {strides = array<i32>} : memref<5x80x64xf32, #tpu.memory_space<vmem>>, vector<1x1x16xf32>,
      }
      %scan3A_417 = arith.constant 40 : i32
      %dma_start3A_418 = arith.constant 2 : i32
      %dma_start3A_419 = arith.constant 2 : i32
      %dma_start3A_420 = arith.constant 1 : i32
      %dma_start3A_421 = arith.constant 0 : i32
      %dma_start3A_422 = arith.constant 0 : i32
      %dma_start3A_423 = tpu.memref_slice %arg8[%dma_start3A_418, %dma_start3A_421, %dma_start3A_422] : memref<5x80x64xf32, #tpu.memory_space<vmem>> -> memref<1x80x64xf32, #tpu.memory_space<vmem>>
      %dma_start3A_424 = tpu.memref_squeeze %dma_start3A_423 : memref<1x80x64xf32, #tpu.memory_space<vmem>> -> memref<80x64xf32, #tpu.memory_space<vmem>>
      %dma_start3A_425 = arith.constant 0 : i32
      %dma_start3A_426 = tpu.memref_slice %arg7[%dma_start3A_419, %dma_start3A_420, %dma_start3A_425] : memref<5x2x80xi32, #tpu.memory_space<vmem>> -> memref<1x1x80xi32, #tpu.memory_space<vmem>>
      %dma_start3A_427 = tpu.memref_squeeze %dma_start3A_426 : memref<1x1x80xi32, #tpu.memory_space<vmem>> -> memref<80xi32, #tpu.memory_space<vmem>>
      %dma_start3A_428 = arith.constant 0 : i32
      %dma_start3A_429 = arith.constant 0 : i32
      %dma_start3A_430 = tpu.memref_slice %arg10[%dma_start3A_428, %dma_start3A_429] : memref<10000x64xf32, #tpu.memory_space<vmem_shared>> -> memref<10000x64xf32, #tpu.memory_space<vmem_shared>>
      tpu.enqueue_indirect_dma source(%dma_start3A_424 : memref<80x64xf32, #tpu.memory_space<vmem>>) target(%dma_start3A_430 : memref<10000x64xf32, #tpu.memory_space<vmem_shared>>) offsets(%dma_start3A_427 : memref<80xi32, #tpu.memory_space<vmem>>) semaphore(%arg21 : memref<!tpu.dma_semaphore, #tpu.memory_space<semaphore_mem>>) {add = true}
      %dma_wait3A_431 = arith.constant 0 : i32
      %dma_wait3A_432 = arith.constant 0 : i32
      %dma_wait3A_433 = arith.constant 1 : i32
      %dma_wait3A_434 = arith.constant 0 : i32
      %dma_wait3A_435 = arith.constant 0 : i32
      %dma_wait3A_436 = tpu.memref_slice %arg8[%dma_wait3A_431, %dma_wait3A_434, %dma_wait3A_435] : memref<5x80x64xf32, #tpu.memory_space<vmem>> -> memref<1x80x64xf32, #tpu.memory_space<vmem>>
      %dma_wait3A_437 = tpu.memref_squeeze %dma_wait3A_436 : memref<1x80x64xf32, #tpu.memory_space<vmem>> -> memref<80x64xf32, #tpu.memory_space<vmem>>
      %dma_wait3A_438 = arith.constant 0 : i32
      %dma_wait3A_439 = tpu.memref_slice %arg7[%dma_wait3A_432, %dma_wait3A_433, %dma_wait3A_438] : memref<5x2x80xi32, #tpu.memory_space<vmem>> -> memref<1x1x80xi32, #tpu.memory_space<vmem>>
      %dma_wait3A_440 = tpu.memref_squeeze %dma_wait3A_439 : memref<1x1x80xi32, #tpu.memory_space<vmem>> -> memref<80xi32, #tpu.memory_space<vmem>>
      %dma_wait3A_441 = arith.constant 0 : i32
      %dma_wait3A_442 = arith.constant 0 : i32
      %dma_wait3A_443 = tpu.memref_slice %arg10[%dma_wait3A_441, %dma_wait3A_442] : memref<10000x64xf32, #tpu.memory_space<vmem_shared>> -> memref<10000x64xf32, #tpu.memory_space<vmem_shared>>
      tpu.wait_indirect_dma semaphore(%arg21 : memref<!tpu.dma_semaphore, #tpu.memory_space<semaphore_mem>>) src(%dma_wait3A_437 : memref<80x64xf32, #tpu.memory_space<vmem>>) dst(%dma_wait3A_443 : memref<10000x64xf32, #tpu.memory_space<vmem_shared>>)
      %add3A_444 = arith.constant 2 : i32
      %add3A_445 = arith.addi %add3A_378, %add3A_444 : i32
      %lt3A_446 = arith.constant 125 : i32
      %lt3A_447 = arith.cmpi slt, %add3A_445, %lt3A_446 : i32
      %convert_element_type3A_448 = arith.extui %lt3A_447 : i1 to i32
      %cond3A_449 = arith.constant 0 : i32
      %cond3A_450 = arith.cmpi ne, %convert_element_type3A_448, %cond3A_449 : i32
      scf.if %cond3A_450 {
        %dma_wait3A_650 = arith.constant 4 : i32
        %dma_wait3A_651 = arith.constant 0 : i32
        %dma_wait3A_652 = arith.constant 0 : i32
        %dma_wait3A_653 = tpu.memref_slice %arg7[%dma_wait3A_650, %dma_wait3A_651, %dma_wait3A_652] : memref<5x2x80xi32, #tpu.memory_space<vmem>> -> memref<1x1x80xi32, #tpu.memory_space<vmem>>
        %dma_wait3A_654 = tpu.memref_squeeze %dma_wait3A_653 : memref<1x1x80xi32, #tpu.memory_space<vmem>> -> memref<80xi32, #tpu.memory_space<vmem>>
        %dma_wait3A_655 = arith.constant 0 : i32
        %dma_wait3A_656 = tpu.memref_slice %arg4[%dma_wait3A_655] : memref<320000xi32, #tpu.memory_space<hbm>> -> memref<80xi32, #tpu.memory_space<hbm>>
        %dma_wait3A_657 = arith.constant 0 : i32
        %dma_wait3A_658 = tpu.memref_slice %arg7[%dma_wait3A_650, %dma_wait3A_651, %dma_wait3A_657] : memref<5x2x80xi32, #tpu.memory_space<vmem>> -> memref<1x1x80xi32, #tpu.memory_space<vmem>>
        %dma_wait3A_659 = tpu.memref_squeeze %dma_wait3A_658 : memref<1x1x80xi32, #tpu.memory_space<vmem>> -> memref<80xi32, #tpu.memory_space<vmem>>
        %dma_wait3A_660 = arith.constant 0 : i32
        %dma_wait3A_661 = tpu.memref_slice %arg4[%dma_wait3A_660] : memref<320000xi32, #tpu.memory_space<hbm>> -> memref<80xi32, #tpu.memory_space<hbm>>
        tpu.wait_dma2 semaphore(%arg20 : memref<!tpu.dma_semaphore, #tpu.memory_space<semaphore_mem>>) src(%dma_wait3A_661 : memref<80xi32, #tpu.memory_space<hbm>>) dst(%dma_wait3A_659 : memref<80xi32, #tpu.memory_space<vmem>>)
        %dma_wait3A_662 = arith.constant 4 : i32
        %dma_wait3A_663 = arith.constant 1 : i32
        %dma_wait3A_664 = arith.constant 0 : i32
        %dma_wait3A_665 = tpu.memref_slice %arg7[%dma_wait3A_662, %dma_wait3A_663, %dma_wait3A_664] : memref<5x2x80xi32, #tpu.memory_space<vmem>> -> memref<1x1x80xi32, #tpu.memory_space<vmem>>
        %dma_wait3A_666 = tpu.memref_squeeze %dma_wait3A_665 : memref<1x1x80xi32, #tpu.memory_space<vmem>> -> memref<80xi32, #tpu.memory_space<vmem>>
        %dma_wait3A_667 = arith.constant 0 : i32
        %dma_wait3A_668 = tpu.memref_slice %arg4[%dma_wait3A_667] : memref<320000xi32, #tpu.memory_space<hbm>> -> memref<80xi32, #tpu.memory_space<hbm>>
        %dma_wait3A_669 = arith.constant 0 : i32
        %dma_wait3A_670 = tpu.memref_slice %arg7[%dma_wait3A_662, %dma_wait3A_663, %dma_wait3A_669] : memref<5x2x80xi32, #tpu.memory_space<vmem>> -> memref<1x1x80xi32, #tpu.memory_space<vmem>>
        %dma_wait3A_671 = tpu.memref_squeeze %dma_wait3A_670 : memref<1x1x80xi32, #tpu.memory_space<vmem>> -> memref<80xi32, #tpu.memory_space<vmem>>
        %dma_wait3A_672 = arith.constant 0 : i32
        %dma_wait3A_673 = tpu.memref_slice %arg4[%dma_wait3A_672] : memref<320000xi32, #tpu.memory_space<hbm>> -> memref<80xi32, #tpu.memory_space<hbm>>
        tpu.wait_dma2 semaphore(%arg20 : memref<!tpu.dma_semaphore, #tpu.memory_space<semaphore_mem>>) src(%dma_wait3A_673 : memref<80xi32, #tpu.memory_space<hbm>>) dst(%dma_wait3A_671 : memref<80xi32, #tpu.memory_space<vmem>>)
        %add3A_674 = arith.constant 2 : i32
        %add3A_675 = arith.addi %add3A_378, %add3A_674 : i32
        %dma_start3A_676 = arith.constant 4 : i32
        %dma_start3A_677 = arith.constant 0 : i32
        %dma_start3A_678 = arith.constant 4 : i32
        %dma_start3A_679 = arith.constant 0 : i32
        %dma_start3A_680 = arith.constant 0 : i32
        %dma_start3A_681 = tpu.memref_slice %arg8[%dma_start3A_678, %dma_start3A_679, %dma_start3A_680] : memref<5x80x64xf32, #tpu.memory_space<vmem>> -> memref<1x80x64xf32, #tpu.memory_space<vmem>>
        %dma_start3A_682 = tpu.memref_squeeze %dma_start3A_681 : memref<1x80x64xf32, #tpu.memory_space<vmem>> -> memref<80x64xf32, #tpu.memory_space<vmem>>
        %dma_start3A_683 = arith.constant 0 : i32
        %dma_start3A_684 = tpu.memref_slice %arg7[%dma_start3A_676, %dma_start3A_677, %dma_start3A_683] : memref<5x2x80xi32, #tpu.memory_space<vmem>> -> memref<1x1x80xi32, #tpu.memory_space<vmem>>
        %dma_start3A_685 = tpu.memref_squeeze %dma_start3A_684 : memref<1x1x80xi32, #tpu.memory_space<vmem>> -> memref<80xi32, #tpu.memory_space<vmem>>
        %dma_start3A_686 = arith.constant 0 : i32
        %dma_start3A_687 = arith.constant 0 : i32
        %dma_start3A_688 = tpu.memref_slice %arg2[%dma_start3A_686, %dma_start3A_687] : memref<10000x64xf32, #tpu.memory_space<hbm>> -> memref<10000x64xf32, #tpu.memory_space<hbm>>
        tpu.enqueue_indirect_dma source(%dma_start3A_688 : memref<10000x64xf32, #tpu.memory_space<hbm>>) target(%dma_start3A_682 : memref<80x64xf32, #tpu.memory_space<vmem>>) offsets(%dma_start3A_685 : memref<80xi32, #tpu.memory_space<vmem>>) semaphore(%arg15 : memref<!tpu.dma_semaphore, #tpu.memory_space<semaphore_mem>>)
        %add3A_689 = arith.addi %mul3A_2, %add3A_675 : i32
        %dma_start3A_690 = arith.constant 4 : i32
        %dma_start3A_691 = arith.constant 0 : i32
        %dma_start3A_692 = arith.constant 0 : i32
        %dma_start3A_693 = tpu.memref_slice %arg9[%dma_start3A_690, %dma_start3A_691, %dma_start3A_692] : memref<5x40x128xf32, #tpu.memory_space<vmem>> -> memref<1x40x128xf32, #tpu.memory_space<vmem>>
        %dma_start3A_694 = tpu.memref_squeeze %dma_start3A_693 : memref<1x40x128xf32, #tpu.memory_space<vmem>> -> memref<40x128xf32, #tpu.memory_space<vmem>>
        %dma_start3A_695 = arith.constant 0 : i32
        %dma_start3A_696 = arith.constant 0 : i32
        %dma_start3A_697 = tpu.memref_slice %arg3[%add3A_689, %dma_start3A_695, %dma_start3A_696] : memref<4000x40x128xf32, #tpu.memory_space<hbm>> -> memref<1x40x128xf32, #tpu.memory_space<hbm>>
        %dma_start3A_698 = tpu.memref_squeeze %dma_start3A_697 : memref<1x40x128xf32, #tpu.memory_space<hbm>> -> memref<40x128xf32, #tpu.memory_space<hbm>>
        %dma_start3A_699 = arith.constant 0 : i32
        %dma_start3A_700 = arith.constant 0 : i32
        %dma_start3A_701 = tpu.memref_slice %arg9[%dma_start3A_690, %dma_start3A_699, %dma_start3A_700] : memref<5x40x128xf32, #tpu.memory_space<vmem>> -> memref<1x40x128xf32, #tpu.memory_space<vmem>>
        %dma_start3A_702 = tpu.memref_squeeze %dma_start3A_701 : memref<1x40x128xf32, #tpu.memory_space<vmem>> -> memref<40x128xf32, #tpu.memory_space<vmem>>
        %dma_start3A_703 = arith.constant 0 : i32
        %dma_start3A_704 = arith.constant 0 : i32
        %dma_start3A_705 = tpu.memref_slice %arg3[%add3A_689, %dma_start3A_703, %dma_start3A_704] : memref<4000x40x128xf32, #tpu.memory_space<hbm>> -> memref<1x40x128xf32, #tpu.memory_space<hbm>>
        %dma_start3A_706 = tpu.memref_squeeze %dma_start3A_705 : memref<1x40x128xf32, #tpu.memory_space<hbm>> -> memref<40x128xf32, #tpu.memory_space<hbm>>
        tpu.enqueue_dma source(%dma_start3A_706 : memref<40x128xf32, #tpu.memory_space<hbm>>) target(%dma_start3A_702 : memref<40x128xf32, #tpu.memory_space<vmem>>) target_semaphore(%arg15 : memref<!tpu.dma_semaphore, #tpu.memory_space<semaphore_mem>>)
      } else {
      }
      %add3A_451 = arith.constant 3 : i32
      %add3A_452 = arith.addi %add3A_378, %add3A_451 : i32
      %lt3A_453 = arith.constant 125 : i32
      %lt3A_454 = arith.cmpi slt, %add3A_452, %lt3A_453 : i32
      %convert_element_type3A_455 = arith.extui %lt3A_454 : i1 to i32
      %cond3A_456 = arith.constant 0 : i32
      %cond3A_457 = arith.cmpi ne, %convert_element_type3A_455, %cond3A_456 : i32
      scf.if %cond3A_457 {
        %add3A_650 = arith.constant 3 : i32
        %add3A_651 = arith.addi %add3A_378, %add3A_650 : i32
        %add3A_652 = arith.addi %mul3A_2, %add3A_651 : i32
        %mul3A_653 = arith.constant 80 : i32
        %mul3A_654 = arith.muli %add3A_652, %mul3A_653 : i32
        %dma_start3A_655 = arith.constant 0 : i32
        %dma_start3A_656 = arith.constant 0 : i32
        %dma_start3A_657 = arith.constant 0 : i32
        %dma_start3A_658 = tpu.memref_slice %arg7[%dma_start3A_655, %dma_start3A_656, %dma_start3A_657] : memref<5x2x80xi32, #tpu.memory_space<vmem>> -> memref<1x1x80xi32, #tpu.memory_space<vmem>>
        %dma_start3A_659 = tpu.memref_squeeze %dma_start3A_658 : memref<1x1x80xi32, #tpu.memory_space<vmem>> -> memref<80xi32, #tpu.memory_space<vmem>>
        %dma_start3A_660 = tpu.memref_slice %arg4[%mul3A_654] : memref<320000xi32, #tpu.memory_space<hbm>> -> memref<80xi32, #tpu.memory_space<hbm>>
        %dma_start3A_661 = arith.constant 0 : i32
        %dma_start3A_662 = tpu.memref_slice %arg7[%dma_start3A_655, %dma_start3A_656, %dma_start3A_661] : memref<5x2x80xi32, #tpu.memory_space<vmem>> -> memref<1x1x80xi32, #tpu.memory_space<vmem>>
        %dma_start3A_663 = tpu.memref_squeeze %dma_start3A_662 : memref<1x1x80xi32, #tpu.memory_space<vmem>> -> memref<80xi32, #tpu.memory_space<vmem>>
        %dma_start3A_664 = tpu.memref_slice %arg4[%mul3A_654] : memref<320000xi32, #tpu.memory_space<hbm>> -> memref<80xi32, #tpu.memory_space<hbm>>
        tpu.enqueue_dma source(%dma_start3A_664 : memref<80xi32, #tpu.memory_space<hbm>>) target(%dma_start3A_663 : memref<80xi32, #tpu.memory_space<vmem>>) target_semaphore(%arg16 : memref<!tpu.dma_semaphore, #tpu.memory_space<semaphore_mem>>)
        %add3A_665 = arith.addi %mul3A_2, %add3A_651 : i32
        %mul3A_666 = arith.constant 80 : i32
        %mul3A_667 = arith.muli %add3A_665, %mul3A_666 : i32
        %dma_start3A_668 = arith.constant 0 : i32
        %dma_start3A_669 = arith.constant 1 : i32
        %dma_start3A_670 = arith.constant 0 : i32
        %dma_start3A_671 = tpu.memref_slice %arg7[%dma_start3A_668, %dma_start3A_669, %dma_start3A_670] : memref<5x2x80xi32, #tpu.memory_space<vmem>> -> memref<1x1x80xi32, #tpu.memory_space<vmem>>
        %dma_start3A_672 = tpu.memref_squeeze %dma_start3A_671 : memref<1x1x80xi32, #tpu.memory_space<vmem>> -> memref<80xi32, #tpu.memory_space<vmem>>
        %dma_start3A_673 = tpu.memref_slice %arg5[%mul3A_667] : memref<320000xi32, #tpu.memory_space<hbm>> -> memref<80xi32, #tpu.memory_space<hbm>>
        %dma_start3A_674 = arith.constant 0 : i32
        %dma_start3A_675 = tpu.memref_slice %arg7[%dma_start3A_668, %dma_start3A_669, %dma_start3A_674] : memref<5x2x80xi32, #tpu.memory_space<vmem>> -> memref<1x1x80xi32, #tpu.memory_space<vmem>>
        %dma_start3A_676 = tpu.memref_squeeze %dma_start3A_675 : memref<1x1x80xi32, #tpu.memory_space<vmem>> -> memref<80xi32, #tpu.memory_space<vmem>>
        %dma_start3A_677 = tpu.memref_slice %arg5[%mul3A_667] : memref<320000xi32, #tpu.memory_space<hbm>> -> memref<80xi32, #tpu.memory_space<hbm>>
        tpu.enqueue_dma source(%dma_start3A_677 : memref<80xi32, #tpu.memory_space<hbm>>) target(%dma_start3A_676 : memref<80xi32, #tpu.memory_space<vmem>>) target_semaphore(%arg16 : memref<!tpu.dma_semaphore, #tpu.memory_space<semaphore_mem>>)
      } else {
      }
      %mul3A_458 = arith.constant 5 : i32
      %mul3A_459 = arith.muli %scan3A_237, %mul3A_458 : i32
      %add3A_460 = arith.constant 3 : i32
      %add3A_461 = arith.addi %mul3A_459, %add3A_460 : i32
      %dma_wait3A_462 = arith.constant 3 : i32
      %dma_wait3A_463 = arith.constant 0 : i32
      %dma_wait3A_464 = arith.constant 0 : i32
      %dma_wait3A_465 = tpu.memref_slice %arg8[%dma_wait3A_462, %dma_wait3A_463, %dma_wait3A_464] : memref<5x80x64xf32, #tpu.memory_space<vmem>> -> memref<1x80x64xf32, #tpu.memory_space<vmem>>
      %dma_wait3A_466 = tpu.memref_squeeze %dma_wait3A_465 : memref<1x80x64xf32, #tpu.memory_space<vmem>> -> memref<80x64xf32, #tpu.memory_space<vmem>>
      %dma_wait3A_467 = arith.constant 0 : i32
      %dma_wait3A_468 = arith.constant 0 : i32
      %dma_wait3A_469 = tpu.memref_slice %arg2[%dma_wait3A_467, %dma_wait3A_468] : memref<10000x64xf32, #tpu.memory_space<hbm>> -> memref<80x64xf32, #tpu.memory_space<hbm>>
      %dma_wait3A_470 = arith.constant 0 : i32
      %dma_wait3A_471 = arith.constant 0 : i32
      %dma_wait3A_472 = tpu.memref_slice %arg8[%dma_wait3A_462, %dma_wait3A_470, %dma_wait3A_471] : memref<5x80x64xf32, #tpu.memory_space<vmem>> -> memref<1x80x64xf32, #tpu.memory_space<vmem>>
      %dma_wait3A_473 = tpu.memref_squeeze %dma_wait3A_472 : memref<1x80x64xf32, #tpu.memory_space<vmem>> -> memref<80x64xf32, #tpu.memory_space<vmem>>
      %dma_wait3A_474 = arith.constant 0 : i32
      %dma_wait3A_475 = arith.constant 0 : i32
      %dma_wait3A_476 = tpu.memref_slice %arg2[%dma_wait3A_474, %dma_wait3A_475] : memref<10000x64xf32, #tpu.memory_space<hbm>> -> memref<80x64xf32, #tpu.memory_space<hbm>>
      tpu.wait_dma2 semaphore(%arg14 : memref<!tpu.dma_semaphore, #tpu.memory_space<semaphore_mem>>) src(%dma_wait3A_476 : memref<80x64xf32, #tpu.memory_space<hbm>>) dst(%dma_wait3A_473 : memref<80x64xf32, #tpu.memory_space<vmem>>)
      %dma_wait3A_477 = arith.constant 0 : i32
      %dma_wait3A_478 = arith.constant 3 : i32
      %dma_wait3A_479 = arith.constant 0 : i32
      %dma_wait3A_480 = arith.constant 0 : i32
      %dma_wait3A_481 = tpu.memref_slice %arg9[%dma_wait3A_478, %dma_wait3A_479, %dma_wait3A_480] : memref<5x40x128xf32, #tpu.memory_space<vmem>> -> memref<1x40x128xf32, #tpu.memory_space<vmem>>
      %dma_wait3A_482 = tpu.memref_squeeze %dma_wait3A_481 : memref<1x40x128xf32, #tpu.memory_space<vmem>> -> memref<40x128xf32, #tpu.memory_space<vmem>>
      %dma_wait3A_483 = arith.constant 0 : i32
      %dma_wait3A_484 = arith.constant 0 : i32
      %dma_wait3A_485 = tpu.memref_slice %arg3[%dma_wait3A_477, %dma_wait3A_483, %dma_wait3A_484] : memref<4000x40x128xf32, #tpu.memory_space<hbm>> -> memref<1x40x128xf32, #tpu.memory_space<hbm>>
      %dma_wait3A_486 = tpu.memref_squeeze %dma_wait3A_485 : memref<1x40x128xf32, #tpu.memory_space<hbm>> -> memref<40x128xf32, #tpu.memory_space<hbm>>
      %dma_wait3A_487 = arith.constant 0 : i32
      %dma_wait3A_488 = arith.constant 0 : i32
      %dma_wait3A_489 = tpu.memref_slice %arg9[%dma_wait3A_478, %dma_wait3A_487, %dma_wait3A_488] : memref<5x40x128xf32, #tpu.memory_space<vmem>> -> memref<1x40x128xf32, #tpu.memory_space<vmem>>
      %dma_wait3A_490 = tpu.memref_squeeze %dma_wait3A_489 : memref<1x40x128xf32, #tpu.memory_space<vmem>> -> memref<40x128xf32, #tpu.memory_space<vmem>>
      %dma_wait3A_491 = arith.constant 0 : i32
      %dma_wait3A_492 = arith.constant 0 : i32
      %dma_wait3A_493 = tpu.memref_slice %arg3[%dma_wait3A_477, %dma_wait3A_491, %dma_wait3A_492] : memref<4000x40x128xf32, #tpu.memory_space<hbm>> -> memref<1x40x128xf32, #tpu.memory_space<hbm>>
      %dma_wait3A_494 = tpu.memref_squeeze %dma_wait3A_493 : memref<1x40x128xf32, #tpu.memory_space<hbm>> -> memref<40x128xf32, #tpu.memory_space<hbm>>
      tpu.wait_dma2 semaphore(%arg14 : memref<!tpu.dma_semaphore, #tpu.memory_space<semaphore_mem>>) src(%dma_wait3A_494 : memref<40x128xf32, #tpu.memory_space<hbm>>) dst(%dma_wait3A_490 : memref<40x128xf32, #tpu.memory_space<vmem>>)
      %scan3A_495 = arith.constant 0 : i32
      %scan3A_496 = arith.constant 0 : i32
      %scan3A_497 = arith.constant 40 : i32
      %scan3A_498 = arith.addi %scan3A_496, %scan3A_497 : i32
      %scan3A_499 = arith.constant 1 : i32
      scf.for %scan3A_650 = %scan3A_496 to %scan3A_498 step %scan3A_499  : i32 {
        %add3A_651 = arith.constant 0 : i32
        %add3A_652 = arith.addi %add3A_651, %scan3A_650 : i32
        %get3A = arith.constant 3 : i32
        %get3A_653 = arith.index_cast %get3A : i32 to index
        %get3A_654 = arith.index_cast %add3A_652 : i32 to index
        %get3A_655 = arith.constant 0 : index
        %get3A_656 = tpu.vector_load %arg8[%get3A_653, %get3A_654, %get3A_655] {strides = array<i32>} : memref<5x80x64xf32, #tpu.memory_space<vmem>>, vector<1x1x16xf32>,
        %get3A_657 = vector.shape_cast %get3A_656 : vector<1x1x16xf32> to vector<16xf32>
        %get3A_658 = arith.constant 3 : i32
        %get3A_659 = arith.index_cast %get3A_658 : i32 to index
        %get3A_660 = arith.index_cast %scan3A_650 : i32 to index
        %get3A_661 = arith.constant 0 : index
        %get3A_662 = tpu.vector_load %arg9[%get3A_659, %get3A_660, %get3A_661] {strides = array<i32>} : memref<5x40x128xf32, #tpu.memory_space<vmem>>, vector<1x1x16xf32>,
        %get3A_663 = vector.shape_cast %get3A_662 : vector<1x1x16xf32> to vector<16xf32>
        %add3A_664 = arith.addf %get3A_657, %get3A_663 : vector<16xf32>
        %max3A = arith.constant 0.000000e+00 : f32
        %max3A_665 = vector.broadcast %max3A : f32 to vector<16xf32>
        %max3A_666 = arith.maximumf %add3A_664, %max3A_665 : vector<16xf32>
        %add3A_667 = arith.constant 0 : i32
        %add3A_668 = arith.addi %add3A_667, %scan3A_650 : i32
        %swap3A = arith.constant 3 : i32
        %swap3A_669 = arith.index_cast %swap3A : i32 to index
        %swap3A_670 = arith.index_cast %add3A_668 : i32 to index
        %swap3A_671 = arith.constant 0 : index
        %swap3A_672 = tpu.vector_load %arg8[%swap3A_669, %swap3A_670, %swap3A_671] {strides = array<i32>} : memref<5x80x64xf32, #tpu.memory_space<vmem>>, vector<1x1x16xf32>,
        %swap3A_673 = vector.shape_cast %swap3A_672 : vector<1x1x16xf32> to vector<16xf32>
        %swap3A_674 = vector.shape_cast %max3A_666 : vector<16xf32> to vector<1x1x16xf32>
        tpu.vector_store %arg8[%swap3A_669, %swap3A_670, %swap3A_671], %swap3A_674 {strides = array<i32>} : memref<5x80x64xf32, #tpu.memory_space<vmem>>, vector<1x1x16xf32>,
        %add3A_675 = arith.constant 0 : i32
        %add3A_676 = arith.addi %add3A_675, %scan3A_650 : i32
        %get3A_677 = arith.constant 3 : i32
        %get3A_678 = arith.index_cast %get3A_677 : i32 to index
        %get3A_679 = arith.index_cast %add3A_676 : i32 to index
        %get3A_680 = arith.constant 16 : index
        %get3A_681 = tpu.vector_load %arg8[%get3A_678, %get3A_679, %get3A_680] {strides = array<i32>} : memref<5x80x64xf32, #tpu.memory_space<vmem>>, vector<1x1x16xf32>,
        %get3A_682 = vector.shape_cast %get3A_681 : vector<1x1x16xf32> to vector<16xf32>
        %get3A_683 = arith.constant 3 : i32
        %get3A_684 = arith.index_cast %get3A_683 : i32 to index
        %get3A_685 = arith.index_cast %scan3A_650 : i32 to index
        %get3A_686 = arith.constant 16 : index
        %get3A_687 = tpu.vector_load %arg9[%get3A_684, %get3A_685, %get3A_686] {strides = array<i32>} : memref<5x40x128xf32, #tpu.memory_space<vmem>>, vector<1x1x16xf32>,
        %get3A_688 = vector.shape_cast %get3A_687 : vector<1x1x16xf32> to vector<16xf32>
        %add3A_689 = arith.addf %get3A_682, %get3A_688 : vector<16xf32>
        %max3A_690 = arith.constant 0.000000e+00 : f32
        %max3A_691 = vector.broadcast %max3A_690 : f32 to vector<16xf32>
        %max3A_692 = arith.maximumf %add3A_689, %max3A_691 : vector<16xf32>
        %add3A_693 = arith.constant 0 : i32
        %add3A_694 = arith.addi %add3A_693, %scan3A_650 : i32
        %swap3A_695 = arith.constant 3 : i32
        %swap3A_696 = arith.index_cast %swap3A_695 : i32 to index
        %swap3A_697 = arith.index_cast %add3A_694 : i32 to index
        %swap3A_698 = arith.constant 16 : index
        %swap3A_699 = tpu.vector_load %arg8[%swap3A_696, %swap3A_697, %swap3A_698] {strides = array<i32>} : memref<5x80x64xf32, #tpu.memory_space<vmem>>, vector<1x1x16xf32>,
        %swap3A_700 = vector.shape_cast %swap3A_699 : vector<1x1x16xf32> to vector<16xf32>
        %swap3A_701 = vector.shape_cast %max3A_692 : vector<16xf32> to vector<1x1x16xf32>
        tpu.vector_store %arg8[%swap3A_696, %swap3A_697, %swap3A_698], %swap3A_701 {strides = array<i32>} : memref<5x80x64xf32, #tpu.memory_space<vmem>>, vector<1x1x16xf32>,
        %add3A_702 = arith.constant 0 : i32
        %add3A_703 = arith.addi %add3A_702, %scan3A_650 : i32
        %get3A_704 = arith.constant 3 : i32
        %get3A_705 = arith.index_cast %get3A_704 : i32 to index
        %get3A_706 = arith.index_cast %add3A_703 : i32 to index
        %get3A_707 = arith.constant 32 : index
        %get3A_708 = tpu.vector_load %arg8[%get3A_705, %get3A_706, %get3A_707] {strides = array<i32>} : memref<5x80x64xf32, #tpu.memory_space<vmem>>, vector<1x1x16xf32>,
        %get3A_709 = vector.shape_cast %get3A_708 : vector<1x1x16xf32> to vector<16xf32>
        %get3A_710 = arith.constant 3 : i32
        %get3A_711 = arith.index_cast %get3A_710 : i32 to index
        %get3A_712 = arith.index_cast %scan3A_650 : i32 to index
        %get3A_713 = arith.constant 32 : index
        %get3A_714 = tpu.vector_load %arg9[%get3A_711, %get3A_712, %get3A_713] {strides = array<i32>} : memref<5x40x128xf32, #tpu.memory_space<vmem>>, vector<1x1x16xf32>,
        %get3A_715 = vector.shape_cast %get3A_714 : vector<1x1x16xf32> to vector<16xf32>
        %add3A_716 = arith.addf %get3A_709, %get3A_715 : vector<16xf32>
        %max3A_717 = arith.constant 0.000000e+00 : f32
        %max3A_718 = vector.broadcast %max3A_717 : f32 to vector<16xf32>
        %max3A_719 = arith.maximumf %add3A_716, %max3A_718 : vector<16xf32>
        %add3A_720 = arith.constant 0 : i32
        %add3A_721 = arith.addi %add3A_720, %scan3A_650 : i32
        %swap3A_722 = arith.constant 3 : i32
        %swap3A_723 = arith.index_cast %swap3A_722 : i32 to index
        %swap3A_724 = arith.index_cast %add3A_721 : i32 to index
        %swap3A_725 = arith.constant 32 : index
        %swap3A_726 = tpu.vector_load %arg8[%swap3A_723, %swap3A_724, %swap3A_725] {strides = array<i32>} : memref<5x80x64xf32, #tpu.memory_space<vmem>>, vector<1x1x16xf32>,
        %swap3A_727 = vector.shape_cast %swap3A_726 : vector<1x1x16xf32> to vector<16xf32>
        %swap3A_728 = vector.shape_cast %max3A_719 : vector<16xf32> to vector<1x1x16xf32>
        tpu.vector_store %arg8[%swap3A_723, %swap3A_724, %swap3A_725], %swap3A_728 {strides = array<i32>} : memref<5x80x64xf32, #tpu.memory_space<vmem>>, vector<1x1x16xf32>,
        %add3A_729 = arith.constant 0 : i32
        %add3A_730 = arith.addi %add3A_729, %scan3A_650 : i32
        %get3A_731 = arith.constant 3 : i32
        %get3A_732 = arith.index_cast %get3A_731 : i32 to index
        %get3A_733 = arith.index_cast %add3A_730 : i32 to index
        %get3A_734 = arith.constant 48 : index
        %get3A_735 = tpu.vector_load %arg8[%get3A_732, %get3A_733, %get3A_734] {strides = array<i32>} : memref<5x80x64xf32, #tpu.memory_space<vmem>>, vector<1x1x16xf32>,
        %get3A_736 = vector.shape_cast %get3A_735 : vector<1x1x16xf32> to vector<16xf32>
        %get3A_737 = arith.constant 3 : i32
        %get3A_738 = arith.index_cast %get3A_737 : i32 to index
        %get3A_739 = arith.index_cast %scan3A_650 : i32 to index
        %get3A_740 = arith.constant 48 : index
        %get3A_741 = tpu.vector_load %arg9[%get3A_738, %get3A_739, %get3A_740] {strides = array<i32>} : memref<5x40x128xf32, #tpu.memory_space<vmem>>, vector<1x1x16xf32>,
        %get3A_742 = vector.shape_cast %get3A_741 : vector<1x1x16xf32> to vector<16xf32>
        %add3A_743 = arith.addf %get3A_736, %get3A_742 : vector<16xf32>
        %max3A_744 = arith.constant 0.000000e+00 : f32
        %max3A_745 = vector.broadcast %max3A_744 : f32 to vector<16xf32>
        %max3A_746 = arith.maximumf %add3A_743, %max3A_745 : vector<16xf32>
        %add3A_747 = arith.constant 0 : i32
        %add3A_748 = arith.addi %add3A_747, %scan3A_650 : i32
        %swap3A_749 = arith.constant 3 : i32
        %swap3A_750 = arith.index_cast %swap3A_749 : i32 to index
        %swap3A_751 = arith.index_cast %add3A_748 : i32 to index
        %swap3A_752 = arith.constant 48 : index
        %swap3A_753 = tpu.vector_load %arg8[%swap3A_750, %swap3A_751, %swap3A_752] {strides = array<i32>} : memref<5x80x64xf32, #tpu.memory_space<vmem>>, vector<1x1x16xf32>,
        %swap3A_754 = vector.shape_cast %swap3A_753 : vector<1x1x16xf32> to vector<16xf32>
        %swap3A_755 = vector.shape_cast %max3A_746 : vector<16xf32> to vector<1x1x16xf32>
        tpu.vector_store %arg8[%swap3A_750, %swap3A_751, %swap3A_752], %swap3A_755 {strides = array<i32>} : memref<5x80x64xf32, #tpu.memory_space<vmem>>, vector<1x1x16xf32>,
        %add3A_756 = arith.constant 40 : i32
        %add3A_757 = arith.addi %add3A_756, %scan3A_650 : i32
        %get3A_758 = arith.constant 3 : i32
        %get3A_759 = arith.index_cast %get3A_758 : i32 to index
        %get3A_760 = arith.index_cast %add3A_757 : i32 to index
        %get3A_761 = arith.constant 0 : index
        %get3A_762 = tpu.vector_load %arg8[%get3A_759, %get3A_760, %get3A_761] {strides = array<i32>} : memref<5x80x64xf32, #tpu.memory_space<vmem>>, vector<1x1x16xf32>,
        %get3A_763 = vector.shape_cast %get3A_762 : vector<1x1x16xf32> to vector<16xf32>
        %get3A_764 = arith.constant 3 : i32
        %get3A_765 = arith.index_cast %get3A_764 : i32 to index
        %get3A_766 = arith.index_cast %scan3A_650 : i32 to index
        %get3A_767 = arith.constant 64 : index
        %get3A_768 = tpu.vector_load %arg9[%get3A_765, %get3A_766, %get3A_767] {strides = array<i32>} : memref<5x40x128xf32, #tpu.memory_space<vmem>>, vector<1x1x16xf32>,
        %get3A_769 = vector.shape_cast %get3A_768 : vector<1x1x16xf32> to vector<16xf32>
        %add3A_770 = arith.addf %get3A_763, %get3A_769 : vector<16xf32>
        %max3A_771 = arith.constant 0.000000e+00 : f32
        %max3A_772 = vector.broadcast %max3A_771 : f32 to vector<16xf32>
        %max3A_773 = arith.maximumf %add3A_770, %max3A_772 : vector<16xf32>
        %add3A_774 = arith.constant 40 : i32
        %add3A_775 = arith.addi %add3A_774, %scan3A_650 : i32
        %swap3A_776 = arith.constant 3 : i32
        %swap3A_777 = arith.index_cast %swap3A_776 : i32 to index
        %swap3A_778 = arith.index_cast %add3A_775 : i32 to index
        %swap3A_779 = arith.constant 0 : index
        %swap3A_780 = tpu.vector_load %arg8[%swap3A_777, %swap3A_778, %swap3A_779] {strides = array<i32>} : memref<5x80x64xf32, #tpu.memory_space<vmem>>, vector<1x1x16xf32>,
        %swap3A_781 = vector.shape_cast %swap3A_780 : vector<1x1x16xf32> to vector<16xf32>
        %swap3A_782 = vector.shape_cast %max3A_773 : vector<16xf32> to vector<1x1x16xf32>
        tpu.vector_store %arg8[%swap3A_777, %swap3A_778, %swap3A_779], %swap3A_782 {strides = array<i32>} : memref<5x80x64xf32, #tpu.memory_space<vmem>>, vector<1x1x16xf32>,
        %add3A_783 = arith.constant 40 : i32
        %add3A_784 = arith.addi %add3A_783, %scan3A_650 : i32
        %get3A_785 = arith.constant 3 : i32
        %get3A_786 = arith.index_cast %get3A_785 : i32 to index
        %get3A_787 = arith.index_cast %add3A_784 : i32 to index
        %get3A_788 = arith.constant 16 : index
        %get3A_789 = tpu.vector_load %arg8[%get3A_786, %get3A_787, %get3A_788] {strides = array<i32>} : memref<5x80x64xf32, #tpu.memory_space<vmem>>, vector<1x1x16xf32>,
        %get3A_790 = vector.shape_cast %get3A_789 : vector<1x1x16xf32> to vector<16xf32>
        %get3A_791 = arith.constant 3 : i32
        %get3A_792 = arith.index_cast %get3A_791 : i32 to index
        %get3A_793 = arith.index_cast %scan3A_650 : i32 to index
        %get3A_794 = arith.constant 80 : index
        %get3A_795 = tpu.vector_load %arg9[%get3A_792, %get3A_793, %get3A_794] {strides = array<i32>} : memref<5x40x128xf32, #tpu.memory_space<vmem>>, vector<1x1x16xf32>,
        %get3A_796 = vector.shape_cast %get3A_795 : vector<1x1x16xf32> to vector<16xf32>
        %add3A_797 = arith.addf %get3A_790, %get3A_796 : vector<16xf32>
        %max3A_798 = arith.constant 0.000000e+00 : f32
        %max3A_799 = vector.broadcast %max3A_798 : f32 to vector<16xf32>
        %max3A_800 = arith.maximumf %add3A_797, %max3A_799 : vector<16xf32>
        %add3A_801 = arith.constant 40 : i32
        %add3A_802 = arith.addi %add3A_801, %scan3A_650 : i32
        %swap3A_803 = arith.constant 3 : i32
        %swap3A_804 = arith.index_cast %swap3A_803 : i32 to index
        %swap3A_805 = arith.index_cast %add3A_802 : i32 to index
        %swap3A_806 = arith.constant 16 : index
        %swap3A_807 = tpu.vector_load %arg8[%swap3A_804, %swap3A_805, %swap3A_806] {strides = array<i32>} : memref<5x80x64xf32, #tpu.memory_space<vmem>>, vector<1x1x16xf32>,
        %swap3A_808 = vector.shape_cast %swap3A_807 : vector<1x1x16xf32> to vector<16xf32>
        %swap3A_809 = vector.shape_cast %max3A_800 : vector<16xf32> to vector<1x1x16xf32>
        tpu.vector_store %arg8[%swap3A_804, %swap3A_805, %swap3A_806], %swap3A_809 {strides = array<i32>} : memref<5x80x64xf32, #tpu.memory_space<vmem>>, vector<1x1x16xf32>,
        %add3A_810 = arith.constant 40 : i32
        %add3A_811 = arith.addi %add3A_810, %scan3A_650 : i32
        %get3A_812 = arith.constant 3 : i32
        %get3A_813 = arith.index_cast %get3A_812 : i32 to index
        %get3A_814 = arith.index_cast %add3A_811 : i32 to index
        %get3A_815 = arith.constant 32 : index
        %get3A_816 = tpu.vector_load %arg8[%get3A_813, %get3A_814, %get3A_815] {strides = array<i32>} : memref<5x80x64xf32, #tpu.memory_space<vmem>>, vector<1x1x16xf32>,
        %get3A_817 = vector.shape_cast %get3A_816 : vector<1x1x16xf32> to vector<16xf32>
        %get3A_818 = arith.constant 3 : i32
        %get3A_819 = arith.index_cast %get3A_818 : i32 to index
        %get3A_820 = arith.index_cast %scan3A_650 : i32 to index
        %get3A_821 = arith.constant 96 : index
        %get3A_822 = tpu.vector_load %arg9[%get3A_819, %get3A_820, %get3A_821] {strides = array<i32>} : memref<5x40x128xf32, #tpu.memory_space<vmem>>, vector<1x1x16xf32>,
        %get3A_823 = vector.shape_cast %get3A_822 : vector<1x1x16xf32> to vector<16xf32>
        %add3A_824 = arith.addf %get3A_817, %get3A_823 : vector<16xf32>
        %max3A_825 = arith.constant 0.000000e+00 : f32
        %max3A_826 = vector.broadcast %max3A_825 : f32 to vector<16xf32>
        %max3A_827 = arith.maximumf %add3A_824, %max3A_826 : vector<16xf32>
        %add3A_828 = arith.constant 40 : i32
        %add3A_829 = arith.addi %add3A_828, %scan3A_650 : i32
        %swap3A_830 = arith.constant 3 : i32
        %swap3A_831 = arith.index_cast %swap3A_830 : i32 to index
        %swap3A_832 = arith.index_cast %add3A_829 : i32 to index
        %swap3A_833 = arith.constant 32 : index
        %swap3A_834 = tpu.vector_load %arg8[%swap3A_831, %swap3A_832, %swap3A_833] {strides = array<i32>} : memref<5x80x64xf32, #tpu.memory_space<vmem>>, vector<1x1x16xf32>,
        %swap3A_835 = vector.shape_cast %swap3A_834 : vector<1x1x16xf32> to vector<16xf32>
        %swap3A_836 = vector.shape_cast %max3A_827 : vector<16xf32> to vector<1x1x16xf32>
        tpu.vector_store %arg8[%swap3A_831, %swap3A_832, %swap3A_833], %swap3A_836 {strides = array<i32>} : memref<5x80x64xf32, #tpu.memory_space<vmem>>, vector<1x1x16xf32>,
        %add3A_837 = arith.constant 40 : i32
        %add3A_838 = arith.addi %add3A_837, %scan3A_650 : i32
        %get3A_839 = arith.constant 3 : i32
        %get3A_840 = arith.index_cast %get3A_839 : i32 to index
        %get3A_841 = arith.index_cast %add3A_838 : i32 to index
        %get3A_842 = arith.constant 48 : index
        %get3A_843 = tpu.vector_load %arg8[%get3A_840, %get3A_841, %get3A_842] {strides = array<i32>} : memref<5x80x64xf32, #tpu.memory_space<vmem>>, vector<1x1x16xf32>,
        %get3A_844 = vector.shape_cast %get3A_843 : vector<1x1x16xf32> to vector<16xf32>
        %get3A_845 = arith.constant 3 : i32
        %get3A_846 = arith.index_cast %get3A_845 : i32 to index
        %get3A_847 = arith.index_cast %scan3A_650 : i32 to index
        %get3A_848 = arith.constant 112 : index
        %get3A_849 = tpu.vector_load %arg9[%get3A_846, %get3A_847, %get3A_848] {strides = array<i32>} : memref<5x40x128xf32, #tpu.memory_space<vmem>>, vector<1x1x16xf32>,
        %get3A_850 = vector.shape_cast %get3A_849 : vector<1x1x16xf32> to vector<16xf32>
        %add3A_851 = arith.addf %get3A_844, %get3A_850 : vector<16xf32>
        %max3A_852 = arith.constant 0.000000e+00 : f32
        %max3A_853 = vector.broadcast %max3A_852 : f32 to vector<16xf32>
        %max3A_854 = arith.maximumf %add3A_851, %max3A_853 : vector<16xf32>
        %add3A_855 = arith.constant 40 : i32
        %add3A_856 = arith.addi %add3A_855, %scan3A_650 : i32
        %swap3A_857 = arith.constant 3 : i32
        %swap3A_858 = arith.index_cast %swap3A_857 : i32 to index
        %swap3A_859 = arith.index_cast %add3A_856 : i32 to index
        %swap3A_860 = arith.constant 48 : index
        %swap3A_861 = tpu.vector_load %arg8[%swap3A_858, %swap3A_859, %swap3A_860] {strides = array<i32>} : memref<5x80x64xf32, #tpu.memory_space<vmem>>, vector<1x1x16xf32>,
        %swap3A_862 = vector.shape_cast %swap3A_861 : vector<1x1x16xf32> to vector<16xf32>
        %swap3A_863 = vector.shape_cast %max3A_854 : vector<16xf32> to vector<1x1x16xf32>
        tpu.vector_store %arg8[%swap3A_858, %swap3A_859, %swap3A_860], %swap3A_863 {strides = array<i32>} : memref<5x80x64xf32, #tpu.memory_space<vmem>>, vector<1x1x16xf32>,
      }
      %scan3A_500 = arith.constant 40 : i32
      %dma_start3A_501 = arith.constant 3 : i32
      %dma_start3A_502 = arith.constant 3 : i32
      %dma_start3A_503 = arith.constant 1 : i32
      %dma_start3A_504 = arith.constant 0 : i32
      %dma_start3A_505 = arith.constant 0 : i32
      %dma_start3A_506 = tpu.memref_slice %arg8[%dma_start3A_501, %dma_start3A_504, %dma_start3A_505] : memref<5x80x64xf32, #tpu.memory_space<vmem>> -> memref<1x80x64xf32, #tpu.memory_space<vmem>>
      %dma_start3A_507 = tpu.memref_squeeze %dma_start3A_506 : memref<1x80x64xf32, #tpu.memory_space<vmem>> -> memref<80x64xf32, #tpu.memory_space<vmem>>
      %dma_start3A_508 = arith.constant 0 : i32
      %dma_start3A_509 = tpu.memref_slice %arg7[%dma_start3A_502, %dma_start3A_503, %dma_start3A_508] : memref<5x2x80xi32, #tpu.memory_space<vmem>> -> memref<1x1x80xi32, #tpu.memory_space<vmem>>
      %dma_start3A_510 = tpu.memref_squeeze %dma_start3A_509 : memref<1x1x80xi32, #tpu.memory_space<vmem>> -> memref<80xi32, #tpu.memory_space<vmem>>
      %dma_start3A_511 = arith.constant 0 : i32
      %dma_start3A_512 = arith.constant 0 : i32
      %dma_start3A_513 = tpu.memref_slice %arg10[%dma_start3A_511, %dma_start3A_512] : memref<10000x64xf32, #tpu.memory_space<vmem_shared>> -> memref<10000x64xf32, #tpu.memory_space<vmem_shared>>
      tpu.enqueue_indirect_dma source(%dma_start3A_507 : memref<80x64xf32, #tpu.memory_space<vmem>>) target(%dma_start3A_513 : memref<10000x64xf32, #tpu.memory_space<vmem_shared>>) offsets(%dma_start3A_510 : memref<80xi32, #tpu.memory_space<vmem>>) semaphore(%arg22 : memref<!tpu.dma_semaphore, #tpu.memory_space<semaphore_mem>>) {add = true}
      %dma_wait3A_514 = arith.constant 1 : i32
      %dma_wait3A_515 = arith.constant 1 : i32
      %dma_wait3A_516 = arith.constant 1 : i32
      %dma_wait3A_517 = arith.constant 0 : i32
      %dma_wait3A_518 = arith.constant 0 : i32
      %dma_wait3A_519 = tpu.memref_slice %arg8[%dma_wait3A_514, %dma_wait3A_517, %dma_wait3A_518] : memref<5x80x64xf32, #tpu.memory_space<vmem>> -> memref<1x80x64xf32, #tpu.memory_space<vmem>>
      %dma_wait3A_520 = tpu.memref_squeeze %dma_wait3A_519 : memref<1x80x64xf32, #tpu.memory_space<vmem>> -> memref<80x64xf32, #tpu.memory_space<vmem>>
      %dma_wait3A_521 = arith.constant 0 : i32
      %dma_wait3A_522 = tpu.memref_slice %arg7[%dma_wait3A_515, %dma_wait3A_516, %dma_wait3A_521] : memref<5x2x80xi32, #tpu.memory_space<vmem>> -> memref<1x1x80xi32, #tpu.memory_space<vmem>>
      %dma_wait3A_523 = tpu.memref_squeeze %dma_wait3A_522 : memref<1x1x80xi32, #tpu.memory_space<vmem>> -> memref<80xi32, #tpu.memory_space<vmem>>
      %dma_wait3A_524 = arith.constant 0 : i32
      %dma_wait3A_525 = arith.constant 0 : i32
      %dma_wait3A_526 = tpu.memref_slice %arg10[%dma_wait3A_524, %dma_wait3A_525] : memref<10000x64xf32, #tpu.memory_space<vmem_shared>> -> memref<10000x64xf32, #tpu.memory_space<vmem_shared>>
      tpu.wait_indirect_dma semaphore(%arg22 : memref<!tpu.dma_semaphore, #tpu.memory_space<semaphore_mem>>) src(%dma_wait3A_520 : memref<80x64xf32, #tpu.memory_space<vmem>>) dst(%dma_wait3A_526 : memref<10000x64xf32, #tpu.memory_space<vmem_shared>>)
      %add3A_527 = arith.constant 2 : i32
      %add3A_528 = arith.addi %add3A_461, %add3A_527 : i32
      %lt3A_529 = arith.constant 125 : i32
      %lt3A_530 = arith.cmpi slt, %add3A_528, %lt3A_529 : i32
      %convert_element_type3A_531 = arith.extui %lt3A_530 : i1 to i32
      %cond3A_532 = arith.constant 0 : i32
      %cond3A_533 = arith.cmpi ne, %convert_element_type3A_531, %cond3A_532 : i32
      scf.if %cond3A_533 {
        %dma_wait3A_650 = arith.constant 0 : i32
        %dma_wait3A_651 = arith.constant 0 : i32
        %dma_wait3A_652 = arith.constant 0 : i32
        %dma_wait3A_653 = tpu.memref_slice %arg7[%dma_wait3A_650, %dma_wait3A_651, %dma_wait3A_652] : memref<5x2x80xi32, #tpu.memory_space<vmem>> -> memref<1x1x80xi32, #tpu.memory_space<vmem>>
        %dma_wait3A_654 = tpu.memref_squeeze %dma_wait3A_653 : memref<1x1x80xi32, #tpu.memory_space<vmem>> -> memref<80xi32, #tpu.memory_space<vmem>>
        %dma_wait3A_655 = arith.constant 0 : i32
        %dma_wait3A_656 = tpu.memref_slice %arg4[%dma_wait3A_655] : memref<320000xi32, #tpu.memory_space<hbm>> -> memref<80xi32, #tpu.memory_space<hbm>>
        %dma_wait3A_657 = arith.constant 0 : i32
        %dma_wait3A_658 = tpu.memref_slice %arg7[%dma_wait3A_650, %dma_wait3A_651, %dma_wait3A_657] : memref<5x2x80xi32, #tpu.memory_space<vmem>> -> memref<1x1x80xi32, #tpu.memory_space<vmem>>
        %dma_wait3A_659 = tpu.memref_squeeze %dma_wait3A_658 : memref<1x1x80xi32, #tpu.memory_space<vmem>> -> memref<80xi32, #tpu.memory_space<vmem>>
        %dma_wait3A_660 = arith.constant 0 : i32
        %dma_wait3A_661 = tpu.memref_slice %arg4[%dma_wait3A_660] : memref<320000xi32, #tpu.memory_space<hbm>> -> memref<80xi32, #tpu.memory_space<hbm>>
        tpu.wait_dma2 semaphore(%arg16 : memref<!tpu.dma_semaphore, #tpu.memory_space<semaphore_mem>>) src(%dma_wait3A_661 : memref<80xi32, #tpu.memory_space<hbm>>) dst(%dma_wait3A_659 : memref<80xi32, #tpu.memory_space<vmem>>)
        %dma_wait3A_662 = arith.constant 0 : i32
        %dma_wait3A_663 = arith.constant 1 : i32
        %dma_wait3A_664 = arith.constant 0 : i32
        %dma_wait3A_665 = tpu.memref_slice %arg7[%dma_wait3A_662, %dma_wait3A_663, %dma_wait3A_664] : memref<5x2x80xi32, #tpu.memory_space<vmem>> -> memref<1x1x80xi32, #tpu.memory_space<vmem>>
        %dma_wait3A_666 = tpu.memref_squeeze %dma_wait3A_665 : memref<1x1x80xi32, #tpu.memory_space<vmem>> -> memref<80xi32, #tpu.memory_space<vmem>>
        %dma_wait3A_667 = arith.constant 0 : i32
        %dma_wait3A_668 = tpu.memref_slice %arg4[%dma_wait3A_667] : memref<320000xi32, #tpu.memory_space<hbm>> -> memref<80xi32, #tpu.memory_space<hbm>>
        %dma_wait3A_669 = arith.constant 0 : i32
        %dma_wait3A_670 = tpu.memref_slice %arg7[%dma_wait3A_662, %dma_wait3A_663, %dma_wait3A_669] : memref<5x2x80xi32, #tpu.memory_space<vmem>> -> memref<1x1x80xi32, #tpu.memory_space<vmem>>
        %dma_wait3A_671 = tpu.memref_squeeze %dma_wait3A_670 : memref<1x1x80xi32, #tpu.memory_space<vmem>> -> memref<80xi32, #tpu.memory_space<vmem>>
        %dma_wait3A_672 = arith.constant 0 : i32
        %dma_wait3A_673 = tpu.memref_slice %arg4[%dma_wait3A_672] : memref<320000xi32, #tpu.memory_space<hbm>> -> memref<80xi32, #tpu.memory_space<hbm>>
        tpu.wait_dma2 semaphore(%arg16 : memref<!tpu.dma_semaphore, #tpu.memory_space<semaphore_mem>>) src(%dma_wait3A_673 : memref<80xi32, #tpu.memory_space<hbm>>) dst(%dma_wait3A_671 : memref<80xi32, #tpu.memory_space<vmem>>)
        %add3A_674 = arith.constant 2 : i32
        %add3A_675 = arith.addi %add3A_461, %add3A_674 : i32
        %dma_start3A_676 = arith.constant 0 : i32
        %dma_start3A_677 = arith.constant 0 : i32
        %dma_start3A_678 = arith.constant 0 : i32
        %dma_start3A_679 = arith.constant 0 : i32
        %dma_start3A_680 = arith.constant 0 : i32
        %dma_start3A_681 = tpu.memref_slice %arg8[%dma_start3A_678, %dma_start3A_679, %dma_start3A_680] : memref<5x80x64xf32, #tpu.memory_space<vmem>> -> memref<1x80x64xf32, #tpu.memory_space<vmem>>
        %dma_start3A_682 = tpu.memref_squeeze %dma_start3A_681 : memref<1x80x64xf32, #tpu.memory_space<vmem>> -> memref<80x64xf32, #tpu.memory_space<vmem>>
        %dma_start3A_683 = arith.constant 0 : i32
        %dma_start3A_684 = tpu.memref_slice %arg7[%dma_start3A_676, %dma_start3A_677, %dma_start3A_683] : memref<5x2x80xi32, #tpu.memory_space<vmem>> -> memref<1x1x80xi32, #tpu.memory_space<vmem>>
        %dma_start3A_685 = tpu.memref_squeeze %dma_start3A_684 : memref<1x1x80xi32, #tpu.memory_space<vmem>> -> memref<80xi32, #tpu.memory_space<vmem>>
        %dma_start3A_686 = arith.constant 0 : i32
        %dma_start3A_687 = arith.constant 0 : i32
        %dma_start3A_688 = tpu.memref_slice %arg2[%dma_start3A_686, %dma_start3A_687] : memref<10000x64xf32, #tpu.memory_space<hbm>> -> memref<10000x64xf32, #tpu.memory_space<hbm>>
        tpu.enqueue_indirect_dma source(%dma_start3A_688 : memref<10000x64xf32, #tpu.memory_space<hbm>>) target(%dma_start3A_682 : memref<80x64xf32, #tpu.memory_space<vmem>>) offsets(%dma_start3A_685 : memref<80xi32, #tpu.memory_space<vmem>>) semaphore(%arg11 : memref<!tpu.dma_semaphore, #tpu.memory_space<semaphore_mem>>)
        %add3A_689 = arith.addi %mul3A_2, %add3A_675 : i32
        %dma_start3A_690 = arith.constant 0 : i32
        %dma_start3A_691 = arith.constant 0 : i32
        %dma_start3A_692 = arith.constant 0 : i32
        %dma_start3A_693 = tpu.memref_slice %arg9[%dma_start3A_690, %dma_start3A_691, %dma_start3A_692] : memref<5x40x128xf32, #tpu.memory_space<vmem>> -> memref<1x40x128xf32, #tpu.memory_space<vmem>>
        %dma_start3A_694 = tpu.memref_squeeze %dma_start3A_693 : memref<1x40x128xf32, #tpu.memory_space<vmem>> -> memref<40x128xf32, #tpu.memory_space<vmem>>
        %dma_start3A_695 = arith.constant 0 : i32
        %dma_start3A_696 = arith.constant 0 : i32
        %dma_start3A_697 = tpu.memref_slice %arg3[%add3A_689, %dma_start3A_695, %dma_start3A_696] : memref<4000x40x128xf32, #tpu.memory_space<hbm>> -> memref<1x40x128xf32, #tpu.memory_space<hbm>>
        %dma_start3A_698 = tpu.memref_squeeze %dma_start3A_697 : memref<1x40x128xf32, #tpu.memory_space<hbm>> -> memref<40x128xf32, #tpu.memory_space<hbm>>
        %dma_start3A_699 = arith.constant 0 : i32
        %dma_start3A_700 = arith.constant 0 : i32
        %dma_start3A_701 = tpu.memref_slice %arg9[%dma_start3A_690, %dma_start3A_699, %dma_start3A_700] : memref<5x40x128xf32, #tpu.memory_space<vmem>> -> memref<1x40x128xf32, #tpu.memory_space<vmem>>
        %dma_start3A_702 = tpu.memref_squeeze %dma_start3A_701 : memref<1x40x128xf32, #tpu.memory_space<vmem>> -> memref<40x128xf32, #tpu.memory_space<vmem>>
        %dma_start3A_703 = arith.constant 0 : i32
        %dma_start3A_704 = arith.constant 0 : i32
        %dma_start3A_705 = tpu.memref_slice %arg3[%add3A_689, %dma_start3A_703, %dma_start3A_704] : memref<4000x40x128xf32, #tpu.memory_space<hbm>> -> memref<1x40x128xf32, #tpu.memory_space<hbm>>
        %dma_start3A_706 = tpu.memref_squeeze %dma_start3A_705 : memref<1x40x128xf32, #tpu.memory_space<hbm>> -> memref<40x128xf32, #tpu.memory_space<hbm>>
        tpu.enqueue_dma source(%dma_start3A_706 : memref<40x128xf32, #tpu.memory_space<hbm>>) target(%dma_start3A_702 : memref<40x128xf32, #tpu.memory_space<vmem>>) target_semaphore(%arg11 : memref<!tpu.dma_semaphore, #tpu.memory_space<semaphore_mem>>)
      } else {
      }
      %add3A_534 = arith.constant 3 : i32
      %add3A_535 = arith.addi %add3A_461, %add3A_534 : i32
      %lt3A_536 = arith.constant 125 : i32
      %lt3A_537 = arith.cmpi slt, %add3A_535, %lt3A_536 : i32
      %convert_element_type3A_538 = arith.extui %lt3A_537 : i1 to i32
      %cond3A_539 = arith.constant 0 : i32
      %cond3A_540 = arith.cmpi ne, %convert_element_type3A_538, %cond3A_539 : i32
      scf.if %cond3A_540 {
        %add3A_650 = arith.constant 3 : i32
        %add3A_651 = arith.addi %add3A_461, %add3A_650 : i32
        %add3A_652 = arith.addi %mul3A_2, %add3A_651 : i32
        %mul3A_653 = arith.constant 80 : i32
        %mul3A_654 = arith.muli %add3A_652, %mul3A_653 : i32
        %dma_start3A_655 = arith.constant 1 : i32
        %dma_start3A_656 = arith.constant 0 : i32
        %dma_start3A_657 = arith.constant 0 : i32
        %dma_start3A_658 = tpu.memref_slice %arg7[%dma_start3A_655, %dma_start3A_656, %dma_start3A_657] : memref<5x2x80xi32, #tpu.memory_space<vmem>> -> memref<1x1x80xi32, #tpu.memory_space<vmem>>
        %dma_start3A_659 = tpu.memref_squeeze %dma_start3A_658 : memref<1x1x80xi32, #tpu.memory_space<vmem>> -> memref<80xi32, #tpu.memory_space<vmem>>
        %dma_start3A_660 = tpu.memref_slice %arg4[%mul3A_654] : memref<320000xi32, #tpu.memory_space<hbm>> -> memref<80xi32, #tpu.memory_space<hbm>>
        %dma_start3A_661 = arith.constant 0 : i32
        %dma_start3A_662 = tpu.memref_slice %arg7[%dma_start3A_655, %dma_start3A_656, %dma_start3A_661] : memref<5x2x80xi32, #tpu.memory_space<vmem>> -> memref<1x1x80xi32, #tpu.memory_space<vmem>>
        %dma_start3A_663 = tpu.memref_squeeze %dma_start3A_662 : memref<1x1x80xi32, #tpu.memory_space<vmem>> -> memref<80xi32, #tpu.memory_space<vmem>>
        %dma_start3A_664 = tpu.memref_slice %arg4[%mul3A_654] : memref<320000xi32, #tpu.memory_space<hbm>> -> memref<80xi32, #tpu.memory_space<hbm>>
        tpu.enqueue_dma source(%dma_start3A_664 : memref<80xi32, #tpu.memory_space<hbm>>) target(%dma_start3A_663 : memref<80xi32, #tpu.memory_space<vmem>>) target_semaphore(%arg17 : memref<!tpu.dma_semaphore, #tpu.memory_space<semaphore_mem>>)
        %add3A_665 = arith.addi %mul3A_2, %add3A_651 : i32
        %mul3A_666 = arith.constant 80 : i32
        %mul3A_667 = arith.muli %add3A_665, %mul3A_666 : i32
        %dma_start3A_668 = arith.constant 1 : i32
        %dma_start3A_669 = arith.constant 1 : i32
        %dma_start3A_670 = arith.constant 0 : i32
        %dma_start3A_671 = tpu.memref_slice %arg7[%dma_start3A_668, %dma_start3A_669, %dma_start3A_670] : memref<5x2x80xi32, #tpu.memory_space<vmem>> -> memref<1x1x80xi32, #tpu.memory_space<vmem>>
        %dma_start3A_672 = tpu.memref_squeeze %dma_start3A_671 : memref<1x1x80xi32, #tpu.memory_space<vmem>> -> memref<80xi32, #tpu.memory_space<vmem>>
        %dma_start3A_673 = tpu.memref_slice %arg5[%mul3A_667] : memref<320000xi32, #tpu.memory_space<hbm>> -> memref<80xi32, #tpu.memory_space<hbm>>
        %dma_start3A_674 = arith.constant 0 : i32
        %dma_start3A_675 = tpu.memref_slice %arg7[%dma_start3A_668, %dma_start3A_669, %dma_start3A_674] : memref<5x2x80xi32, #tpu.memory_space<vmem>> -> memref<1x1x80xi32, #tpu.memory_space<vmem>>
        %dma_start3A_676 = tpu.memref_squeeze %dma_start3A_675 : memref<1x1x80xi32, #tpu.memory_space<vmem>> -> memref<80xi32, #tpu.memory_space<vmem>>
        %dma_start3A_677 = tpu.memref_slice %arg5[%mul3A_667] : memref<320000xi32, #tpu.memory_space<hbm>> -> memref<80xi32, #tpu.memory_space<hbm>>
        tpu.enqueue_dma source(%dma_start3A_677 : memref<80xi32, #tpu.memory_space<hbm>>) target(%dma_start3A_676 : memref<80xi32, #tpu.memory_space<vmem>>) target_semaphore(%arg17 : memref<!tpu.dma_semaphore, #tpu.memory_space<semaphore_mem>>)
      } else {
      }
      %mul3A_541 = arith.constant 5 : i32
      %mul3A_542 = arith.muli %scan3A_237, %mul3A_541 : i32
      %add3A_543 = arith.constant 4 : i32
      %add3A_544 = arith.addi %mul3A_542, %add3A_543 : i32
      %dma_wait3A_545 = arith.constant 4 : i32
      %dma_wait3A_546 = arith.constant 0 : i32
      %dma_wait3A_547 = arith.constant 0 : i32
      %dma_wait3A_548 = tpu.memref_slice %arg8[%dma_wait3A_545, %dma_wait3A_546, %dma_wait3A_547] : memref<5x80x64xf32, #tpu.memory_space<vmem>> -> memref<1x80x64xf32, #tpu.memory_space<vmem>>
      %dma_wait3A_549 = tpu.memref_squeeze %dma_wait3A_548 : memref<1x80x64xf32, #tpu.memory_space<vmem>> -> memref<80x64xf32, #tpu.memory_space<vmem>>
      %dma_wait3A_550 = arith.constant 0 : i32
      %dma_wait3A_551 = arith.constant 0 : i32
      %dma_wait3A_552 = tpu.memref_slice %arg2[%dma_wait3A_550, %dma_wait3A_551] : memref<10000x64xf32, #tpu.memory_space<hbm>> -> memref<80x64xf32, #tpu.memory_space<hbm>>
      %dma_wait3A_553 = arith.constant 0 : i32
      %dma_wait3A_554 = arith.constant 0 : i32
      %dma_wait3A_555 = tpu.memref_slice %arg8[%dma_wait3A_545, %dma_wait3A_553, %dma_wait3A_554] : memref<5x80x64xf32, #tpu.memory_space<vmem>> -> memref<1x80x64xf32, #tpu.memory_space<vmem>>
      %dma_wait3A_556 = tpu.memref_squeeze %dma_wait3A_555 : memref<1x80x64xf32, #tpu.memory_space<vmem>> -> memref<80x64xf32, #tpu.memory_space<vmem>>
      %dma_wait3A_557 = arith.constant 0 : i32
      %dma_wait3A_558 = arith.constant 0 : i32
      %dma_wait3A_559 = tpu.memref_slice %arg2[%dma_wait3A_557, %dma_wait3A_558] : memref<10000x64xf32, #tpu.memory_space<hbm>> -> memref<80x64xf32, #tpu.memory_space<hbm>>
      tpu.wait_dma2 semaphore(%arg15 : memref<!tpu.dma_semaphore, #tpu.memory_space<semaphore_mem>>) src(%dma_wait3A_559 : memref<80x64xf32, #tpu.memory_space<hbm>>) dst(%dma_wait3A_556 : memref<80x64xf32, #tpu.memory_space<vmem>>)
      %dma_wait3A_560 = arith.constant 0 : i32
      %dma_wait3A_561 = arith.constant 4 : i32
      %dma_wait3A_562 = arith.constant 0 : i32
      %dma_wait3A_563 = arith.constant 0 : i32
      %dma_wait3A_564 = tpu.memref_slice %arg9[%dma_wait3A_561, %dma_wait3A_562, %dma_wait3A_563] : memref<5x40x128xf32, #tpu.memory_space<vmem>> -> memref<1x40x128xf32, #tpu.memory_space<vmem>>
      %dma_wait3A_565 = tpu.memref_squeeze %dma_wait3A_564 : memref<1x40x128xf32, #tpu.memory_space<vmem>> -> memref<40x128xf32, #tpu.memory_space<vmem>>
      %dma_wait3A_566 = arith.constant 0 : i32
      %dma_wait3A_567 = arith.constant 0 : i32
      %dma_wait3A_568 = tpu.memref_slice %arg3[%dma_wait3A_560, %dma_wait3A_566, %dma_wait3A_567] : memref<4000x40x128xf32, #tpu.memory_space<hbm>> -> memref<1x40x128xf32, #tpu.memory_space<hbm>>
      %dma_wait3A_569 = tpu.memref_squeeze %dma_wait3A_568 : memref<1x40x128xf32, #tpu.memory_space<hbm>> -> memref<40x128xf32, #tpu.memory_space<hbm>>
      %dma_wait3A_570 = arith.constant 0 : i32
      %dma_wait3A_571 = arith.constant 0 : i32
      %dma_wait3A_572 = tpu.memref_slice %arg9[%dma_wait3A_561, %dma_wait3A_570, %dma_wait3A_571] : memref<5x40x128xf32, #tpu.memory_space<vmem>> -> memref<1x40x128xf32, #tpu.memory_space<vmem>>
      %dma_wait3A_573 = tpu.memref_squeeze %dma_wait3A_572 : memref<1x40x128xf32, #tpu.memory_space<vmem>> -> memref<40x128xf32, #tpu.memory_space<vmem>>
      %dma_wait3A_574 = arith.constant 0 : i32
      %dma_wait3A_575 = arith.constant 0 : i32
      %dma_wait3A_576 = tpu.memref_slice %arg3[%dma_wait3A_560, %dma_wait3A_574, %dma_wait3A_575] : memref<4000x40x128xf32, #tpu.memory_space<hbm>> -> memref<1x40x128xf32, #tpu.memory_space<hbm>>
      %dma_wait3A_577 = tpu.memref_squeeze %dma_wait3A_576 : memref<1x40x128xf32, #tpu.memory_space<hbm>> -> memref<40x128xf32, #tpu.memory_space<hbm>>
      tpu.wait_dma2 semaphore(%arg15 : memref<!tpu.dma_semaphore, #tpu.memory_space<semaphore_mem>>) src(%dma_wait3A_577 : memref<40x128xf32, #tpu.memory_space<hbm>>) dst(%dma_wait3A_573 : memref<40x128xf32, #tpu.memory_space<vmem>>)
      %scan3A_578 = arith.constant 0 : i32
      %scan3A_579 = arith.constant 0 : i32
      %scan3A_580 = arith.constant 40 : i32
      %scan3A_581 = arith.addi %scan3A_579, %scan3A_580 : i32
      %scan3A_582 = arith.constant 1 : i32
      scf.for %scan3A_650 = %scan3A_579 to %scan3A_581 step %scan3A_582  : i32 {
        %add3A_651 = arith.constant 0 : i32
        %add3A_652 = arith.addi %add3A_651, %scan3A_650 : i32
        %get3A = arith.constant 4 : i32
        %get3A_653 = arith.index_cast %get3A : i32 to index
        %get3A_654 = arith.index_cast %add3A_652 : i32 to index
        %get3A_655 = arith.constant 0 : index
        %get3A_656 = tpu.vector_load %arg8[%get3A_653, %get3A_654, %get3A_655] {strides = array<i32>} : memref<5x80x64xf32, #tpu.memory_space<vmem>>, vector<1x1x16xf32>,
        %get3A_657 = vector.shape_cast %get3A_656 : vector<1x1x16xf32> to vector<16xf32>
        %get3A_658 = arith.constant 4 : i32
        %get3A_659 = arith.index_cast %get3A_658 : i32 to index
        %get3A_660 = arith.index_cast %scan3A_650 : i32 to index
        %get3A_661 = arith.constant 0 : index
        %get3A_662 = tpu.vector_load %arg9[%get3A_659, %get3A_660, %get3A_661] {strides = array<i32>} : memref<5x40x128xf32, #tpu.memory_space<vmem>>, vector<1x1x16xf32>,
        %get3A_663 = vector.shape_cast %get3A_662 : vector<1x1x16xf32> to vector<16xf32>
        %add3A_664 = arith.addf %get3A_657, %get3A_663 : vector<16xf32>
        %max3A = arith.constant 0.000000e+00 : f32
        %max3A_665 = vector.broadcast %max3A : f32 to vector<16xf32>
        %max3A_666 = arith.maximumf %add3A_664, %max3A_665 : vector<16xf32>
        %add3A_667 = arith.constant 0 : i32
        %add3A_668 = arith.addi %add3A_667, %scan3A_650 : i32
        %swap3A = arith.constant 4 : i32
        %swap3A_669 = arith.index_cast %swap3A : i32 to index
        %swap3A_670 = arith.index_cast %add3A_668 : i32 to index
        %swap3A_671 = arith.constant 0 : index
        %swap3A_672 = tpu.vector_load %arg8[%swap3A_669, %swap3A_670, %swap3A_671] {strides = array<i32>} : memref<5x80x64xf32, #tpu.memory_space<vmem>>, vector<1x1x16xf32>,
        %swap3A_673 = vector.shape_cast %swap3A_672 : vector<1x1x16xf32> to vector<16xf32>
        %swap3A_674 = vector.shape_cast %max3A_666 : vector<16xf32> to vector<1x1x16xf32>
        tpu.vector_store %arg8[%swap3A_669, %swap3A_670, %swap3A_671], %swap3A_674 {strides = array<i32>} : memref<5x80x64xf32, #tpu.memory_space<vmem>>, vector<1x1x16xf32>,
        %add3A_675 = arith.constant 0 : i32
        %add3A_676 = arith.addi %add3A_675, %scan3A_650 : i32
        %get3A_677 = arith.constant 4 : i32
        %get3A_678 = arith.index_cast %get3A_677 : i32 to index
        %get3A_679 = arith.index_cast %add3A_676 : i32 to index
        %get3A_680 = arith.constant 16 : index
        %get3A_681 = tpu.vector_load %arg8[%get3A_678, %get3A_679, %get3A_680] {strides = array<i32>} : memref<5x80x64xf32, #tpu.memory_space<vmem>>, vector<1x1x16xf32>,
        %get3A_682 = vector.shape_cast %get3A_681 : vector<1x1x16xf32> to vector<16xf32>
        %get3A_683 = arith.constant 4 : i32
        %get3A_684 = arith.index_cast %get3A_683 : i32 to index
        %get3A_685 = arith.index_cast %scan3A_650 : i32 to index
        %get3A_686 = arith.constant 16 : index
        %get3A_687 = tpu.vector_load %arg9[%get3A_684, %get3A_685, %get3A_686] {strides = array<i32>} : memref<5x40x128xf32, #tpu.memory_space<vmem>>, vector<1x1x16xf32>,
        %get3A_688 = vector.shape_cast %get3A_687 : vector<1x1x16xf32> to vector<16xf32>
        %add3A_689 = arith.addf %get3A_682, %get3A_688 : vector<16xf32>
        %max3A_690 = arith.constant 0.000000e+00 : f32
        %max3A_691 = vector.broadcast %max3A_690 : f32 to vector<16xf32>
        %max3A_692 = arith.maximumf %add3A_689, %max3A_691 : vector<16xf32>
        %add3A_693 = arith.constant 0 : i32
        %add3A_694 = arith.addi %add3A_693, %scan3A_650 : i32
        %swap3A_695 = arith.constant 4 : i32
        %swap3A_696 = arith.index_cast %swap3A_695 : i32 to index
        %swap3A_697 = arith.index_cast %add3A_694 : i32 to index
        %swap3A_698 = arith.constant 16 : index
        %swap3A_699 = tpu.vector_load %arg8[%swap3A_696, %swap3A_697, %swap3A_698] {strides = array<i32>} : memref<5x80x64xf32, #tpu.memory_space<vmem>>, vector<1x1x16xf32>,
        %swap3A_700 = vector.shape_cast %swap3A_699 : vector<1x1x16xf32> to vector<16xf32>
        %swap3A_701 = vector.shape_cast %max3A_692 : vector<16xf32> to vector<1x1x16xf32>
        tpu.vector_store %arg8[%swap3A_696, %swap3A_697, %swap3A_698], %swap3A_701 {strides = array<i32>} : memref<5x80x64xf32, #tpu.memory_space<vmem>>, vector<1x1x16xf32>,
        %add3A_702 = arith.constant 0 : i32
        %add3A_703 = arith.addi %add3A_702, %scan3A_650 : i32
        %get3A_704 = arith.constant 4 : i32
        %get3A_705 = arith.index_cast %get3A_704 : i32 to index
        %get3A_706 = arith.index_cast %add3A_703 : i32 to index
        %get3A_707 = arith.constant 32 : index
        %get3A_708 = tpu.vector_load %arg8[%get3A_705, %get3A_706, %get3A_707] {strides = array<i32>} : memref<5x80x64xf32, #tpu.memory_space<vmem>>, vector<1x1x16xf32>,
        %get3A_709 = vector.shape_cast %get3A_708 : vector<1x1x16xf32> to vector<16xf32>
        %get3A_710 = arith.constant 4 : i32
        %get3A_711 = arith.index_cast %get3A_710 : i32 to index
        %get3A_712 = arith.index_cast %scan3A_650 : i32 to index
        %get3A_713 = arith.constant 32 : index
        %get3A_714 = tpu.vector_load %arg9[%get3A_711, %get3A_712, %get3A_713] {strides = array<i32>} : memref<5x40x128xf32, #tpu.memory_space<vmem>>, vector<1x1x16xf32>,
        %get3A_715 = vector.shape_cast %get3A_714 : vector<1x1x16xf32> to vector<16xf32>
        %add3A_716 = arith.addf %get3A_709, %get3A_715 : vector<16xf32>
        %max3A_717 = arith.constant 0.000000e+00 : f32
        %max3A_718 = vector.broadcast %max3A_717 : f32 to vector<16xf32>
        %max3A_719 = arith.maximumf %add3A_716, %max3A_718 : vector<16xf32>
        %add3A_720 = arith.constant 0 : i32
        %add3A_721 = arith.addi %add3A_720, %scan3A_650 : i32
        %swap3A_722 = arith.constant 4 : i32
        %swap3A_723 = arith.index_cast %swap3A_722 : i32 to index
        %swap3A_724 = arith.index_cast %add3A_721 : i32 to index
        %swap3A_725 = arith.constant 32 : index
        %swap3A_726 = tpu.vector_load %arg8[%swap3A_723, %swap3A_724, %swap3A_725] {strides = array<i32>} : memref<5x80x64xf32, #tpu.memory_space<vmem>>, vector<1x1x16xf32>,
        %swap3A_727 = vector.shape_cast %swap3A_726 : vector<1x1x16xf32> to vector<16xf32>
        %swap3A_728 = vector.shape_cast %max3A_719 : vector<16xf32> to vector<1x1x16xf32>
        tpu.vector_store %arg8[%swap3A_723, %swap3A_724, %swap3A_725], %swap3A_728 {strides = array<i32>} : memref<5x80x64xf32, #tpu.memory_space<vmem>>, vector<1x1x16xf32>,
        %add3A_729 = arith.constant 0 : i32
        %add3A_730 = arith.addi %add3A_729, %scan3A_650 : i32
        %get3A_731 = arith.constant 4 : i32
        %get3A_732 = arith.index_cast %get3A_731 : i32 to index
        %get3A_733 = arith.index_cast %add3A_730 : i32 to index
        %get3A_734 = arith.constant 48 : index
        %get3A_735 = tpu.vector_load %arg8[%get3A_732, %get3A_733, %get3A_734] {strides = array<i32>} : memref<5x80x64xf32, #tpu.memory_space<vmem>>, vector<1x1x16xf32>,
        %get3A_736 = vector.shape_cast %get3A_735 : vector<1x1x16xf32> to vector<16xf32>
        %get3A_737 = arith.constant 4 : i32
        %get3A_738 = arith.index_cast %get3A_737 : i32 to index
        %get3A_739 = arith.index_cast %scan3A_650 : i32 to index
        %get3A_740 = arith.constant 48 : index
        %get3A_741 = tpu.vector_load %arg9[%get3A_738, %get3A_739, %get3A_740] {strides = array<i32>} : memref<5x40x128xf32, #tpu.memory_space<vmem>>, vector<1x1x16xf32>,
        %get3A_742 = vector.shape_cast %get3A_741 : vector<1x1x16xf32> to vector<16xf32>
        %add3A_743 = arith.addf %get3A_736, %get3A_742 : vector<16xf32>
        %max3A_744 = arith.constant 0.000000e+00 : f32
        %max3A_745 = vector.broadcast %max3A_744 : f32 to vector<16xf32>
        %max3A_746 = arith.maximumf %add3A_743, %max3A_745 : vector<16xf32>
        %add3A_747 = arith.constant 0 : i32
        %add3A_748 = arith.addi %add3A_747, %scan3A_650 : i32
        %swap3A_749 = arith.constant 4 : i32
        %swap3A_750 = arith.index_cast %swap3A_749 : i32 to index
        %swap3A_751 = arith.index_cast %add3A_748 : i32 to index
        %swap3A_752 = arith.constant 48 : index
        %swap3A_753 = tpu.vector_load %arg8[%swap3A_750, %swap3A_751, %swap3A_752] {strides = array<i32>} : memref<5x80x64xf32, #tpu.memory_space<vmem>>, vector<1x1x16xf32>,
        %swap3A_754 = vector.shape_cast %swap3A_753 : vector<1x1x16xf32> to vector<16xf32>
        %swap3A_755 = vector.shape_cast %max3A_746 : vector<16xf32> to vector<1x1x16xf32>
        tpu.vector_store %arg8[%swap3A_750, %swap3A_751, %swap3A_752], %swap3A_755 {strides = array<i32>} : memref<5x80x64xf32, #tpu.memory_space<vmem>>, vector<1x1x16xf32>,
        %add3A_756 = arith.constant 40 : i32
        %add3A_757 = arith.addi %add3A_756, %scan3A_650 : i32
        %get3A_758 = arith.constant 4 : i32
        %get3A_759 = arith.index_cast %get3A_758 : i32 to index
        %get3A_760 = arith.index_cast %add3A_757 : i32 to index
        %get3A_761 = arith.constant 0 : index
        %get3A_762 = tpu.vector_load %arg8[%get3A_759, %get3A_760, %get3A_761] {strides = array<i32>} : memref<5x80x64xf32, #tpu.memory_space<vmem>>, vector<1x1x16xf32>,
        %get3A_763 = vector.shape_cast %get3A_762 : vector<1x1x16xf32> to vector<16xf32>
        %get3A_764 = arith.constant 4 : i32
        %get3A_765 = arith.index_cast %get3A_764 : i32 to index
        %get3A_766 = arith.index_cast %scan3A_650 : i32 to index
        %get3A_767 = arith.constant 64 : index
        %get3A_768 = tpu.vector_load %arg9[%get3A_765, %get3A_766, %get3A_767] {strides = array<i32>} : memref<5x40x128xf32, #tpu.memory_space<vmem>>, vector<1x1x16xf32>,
        %get3A_769 = vector.shape_cast %get3A_768 : vector<1x1x16xf32> to vector<16xf32>
        %add3A_770 = arith.addf %get3A_763, %get3A_769 : vector<16xf32>
        %max3A_771 = arith.constant 0.000000e+00 : f32
        %max3A_772 = vector.broadcast %max3A_771 : f32 to vector<16xf32>
        %max3A_773 = arith.maximumf %add3A_770, %max3A_772 : vector<16xf32>
        %add3A_774 = arith.constant 40 : i32
        %add3A_775 = arith.addi %add3A_774, %scan3A_650 : i32
        %swap3A_776 = arith.constant 4 : i32
        %swap3A_777 = arith.index_cast %swap3A_776 : i32 to index
        %swap3A_778 = arith.index_cast %add3A_775 : i32 to index
        %swap3A_779 = arith.constant 0 : index
        %swap3A_780 = tpu.vector_load %arg8[%swap3A_777, %swap3A_778, %swap3A_779] {strides = array<i32>} : memref<5x80x64xf32, #tpu.memory_space<vmem>>, vector<1x1x16xf32>,
        %swap3A_781 = vector.shape_cast %swap3A_780 : vector<1x1x16xf32> to vector<16xf32>
        %swap3A_782 = vector.shape_cast %max3A_773 : vector<16xf32> to vector<1x1x16xf32>
        tpu.vector_store %arg8[%swap3A_777, %swap3A_778, %swap3A_779], %swap3A_782 {strides = array<i32>} : memref<5x80x64xf32, #tpu.memory_space<vmem>>, vector<1x1x16xf32>,
        %add3A_783 = arith.constant 40 : i32
        %add3A_784 = arith.addi %add3A_783, %scan3A_650 : i32
        %get3A_785 = arith.constant 4 : i32
        %get3A_786 = arith.index_cast %get3A_785 : i32 to index
        %get3A_787 = arith.index_cast %add3A_784 : i32 to index
        %get3A_788 = arith.constant 16 : index
        %get3A_789 = tpu.vector_load %arg8[%get3A_786, %get3A_787, %get3A_788] {strides = array<i32>} : memref<5x80x64xf32, #tpu.memory_space<vmem>>, vector<1x1x16xf32>,
        %get3A_790 = vector.shape_cast %get3A_789 : vector<1x1x16xf32> to vector<16xf32>
        %get3A_791 = arith.constant 4 : i32
        %get3A_792 = arith.index_cast %get3A_791 : i32 to index
        %get3A_793 = arith.index_cast %scan3A_650 : i32 to index
        %get3A_794 = arith.constant 80 : index
        %get3A_795 = tpu.vector_load %arg9[%get3A_792, %get3A_793, %get3A_794] {strides = array<i32>} : memref<5x40x128xf32, #tpu.memory_space<vmem>>, vector<1x1x16xf32>,
        %get3A_796 = vector.shape_cast %get3A_795 : vector<1x1x16xf32> to vector<16xf32>
        %add3A_797 = arith.addf %get3A_790, %get3A_796 : vector<16xf32>
        %max3A_798 = arith.constant 0.000000e+00 : f32
        %max3A_799 = vector.broadcast %max3A_798 : f32 to vector<16xf32>
        %max3A_800 = arith.maximumf %add3A_797, %max3A_799 : vector<16xf32>
        %add3A_801 = arith.constant 40 : i32
        %add3A_802 = arith.addi %add3A_801, %scan3A_650 : i32
        %swap3A_803 = arith.constant 4 : i32
        %swap3A_804 = arith.index_cast %swap3A_803 : i32 to index
        %swap3A_805 = arith.index_cast %add3A_802 : i32 to index
        %swap3A_806 = arith.constant 16 : index
        %swap3A_807 = tpu.vector_load %arg8[%swap3A_804, %swap3A_805, %swap3A_806] {strides = array<i32>} : memref<5x80x64xf32, #tpu.memory_space<vmem>>, vector<1x1x16xf32>,
        %swap3A_808 = vector.shape_cast %swap3A_807 : vector<1x1x16xf32> to vector<16xf32>
        %swap3A_809 = vector.shape_cast %max3A_800 : vector<16xf32> to vector<1x1x16xf32>
        tpu.vector_store %arg8[%swap3A_804, %swap3A_805, %swap3A_806], %swap3A_809 {strides = array<i32>} : memref<5x80x64xf32, #tpu.memory_space<vmem>>, vector<1x1x16xf32>,
        %add3A_810 = arith.constant 40 : i32
        %add3A_811 = arith.addi %add3A_810, %scan3A_650 : i32
        %get3A_812 = arith.constant 4 : i32
        %get3A_813 = arith.index_cast %get3A_812 : i32 to index
        %get3A_814 = arith.index_cast %add3A_811 : i32 to index
        %get3A_815 = arith.constant 32 : index
        %get3A_816 = tpu.vector_load %arg8[%get3A_813, %get3A_814, %get3A_815] {strides = array<i32>} : memref<5x80x64xf32, #tpu.memory_space<vmem>>, vector<1x1x16xf32>,
        %get3A_817 = vector.shape_cast %get3A_816 : vector<1x1x16xf32> to vector<16xf32>
        %get3A_818 = arith.constant 4 : i32
        %get3A_819 = arith.index_cast %get3A_818 : i32 to index
        %get3A_820 = arith.index_cast %scan3A_650 : i32 to index
        %get3A_821 = arith.constant 96 : index
        %get3A_822 = tpu.vector_load %arg9[%get3A_819, %get3A_820, %get3A_821] {strides = array<i32>} : memref<5x40x128xf32, #tpu.memory_space<vmem>>, vector<1x1x16xf32>,
        %get3A_823 = vector.shape_cast %get3A_822 : vector<1x1x16xf32> to vector<16xf32>
        %add3A_824 = arith.addf %get3A_817, %get3A_823 : vector<16xf32>
        %max3A_825 = arith.constant 0.000000e+00 : f32
        %max3A_826 = vector.broadcast %max3A_825 : f32 to vector<16xf32>
        %max3A_827 = arith.maximumf %add3A_824, %max3A_826 : vector<16xf32>
        %add3A_828 = arith.constant 40 : i32
        %add3A_829 = arith.addi %add3A_828, %scan3A_650 : i32
        %swap3A_830 = arith.constant 4 : i32
        %swap3A_831 = arith.index_cast %swap3A_830 : i32 to index
        %swap3A_832 = arith.index_cast %add3A_829 : i32 to index
        %swap3A_833 = arith.constant 32 : index
        %swap3A_834 = tpu.vector_load %arg8[%swap3A_831, %swap3A_832, %swap3A_833] {strides = array<i32>} : memref<5x80x64xf32, #tpu.memory_space<vmem>>, vector<1x1x16xf32>,
        %swap3A_835 = vector.shape_cast %swap3A_834 : vector<1x1x16xf32> to vector<16xf32>
        %swap3A_836 = vector.shape_cast %max3A_827 : vector<16xf32> to vector<1x1x16xf32>
        tpu.vector_store %arg8[%swap3A_831, %swap3A_832, %swap3A_833], %swap3A_836 {strides = array<i32>} : memref<5x80x64xf32, #tpu.memory_space<vmem>>, vector<1x1x16xf32>,
        %add3A_837 = arith.constant 40 : i32
        %add3A_838 = arith.addi %add3A_837, %scan3A_650 : i32
        %get3A_839 = arith.constant 4 : i32
        %get3A_840 = arith.index_cast %get3A_839 : i32 to index
        %get3A_841 = arith.index_cast %add3A_838 : i32 to index
        %get3A_842 = arith.constant 48 : index
        %get3A_843 = tpu.vector_load %arg8[%get3A_840, %get3A_841, %get3A_842] {strides = array<i32>} : memref<5x80x64xf32, #tpu.memory_space<vmem>>, vector<1x1x16xf32>,
        %get3A_844 = vector.shape_cast %get3A_843 : vector<1x1x16xf32> to vector<16xf32>
        %get3A_845 = arith.constant 4 : i32
        %get3A_846 = arith.index_cast %get3A_845 : i32 to index
        %get3A_847 = arith.index_cast %scan3A_650 : i32 to index
        %get3A_848 = arith.constant 112 : index
        %get3A_849 = tpu.vector_load %arg9[%get3A_846, %get3A_847, %get3A_848] {strides = array<i32>} : memref<5x40x128xf32, #tpu.memory_space<vmem>>, vector<1x1x16xf32>,
        %get3A_850 = vector.shape_cast %get3A_849 : vector<1x1x16xf32> to vector<16xf32>
        %add3A_851 = arith.addf %get3A_844, %get3A_850 : vector<16xf32>
        %max3A_852 = arith.constant 0.000000e+00 : f32
        %max3A_853 = vector.broadcast %max3A_852 : f32 to vector<16xf32>
        %max3A_854 = arith.maximumf %add3A_851, %max3A_853 : vector<16xf32>
        %add3A_855 = arith.constant 40 : i32
        %add3A_856 = arith.addi %add3A_855, %scan3A_650 : i32
        %swap3A_857 = arith.constant 4 : i32
        %swap3A_858 = arith.index_cast %swap3A_857 : i32 to index
        %swap3A_859 = arith.index_cast %add3A_856 : i32 to index
        %swap3A_860 = arith.constant 48 : index
        %swap3A_861 = tpu.vector_load %arg8[%swap3A_858, %swap3A_859, %swap3A_860] {strides = array<i32>} : memref<5x80x64xf32, #tpu.memory_space<vmem>>, vector<1x1x16xf32>,
        %swap3A_862 = vector.shape_cast %swap3A_861 : vector<1x1x16xf32> to vector<16xf32>
        %swap3A_863 = vector.shape_cast %max3A_854 : vector<16xf32> to vector<1x1x16xf32>
        tpu.vector_store %arg8[%swap3A_858, %swap3A_859, %swap3A_860], %swap3A_863 {strides = array<i32>} : memref<5x80x64xf32, #tpu.memory_space<vmem>>, vector<1x1x16xf32>,
      }
      %scan3A_583 = arith.constant 40 : i32
      %dma_start3A_584 = arith.constant 4 : i32
      %dma_start3A_585 = arith.constant 4 : i32
      %dma_start3A_586 = arith.constant 1 : i32
      %dma_start3A_587 = arith.constant 0 : i32
      %dma_start3A_588 = arith.constant 0 : i32
      %dma_start3A_589 = tpu.memref_slice %arg8[%dma_start3A_584, %dma_start3A_587, %dma_start3A_588] : memref<5x80x64xf32, #tpu.memory_space<vmem>> -> memref<1x80x64xf32, #tpu.memory_space<vmem>>
      %dma_start3A_590 = tpu.memref_squeeze %dma_start3A_589 : memref<1x80x64xf32, #tpu.memory_space<vmem>> -> memref<80x64xf32, #tpu.memory_space<vmem>>
      %dma_start3A_591 = arith.constant 0 : i32
      %dma_start3A_592 = tpu.memref_slice %arg7[%dma_start3A_585, %dma_start3A_586, %dma_start3A_591] : memref<5x2x80xi32, #tpu.memory_space<vmem>> -> memref<1x1x80xi32, #tpu.memory_space<vmem>>
      %dma_start3A_593 = tpu.memref_squeeze %dma_start3A_592 : memref<1x1x80xi32, #tpu.memory_space<vmem>> -> memref<80xi32, #tpu.memory_space<vmem>>
      %dma_start3A_594 = arith.constant 0 : i32
      %dma_start3A_595 = arith.constant 0 : i32
      %dma_start3A_596 = tpu.memref_slice %arg10[%dma_start3A_594, %dma_start3A_595] : memref<10000x64xf32, #tpu.memory_space<vmem_shared>> -> memref<10000x64xf32, #tpu.memory_space<vmem_shared>>
      tpu.enqueue_indirect_dma source(%dma_start3A_590 : memref<80x64xf32, #tpu.memory_space<vmem>>) target(%dma_start3A_596 : memref<10000x64xf32, #tpu.memory_space<vmem_shared>>) offsets(%dma_start3A_593 : memref<80xi32, #tpu.memory_space<vmem>>) semaphore(%arg21 : memref<!tpu.dma_semaphore, #tpu.memory_space<semaphore_mem>>) {add = true}
      %dma_wait3A_597 = arith.constant 2 : i32
      %dma_wait3A_598 = arith.constant 2 : i32
      %dma_wait3A_599 = arith.constant 1 : i32
      %dma_wait3A_600 = arith.constant 0 : i32
      %dma_wait3A_601 = arith.constant 0 : i32
      %dma_wait3A_602 = tpu.memref_slice %arg8[%dma_wait3A_597, %dma_wait3A_600, %dma_wait3A_601] : memref<5x80x64xf32, #tpu.memory_space<vmem>> -> memref<1x80x64xf32, #tpu.memory_space<vmem>>
      %dma_wait3A_603 = tpu.memref_squeeze %dma_wait3A_602 : memref<1x80x64xf32, #tpu.memory_space<vmem>> -> memref<80x64xf32, #tpu.memory_space<vmem>>
      %dma_wait3A_604 = arith.constant 0 : i32
      %dma_wait3A_605 = tpu.memref_slice %arg7[%dma_wait3A_598, %dma_wait3A_599, %dma_wait3A_604] : memref<5x2x80xi32, #tpu.memory_space<vmem>> -> memref<1x1x80xi32, #tpu.memory_space<vmem>>
      %dma_wait3A_606 = tpu.memref_squeeze %dma_wait3A_605 : memref<1x1x80xi32, #tpu.memory_space<vmem>> -> memref<80xi32, #tpu.memory_space<vmem>>
      %dma_wait3A_607 = arith.constant 0 : i32
      %dma_wait3A_608 = arith.constant 0 : i32
      %dma_wait3A_609 = tpu.memref_slice %arg10[%dma_wait3A_607, %dma_wait3A_608] : memref<10000x64xf32, #tpu.memory_space<vmem_shared>> -> memref<10000x64xf32, #tpu.memory_space<vmem_shared>>
      tpu.wait_indirect_dma semaphore(%arg21 : memref<!tpu.dma_semaphore, #tpu.memory_space<semaphore_mem>>) src(%dma_wait3A_603 : memref<80x64xf32, #tpu.memory_space<vmem>>) dst(%dma_wait3A_609 : memref<10000x64xf32, #tpu.memory_space<vmem_shared>>)
      %add3A_610 = arith.constant 2 : i32
      %add3A_611 = arith.addi %add3A_544, %add3A_610 : i32
      %lt3A_612 = arith.constant 125 : i32
      %lt3A_613 = arith.cmpi slt, %add3A_611, %lt3A_612 : i32
      %convert_element_type3A_614 = arith.extui %lt3A_613 : i1 to i32
      %cond3A_615 = arith.constant 0 : i32
      %cond3A_616 = arith.cmpi ne, %convert_element_type3A_614, %cond3A_615 : i32
      scf.if %cond3A_616 {
        %dma_wait3A_650 = arith.constant 1 : i32
        %dma_wait3A_651 = arith.constant 0 : i32
        %dma_wait3A_652 = arith.constant 0 : i32
        %dma_wait3A_653 = tpu.memref_slice %arg7[%dma_wait3A_650, %dma_wait3A_651, %dma_wait3A_652] : memref<5x2x80xi32, #tpu.memory_space<vmem>> -> memref<1x1x80xi32, #tpu.memory_space<vmem>>
        %dma_wait3A_654 = tpu.memref_squeeze %dma_wait3A_653 : memref<1x1x80xi32, #tpu.memory_space<vmem>> -> memref<80xi32, #tpu.memory_space<vmem>>
        %dma_wait3A_655 = arith.constant 0 : i32
        %dma_wait3A_656 = tpu.memref_slice %arg4[%dma_wait3A_655] : memref<320000xi32, #tpu.memory_space<hbm>> -> memref<80xi32, #tpu.memory_space<hbm>>
        %dma_wait3A_657 = arith.constant 0 : i32
        %dma_wait3A_658 = tpu.memref_slice %arg7[%dma_wait3A_650, %dma_wait3A_651, %dma_wait3A_657] : memref<5x2x80xi32, #tpu.memory_space<vmem>> -> memref<1x1x80xi32, #tpu.memory_space<vmem>>
        %dma_wait3A_659 = tpu.memref_squeeze %dma_wait3A_658 : memref<1x1x80xi32, #tpu.memory_space<vmem>> -> memref<80xi32, #tpu.memory_space<vmem>>
        %dma_wait3A_660 = arith.constant 0 : i32
        %dma_wait3A_661 = tpu.memref_slice %arg4[%dma_wait3A_660] : memref<320000xi32, #tpu.memory_space<hbm>> -> memref<80xi32, #tpu.memory_space<hbm>>
        tpu.wait_dma2 semaphore(%arg17 : memref<!tpu.dma_semaphore, #tpu.memory_space<semaphore_mem>>) src(%dma_wait3A_661 : memref<80xi32, #tpu.memory_space<hbm>>) dst(%dma_wait3A_659 : memref<80xi32, #tpu.memory_space<vmem>>)
        %dma_wait3A_662 = arith.constant 1 : i32
        %dma_wait3A_663 = arith.constant 1 : i32
        %dma_wait3A_664 = arith.constant 0 : i32
        %dma_wait3A_665 = tpu.memref_slice %arg7[%dma_wait3A_662, %dma_wait3A_663, %dma_wait3A_664] : memref<5x2x80xi32, #tpu.memory_space<vmem>> -> memref<1x1x80xi32, #tpu.memory_space<vmem>>
        %dma_wait3A_666 = tpu.memref_squeeze %dma_wait3A_665 : memref<1x1x80xi32, #tpu.memory_space<vmem>> -> memref<80xi32, #tpu.memory_space<vmem>>
        %dma_wait3A_667 = arith.constant 0 : i32
        %dma_wait3A_668 = tpu.memref_slice %arg4[%dma_wait3A_667] : memref<320000xi32, #tpu.memory_space<hbm>> -> memref<80xi32, #tpu.memory_space<hbm>>
        %dma_wait3A_669 = arith.constant 0 : i32
        %dma_wait3A_670 = tpu.memref_slice %arg7[%dma_wait3A_662, %dma_wait3A_663, %dma_wait3A_669] : memref<5x2x80xi32, #tpu.memory_space<vmem>> -> memref<1x1x80xi32, #tpu.memory_space<vmem>>
        %dma_wait3A_671 = tpu.memref_squeeze %dma_wait3A_670 : memref<1x1x80xi32, #tpu.memory_space<vmem>> -> memref<80xi32, #tpu.memory_space<vmem>>
        %dma_wait3A_672 = arith.constant 0 : i32
        %dma_wait3A_673 = tpu.memref_slice %arg4[%dma_wait3A_672] : memref<320000xi32, #tpu.memory_space<hbm>> -> memref<80xi32, #tpu.memory_space<hbm>>
        tpu.wait_dma2 semaphore(%arg17 : memref<!tpu.dma_semaphore, #tpu.memory_space<semaphore_mem>>) src(%dma_wait3A_673 : memref<80xi32, #tpu.memory_space<hbm>>) dst(%dma_wait3A_671 : memref<80xi32, #tpu.memory_space<vmem>>)
        %add3A_674 = arith.constant 2 : i32
        %add3A_675 = arith.addi %add3A_544, %add3A_674 : i32
        %dma_start3A_676 = arith.constant 1 : i32
        %dma_start3A_677 = arith.constant 0 : i32
        %dma_start3A_678 = arith.constant 1 : i32
        %dma_start3A_679 = arith.constant 0 : i32
        %dma_start3A_680 = arith.constant 0 : i32
        %dma_start3A_681 = tpu.memref_slice %arg8[%dma_start3A_678, %dma_start3A_679, %dma_start3A_680] : memref<5x80x64xf32, #tpu.memory_space<vmem>> -> memref<1x80x64xf32, #tpu.memory_space<vmem>>
        %dma_start3A_682 = tpu.memref_squeeze %dma_start3A_681 : memref<1x80x64xf32, #tpu.memory_space<vmem>> -> memref<80x64xf32, #tpu.memory_space<vmem>>
        %dma_start3A_683 = arith.constant 0 : i32
        %dma_start3A_684 = tpu.memref_slice %arg7[%dma_start3A_676, %dma_start3A_677, %dma_start3A_683] : memref<5x2x80xi32, #tpu.memory_space<vmem>> -> memref<1x1x80xi32, #tpu.memory_space<vmem>>
        %dma_start3A_685 = tpu.memref_squeeze %dma_start3A_684 : memref<1x1x80xi32, #tpu.memory_space<vmem>> -> memref<80xi32, #tpu.memory_space<vmem>>
        %dma_start3A_686 = arith.constant 0 : i32
        %dma_start3A_687 = arith.constant 0 : i32
        %dma_start3A_688 = tpu.memref_slice %arg2[%dma_start3A_686, %dma_start3A_687] : memref<10000x64xf32, #tpu.memory_space<hbm>> -> memref<10000x64xf32, #tpu.memory_space<hbm>>
        tpu.enqueue_indirect_dma source(%dma_start3A_688 : memref<10000x64xf32, #tpu.memory_space<hbm>>) target(%dma_start3A_682 : memref<80x64xf32, #tpu.memory_space<vmem>>) offsets(%dma_start3A_685 : memref<80xi32, #tpu.memory_space<vmem>>) semaphore(%arg12 : memref<!tpu.dma_semaphore, #tpu.memory_space<semaphore_mem>>)
        %add3A_689 = arith.addi %mul3A_2, %add3A_675 : i32
        %dma_start3A_690 = arith.constant 1 : i32
        %dma_start3A_691 = arith.constant 0 : i32
        %dma_start3A_692 = arith.constant 0 : i32
        %dma_start3A_693 = tpu.memref_slice %arg9[%dma_start3A_690, %dma_start3A_691, %dma_start3A_692] : memref<5x40x128xf32, #tpu.memory_space<vmem>> -> memref<1x40x128xf32, #tpu.memory_space<vmem>>
        %dma_start3A_694 = tpu.memref_squeeze %dma_start3A_693 : memref<1x40x128xf32, #tpu.memory_space<vmem>> -> memref<40x128xf32, #tpu.memory_space<vmem>>
        %dma_start3A_695 = arith.constant 0 : i32
        %dma_start3A_696 = arith.constant 0 : i32
        %dma_start3A_697 = tpu.memref_slice %arg3[%add3A_689, %dma_start3A_695, %dma_start3A_696] : memref<4000x40x128xf32, #tpu.memory_space<hbm>> -> memref<1x40x128xf32, #tpu.memory_space<hbm>>
        %dma_start3A_698 = tpu.memref_squeeze %dma_start3A_697 : memref<1x40x128xf32, #tpu.memory_space<hbm>> -> memref<40x128xf32, #tpu.memory_space<hbm>>
        %dma_start3A_699 = arith.constant 0 : i32
        %dma_start3A_700 = arith.constant 0 : i32
        %dma_start3A_701 = tpu.memref_slice %arg9[%dma_start3A_690, %dma_start3A_699, %dma_start3A_700] : memref<5x40x128xf32, #tpu.memory_space<vmem>> -> memref<1x40x128xf32, #tpu.memory_space<vmem>>
        %dma_start3A_702 = tpu.memref_squeeze %dma_start3A_701 : memref<1x40x128xf32, #tpu.memory_space<vmem>> -> memref<40x128xf32, #tpu.memory_space<vmem>>
        %dma_start3A_703 = arith.constant 0 : i32
        %dma_start3A_704 = arith.constant 0 : i32
        %dma_start3A_705 = tpu.memref_slice %arg3[%add3A_689, %dma_start3A_703, %dma_start3A_704] : memref<4000x40x128xf32, #tpu.memory_space<hbm>> -> memref<1x40x128xf32, #tpu.memory_space<hbm>>
        %dma_start3A_706 = tpu.memref_squeeze %dma_start3A_705 : memref<1x40x128xf32, #tpu.memory_space<hbm>> -> memref<40x128xf32, #tpu.memory_space<hbm>>
        tpu.enqueue_dma source(%dma_start3A_706 : memref<40x128xf32, #tpu.memory_space<hbm>>) target(%dma_start3A_702 : memref<40x128xf32, #tpu.memory_space<vmem>>) target_semaphore(%arg12 : memref<!tpu.dma_semaphore, #tpu.memory_space<semaphore_mem>>)
      } else {
      }
      %add3A_617 = arith.constant 3 : i32
      %add3A_618 = arith.addi %add3A_544, %add3A_617 : i32
      %lt3A_619 = arith.constant 125 : i32
      %lt3A_620 = arith.cmpi slt, %add3A_618, %lt3A_619 : i32
      %convert_element_type3A_621 = arith.extui %lt3A_620 : i1 to i32
      %cond3A_622 = arith.constant 0 : i32
      %cond3A_623 = arith.cmpi ne, %convert_element_type3A_621, %cond3A_622 : i32
      scf.if %cond3A_623 {
        %add3A_650 = arith.constant 3 : i32
        %add3A_651 = arith.addi %add3A_544, %add3A_650 : i32
        %add3A_652 = arith.addi %mul3A_2, %add3A_651 : i32
        %mul3A_653 = arith.constant 80 : i32
        %mul3A_654 = arith.muli %add3A_652, %mul3A_653 : i32
        %dma_start3A_655 = arith.constant 2 : i32
        %dma_start3A_656 = arith.constant 0 : i32
        %dma_start3A_657 = arith.constant 0 : i32
        %dma_start3A_658 = tpu.memref_slice %arg7[%dma_start3A_655, %dma_start3A_656, %dma_start3A_657] : memref<5x2x80xi32, #tpu.memory_space<vmem>> -> memref<1x1x80xi32, #tpu.memory_space<vmem>>
        %dma_start3A_659 = tpu.memref_squeeze %dma_start3A_658 : memref<1x1x80xi32, #tpu.memory_space<vmem>> -> memref<80xi32, #tpu.memory_space<vmem>>
        %dma_start3A_660 = tpu.memref_slice %arg4[%mul3A_654] : memref<320000xi32, #tpu.memory_space<hbm>> -> memref<80xi32, #tpu.memory_space<hbm>>
        %dma_start3A_661 = arith.constant 0 : i32
        %dma_start3A_662 = tpu.memref_slice %arg7[%dma_start3A_655, %dma_start3A_656, %dma_start3A_661] : memref<5x2x80xi32, #tpu.memory_space<vmem>> -> memref<1x1x80xi32, #tpu.memory_space<vmem>>
        %dma_start3A_663 = tpu.memref_squeeze %dma_start3A_662 : memref<1x1x80xi32, #tpu.memory_space<vmem>> -> memref<80xi32, #tpu.memory_space<vmem>>
        %dma_start3A_664 = tpu.memref_slice %arg4[%mul3A_654] : memref<320000xi32, #tpu.memory_space<hbm>> -> memref<80xi32, #tpu.memory_space<hbm>>
        tpu.enqueue_dma source(%dma_start3A_664 : memref<80xi32, #tpu.memory_space<hbm>>) target(%dma_start3A_663 : memref<80xi32, #tpu.memory_space<vmem>>) target_semaphore(%arg18 : memref<!tpu.dma_semaphore, #tpu.memory_space<semaphore_mem>>)
        %add3A_665 = arith.addi %mul3A_2, %add3A_651 : i32
        %mul3A_666 = arith.constant 80 : i32
        %mul3A_667 = arith.muli %add3A_665, %mul3A_666 : i32
        %dma_start3A_668 = arith.constant 2 : i32
        %dma_start3A_669 = arith.constant 1 : i32
        %dma_start3A_670 = arith.constant 0 : i32
        %dma_start3A_671 = tpu.memref_slice %arg7[%dma_start3A_668, %dma_start3A_669, %dma_start3A_670] : memref<5x2x80xi32, #tpu.memory_space<vmem>> -> memref<1x1x80xi32, #tpu.memory_space<vmem>>
        %dma_start3A_672 = tpu.memref_squeeze %dma_start3A_671 : memref<1x1x80xi32, #tpu.memory_space<vmem>> -> memref<80xi32, #tpu.memory_space<vmem>>
        %dma_start3A_673 = tpu.memref_slice %arg5[%mul3A_667] : memref<320000xi32, #tpu.memory_space<hbm>> -> memref<80xi32, #tpu.memory_space<hbm>>
        %dma_start3A_674 = arith.constant 0 : i32
        %dma_start3A_675 = tpu.memref_slice %arg7[%dma_start3A_668, %dma_start3A_669, %dma_start3A_674] : memref<5x2x80xi32, #tpu.memory_space<vmem>> -> memref<1x1x80xi32, #tpu.memory_space<vmem>>
        %dma_start3A_676 = tpu.memref_squeeze %dma_start3A_675 : memref<1x1x80xi32, #tpu.memory_space<vmem>> -> memref<80xi32, #tpu.memory_space<vmem>>
        %dma_start3A_677 = tpu.memref_slice %arg5[%mul3A_667] : memref<320000xi32, #tpu.memory_space<hbm>> -> memref<80xi32, #tpu.memory_space<hbm>>
        tpu.enqueue_dma source(%dma_start3A_677 : memref<80xi32, #tpu.memory_space<hbm>>) target(%dma_start3A_676 : memref<80xi32, #tpu.memory_space<vmem>>) target_semaphore(%arg18 : memref<!tpu.dma_semaphore, #tpu.memory_space<semaphore_mem>>)
      } else {
      }
      %dma_wait3A_624 = arith.constant 3 : i32
      %dma_wait3A_625 = arith.constant 3 : i32
      %dma_wait3A_626 = arith.constant 1 : i32
      %dma_wait3A_627 = arith.constant 0 : i32
      %dma_wait3A_628 = arith.constant 0 : i32
      %dma_wait3A_629 = tpu.memref_slice %arg8[%dma_wait3A_624, %dma_wait3A_627, %dma_wait3A_628] : memref<5x80x64xf32, #tpu.memory_space<vmem>> -> memref<1x80x64xf32, #tpu.memory_space<vmem>>
      %dma_wait3A_630 = tpu.memref_squeeze %dma_wait3A_629 : memref<1x80x64xf32, #tpu.memory_space<vmem>> -> memref<80x64xf32, #tpu.memory_space<vmem>>
      %dma_wait3A_631 = arith.constant 0 : i32
      %dma_wait3A_632 = tpu.memref_slice %arg7[%dma_wait3A_625, %dma_wait3A_626, %dma_wait3A_631] : memref<5x2x80xi32, #tpu.memory_space<vmem>> -> memref<1x1x80xi32, #tpu.memory_space<vmem>>
      %dma_wait3A_633 = tpu.memref_squeeze %dma_wait3A_632 : memref<1x1x80xi32, #tpu.memory_space<vmem>> -> memref<80xi32, #tpu.memory_space<vmem>>
      %dma_wait3A_634 = arith.constant 0 : i32
      %dma_wait3A_635 = arith.constant 0 : i32
      %dma_wait3A_636 = tpu.memref_slice %arg10[%dma_wait3A_634, %dma_wait3A_635] : memref<10000x64xf32, #tpu.memory_space<vmem_shared>> -> memref<10000x64xf32, #tpu.memory_space<vmem_shared>>
      tpu.wait_indirect_dma semaphore(%arg22 : memref<!tpu.dma_semaphore, #tpu.memory_space<semaphore_mem>>) src(%dma_wait3A_630 : memref<80x64xf32, #tpu.memory_space<vmem>>) dst(%dma_wait3A_636 : memref<10000x64xf32, #tpu.memory_space<vmem_shared>>)
      %dma_wait3A_637 = arith.constant 4 : i32
      %dma_wait3A_638 = arith.constant 4 : i32
      %dma_wait3A_639 = arith.constant 1 : i32
      %dma_wait3A_640 = arith.constant 0 : i32
      %dma_wait3A_641 = arith.constant 0 : i32
      %dma_wait3A_642 = tpu.memref_slice %arg8[%dma_wait3A_637, %dma_wait3A_640, %dma_wait3A_641] : memref<5x80x64xf32, #tpu.memory_space<vmem>> -> memref<1x80x64xf32, #tpu.memory_space<vmem>>
      %dma_wait3A_643 = tpu.memref_squeeze %dma_wait3A_642 : memref<1x80x64xf32, #tpu.memory_space<vmem>> -> memref<80x64xf32, #tpu.memory_space<vmem>>
      %dma_wait3A_644 = arith.constant 0 : i32
      %dma_wait3A_645 = tpu.memref_slice %arg7[%dma_wait3A_638, %dma_wait3A_639, %dma_wait3A_644] : memref<5x2x80xi32, #tpu.memory_space<vmem>> -> memref<1x1x80xi32, #tpu.memory_space<vmem>>
      %dma_wait3A_646 = tpu.memref_squeeze %dma_wait3A_645 : memref<1x1x80xi32, #tpu.memory_space<vmem>> -> memref<80xi32, #tpu.memory_space<vmem>>
      %dma_wait3A_647 = arith.constant 0 : i32
      %dma_wait3A_648 = arith.constant 0 : i32
      %dma_wait3A_649 = tpu.memref_slice %arg10[%dma_wait3A_647, %dma_wait3A_648] : memref<10000x64xf32, #tpu.memory_space<vmem_shared>> -> memref<10000x64xf32, #tpu.memory_space<vmem_shared>>
      tpu.wait_indirect_dma semaphore(%arg21 : memref<!tpu.dma_semaphore, #tpu.memory_space<semaphore_mem>>) src(%dma_wait3A_643 : memref<80x64xf32, #tpu.memory_space<vmem>>) dst(%dma_wait3A_649 : memref<10000x64xf32, #tpu.memory_space<vmem_shared>>)
    }
    %scan3A_232 = arith.constant 25 : i32
    %barrier3A_233 = arith.constant 0 : index
    tpu.barrier barrier_id(%barrier3A_233)
    %mul3A_234 = arith.constant 16 : i32
    %mul3A_235 = arith.muli %arg0, %mul3A_234 : i32
    %add3A_236 = arith.addi %mul3A_235, %arg1 : i32
    "tpu.region"() ({
      %run_scoped3A_237 = tpu.sem_alloc : memref<!tpu.dma_semaphore, #tpu.memory_space<semaphore_mem>>
      %dma_start3A_238 = arith.constant 0 : i32
      %dma_start3A_239 = arith.constant 0 : i32
      %dma_start3A_240 = tpu.memref_slice %arg6[%add3A_236, %dma_start3A_238, %dma_start3A_239] : memref<32x625x64xf32, #tpu.memory_space<hbm>> -> memref<1x625x64xf32, #tpu.memory_space<hbm>>
      %dma_start3A_241 = tpu.memref_squeeze %dma_start3A_240 : memref<1x625x64xf32, #tpu.memory_space<hbm>> -> memref<625x64xf32, #tpu.memory_space<hbm>>
      %dma_start3A_242 = arith.constant 0 : i32
      %dma_start3A_243 = tpu.memref_slice %arg10[%mul3A_9, %dma_start3A_242] : memref<10000x64xf32, #tpu.memory_space<vmem_shared>> -> memref<625x64xf32, #tpu.memory_space<vmem_shared>>
      tpu.enqueue_dma source(%dma_start3A_243 : memref<625x64xf32, #tpu.memory_space<vmem_shared>>) target(%dma_start3A_241 : memref<625x64xf32, #tpu.memory_space<hbm>>) target_semaphore(%run_scoped3A_237 : memref<!tpu.dma_semaphore, #tpu.memory_space<semaphore_mem>>)
      %dma_wait3A_244 = arith.constant 0 : i32
      %dma_wait3A_245 = arith.constant 0 : i32
      %dma_wait3A_246 = tpu.memref_slice %arg6[%add3A_236, %dma_wait3A_244, %dma_wait3A_245] : memref<32x625x64xf32, #tpu.memory_space<hbm>> -> memref<1x625x64xf32, #tpu.memory_space<hbm>>
      %dma_wait3A_247 = tpu.memref_squeeze %dma_wait3A_246 : memref<1x625x64xf32, #tpu.memory_space<hbm>> -> memref<625x64xf32, #tpu.memory_space<hbm>>
      %dma_wait3A_248 = arith.constant 0 : i32
      %dma_wait3A_249 = tpu.memref_slice %arg10[%mul3A_9, %dma_wait3A_248] : memref<10000x64xf32, #tpu.memory_space<vmem_shared>> -> memref<625x64xf32, #tpu.memory_space<vmem_shared>>
      tpu.wait_dma2 semaphore(%run_scoped3A_237 : memref<!tpu.dma_semaphore, #tpu.memory_space<semaphore_mem>>) src(%dma_wait3A_249 : memref<625x64xf32, #tpu.memory_space<vmem_shared>>) dst(%dma_wait3A_247 : memref<625x64xf32, #tpu.memory_space<hbm>>)
      tpu.yield
    }) : () -> ()
    return
  }
}

module attributes {stable_mosaic.version = 14 : i64} {
  func.func @_xm_body(%arg0: i32, %arg1: memref<1000x256xf32, #tpu.memory_space<vmem>>, %arg2: memref<256x128xf32, #tpu.memory_space<vmem>>, %arg3: memref<1000x128xf32, #tpu.memory_space<vmem>>) attributes {dimension_semantics = [#tpu.dimension_semantics<arbitrary>], iteration_bounds = array<i64: 5>, scalar_prefetch = 0 : i64, scratch_operands = 0 : i64, tpu.core_type = #tpu.core_type<tc>, window_params = [{transform_indices = @transform_0, window_bounds = array<i64: 1000, 256>}, {pipeline_mode = #tpu.pipeline_mode<synchronous>, transform_indices = @transform_1, window_bounds = array<i64: 256, 128>}, {transform_indices = @transform_2, window_bounds = array<i64: 1000, 128>}]} {
    %get3A = arith.constant 0 : index
    %get3A_0 = arith.constant 0 : index
    %get3A_1 = vector.load %arg1[%get3A, %get3A_0] : memref<1000x256xf32, #tpu.memory_space<vmem>>, vector<1000x256xf32>
    %get3A_2 = arith.constant 0 : index
    %get3A_3 = arith.constant 0 : index
    %get3A_4 = vector.load %arg2[%get3A_2, %get3A_3] : memref<256x128xf32, #tpu.memory_space<vmem>>, vector<256x128xf32>
    %dot_general3A = arith.constant dense<0.000000e+00> : vector<1000x128xf32>
    %dot_general3A_5 = tpu.matmul %get3A_1, %get3A_4, %dot_general3A {dimension_numbers = #tpu.dot_dimension_numbers<[1], [0], [0], [1], [0, 0, 1, 1], [], []>, transpose_lhs_hint = false} : vector<1000x256xf32>, vector<256x128xf32>, vector<1000x128xf32> -> vector<1000x128xf32>
    %swap3A = arith.constant 0 : index
    %swap3A_6 = arith.constant 0 : index
    %swap3A_7 = vector.load %arg3[%swap3A, %swap3A_6] : memref<1000x128xf32, #tpu.memory_space<vmem>>, vector<1000x128xf32>
    tpu.vector_store %arg3[%swap3A, %swap3A_6], %dot_general3A_5 {strides = array<i32>} : memref<1000x128xf32, #tpu.memory_space<vmem>>, vector<1000x128xf32>,
    return
  }
  func.func @transform_0(%arg0: i32) -> (i32, i32) {
    %c0_i32 = arith.constant 0 : i32
    %c0_i32_0 = arith.constant 0 : i32
    return %arg0, %c0_i32 : i32, i32
  }
  func.func @transform_1(%arg0: i32) -> (i32, i32) {
    %c0_i32 = arith.constant 0 : i32
    %c0_i32_0 = arith.constant 0 : i32
    %c0_i32_1 = arith.constant 0 : i32
    return %c0_i32, %c0_i32_0 : i32, i32
  }
  func.func @transform_2(%arg0: i32) -> (i32, i32) {
    %c0_i32 = arith.constant 0 : i32
    %c0_i32_0 = arith.constant 0 : i32
    return %arg0, %c0_i32 : i32, i32
  }
}

module attributes {stable_mosaic.version = 14 : i64} {
  func.func @_em_body(%arg0: i32, %arg1: memref<4x6400xf32, #tpu.memory_space<vmem>>, %arg2: memref<4x6400xf32, #tpu.memory_space<vmem>>, %arg3: memref<4x64xf32, #tpu.memory_space<vmem>>, %arg4: memref<1x64xf32, #tpu.memory_space<vmem>>, %arg5: memref<160x40x128xf32, #tpu.memory_space<vmem>>) attributes {dimension_semantics = [#tpu.dimension_semantics<arbitrary>], iteration_bounds = array<i64: 25>, scalar_prefetch = 0 : i64, scratch_operands = 0 : i64, tpu.core_type = #tpu.core_type<tc>, window_params = [{transform_indices = @transform_0, window_bounds = array<i64: 4, 6400>}, {transform_indices = @transform_1, window_bounds = array<i64: 4, 6400>}, {pipeline_mode = #tpu.pipeline_mode<synchronous>, transform_indices = @transform_2, window_bounds = array<i64: 4, 64>}, {pipeline_mode = #tpu.pipeline_mode<synchronous>, transform_indices = @transform_3, window_bounds = array<i64: 1, 64>}, {transform_indices = @transform_4, window_bounds = array<i64: 160, 40, 128>}]} {
    %get3A = arith.constant 0 : index
    %get3A_0 = arith.constant 0 : index
    %get3A_1 = vector.load %arg1[%get3A, %get3A_0] : memref<4x6400xf32, #tpu.memory_space<vmem>>, vector<4x6400xf32>
    %get3A_2 = arith.constant 0 : index
    %get3A_3 = arith.constant 0 : index
    %get3A_4 = vector.load %arg3[%get3A_2, %get3A_3] : memref<4x64xf32, #tpu.memory_space<vmem>>, vector<4x64xf32>
    %dot_general3A = arith.constant dense<0.000000e+00> : vector<6400x64xf32>
    %dot_general3A_5 = tpu.matmul %get3A_1, %get3A_4, %dot_general3A {dimension_numbers = #tpu.dot_dimension_numbers<[0], [0], [1], [1], [0, 1, 1, 1], [], []>, transpose_lhs_hint = false} : vector<4x6400xf32>, vector<4x64xf32>, vector<6400x64xf32> -> vector<6400x64xf32>
    %get3A_6 = arith.constant 0 : index
    %get3A_7 = arith.constant 0 : index
    %get3A_8 = vector.load %arg4[%get3A_6, %get3A_7] : memref<1x64xf32, #tpu.memory_space<vmem>>, vector<1x64xf32>
    %add3A = vector.broadcast %get3A_8 : vector<1x64xf32> to vector<6400x64xf32>
    %add3A_9 = arith.addf %dot_general3A_5, %add3A : vector<6400x64xf32>
    %get3A_10 = arith.constant 0 : index
    %get3A_11 = arith.constant 0 : index
    %get3A_12 = vector.load %arg2[%get3A_10, %get3A_11] : memref<4x6400xf32, #tpu.memory_space<vmem>>, vector<4x6400xf32>
    %get3A_13 = arith.constant 0 : index
    %get3A_14 = arith.constant 0 : index
    %get3A_15 = vector.load %arg3[%get3A_13, %get3A_14] : memref<4x64xf32, #tpu.memory_space<vmem>>, vector<4x64xf32>
    %dot_general3A_16 = arith.constant dense<0.000000e+00> : vector<6400x64xf32>
    %dot_general3A_17 = tpu.matmul %get3A_12, %get3A_15, %dot_general3A_16 {dimension_numbers = #tpu.dot_dimension_numbers<[0], [0], [1], [1], [0, 1, 1, 1], [], []>, transpose_lhs_hint = false} : vector<4x6400xf32>, vector<4x64xf32>, vector<6400x64xf32> -> vector<6400x64xf32>
    %get3A_18 = arith.constant 0 : index
    %get3A_19 = arith.constant 0 : index
    %get3A_20 = vector.load %arg4[%get3A_18, %get3A_19] : memref<1x64xf32, #tpu.memory_space<vmem>>, vector<1x64xf32>
    %add3A_21 = vector.broadcast %get3A_20 : vector<1x64xf32> to vector<6400x64xf32>
    %add3A_22 = arith.addf %dot_general3A_17, %add3A_21 : vector<6400x64xf32>
    %concatenate3A = tpu.concatenate %add3A_9, %add3A_22 in 1 : vector<6400x64xf32>, vector<6400x64xf32> -> vector<6400x128xf32>
    %reshape3A = vector.shape_cast %concatenate3A : vector<6400x128xf32> to vector<160x40x128xf32>
    %swap3A = arith.constant 0 : index
    %swap3A_23 = arith.constant 0 : index
    %swap3A_24 = arith.constant 0 : index
    %swap3A_25 = vector.load %arg5[%swap3A, %swap3A_23, %swap3A_24] : memref<160x40x128xf32, #tpu.memory_space<vmem>>, vector<160x40x128xf32>
    tpu.vector_store %arg5[%swap3A, %swap3A_23, %swap3A_24], %reshape3A {strides = array<i32>} : memref<160x40x128xf32, #tpu.memory_space<vmem>>, vector<160x40x128xf32>,
    return
  }
  func.func @transform_0(%arg0: i32) -> (i32, i32) {
    %c0_i32 = arith.constant 0 : i32
    %c0_i32_0 = arith.constant 0 : i32
    return %c0_i32, %arg0 : i32, i32
  }
  func.func @transform_1(%arg0: i32) -> (i32, i32) {
    %add3A = arith.constant 25 : i32
    %add3A_0 = arith.addi %arg0, %add3A : i32
    %c0_i32 = arith.constant 0 : i32
    %c0_i32_1 = arith.constant 0 : i32
    return %c0_i32, %add3A_0 : i32, i32
  }
  func.func @transform_2(%arg0: i32) -> (i32, i32) {
    %c0_i32 = arith.constant 0 : i32
    %c0_i32_0 = arith.constant 0 : i32
    %c0_i32_1 = arith.constant 0 : i32
    return %c0_i32, %c0_i32_0 : i32, i32
  }
  func.func @transform_3(%arg0: i32) -> (i32, i32) {
    %c0_i32 = arith.constant 0 : i32
    %c0_i32_0 = arith.constant 0 : i32
    %c0_i32_1 = arith.constant 0 : i32
    return %c0_i32, %c0_i32_0 : i32, i32
  }
  func.func @transform_4(%arg0: i32) -> (i32, i32, i32) {
    %c0_i32 = arith.constant 0 : i32
    %c0_i32_0 = arith.constant 0 : i32
    %c0_i32_1 = arith.constant 0 : i32
    return %arg0, %c0_i32, %c0_i32_0 : i32, i32, i32
  }
}

module attributes {stable_mosaic.version = 14 : i64} {
  func.func @_out_body(%arg0: i32, %arg1: memref<2000x128xf32, #tpu.memory_space<vmem>>, %arg2: memref<2000x64xf32, #tpu.memory_space<vmem>>, %arg3: memref<2000x64xf32, #tpu.memory_space<vmem>>, %arg4: memref<128x128xf32, #tpu.memory_space<vmem>>, %arg5: memref<64x128xf32, #tpu.memory_space<vmem>>, %arg6: memref<1x128xf32, #tpu.memory_space<vmem>>, %arg7: memref<2000x128xf32, #tpu.memory_space<vmem>>) attributes {dimension_semantics = [#tpu.dimension_semantics<arbitrary>], iteration_bounds = array<i64: 5>, scalar_prefetch = 0 : i64, scratch_operands = 0 : i64, tpu.core_type = #tpu.core_type<tc>, window_params = [{transform_indices = @transform_0, window_bounds = array<i64: 2000, 128>}, {transform_indices = @transform_1, window_bounds = array<i64: 2000, 64>}, {transform_indices = @transform_2, window_bounds = array<i64: 2000, 64>}, {pipeline_mode = #tpu.pipeline_mode<synchronous>, transform_indices = @transform_3, window_bounds = array<i64: 128, 128>}, {pipeline_mode = #tpu.pipeline_mode<synchronous>, transform_indices = @transform_4, window_bounds = array<i64: 64, 128>}, {pipeline_mode = #tpu.pipeline_mode<synchronous>, transform_indices = @transform_5, window_bounds = array<i64: 1, 128>}, {transform_indices = @transform_6, window_bounds = array<i64: 2000, 128>}]} {
    %get3A = arith.constant 0 : index
    %get3A_0 = arith.constant 0 : index
    %get3A_1 = vector.load %arg2[%get3A, %get3A_0] : memref<2000x64xf32, #tpu.memory_space<vmem>>, vector<2000x64xf32>
    %get3A_2 = arith.constant 0 : index
    %get3A_3 = arith.constant 0 : index
    %get3A_4 = vector.load %arg3[%get3A_2, %get3A_3] : memref<2000x64xf32, #tpu.memory_space<vmem>>, vector<2000x64xf32>
    %add3A = arith.addf %get3A_1, %get3A_4 : vector<2000x64xf32>
    %get3A_5 = arith.constant 0 : index
    %get3A_6 = arith.constant 0 : index
    %get3A_7 = vector.load %arg1[%get3A_5, %get3A_6] : memref<2000x128xf32, #tpu.memory_space<vmem>>, vector<2000x128xf32>
    %get3A_8 = arith.constant 0 : index
    %get3A_9 = arith.constant 0 : index
    %get3A_10 = vector.load %arg4[%get3A_8, %get3A_9] : memref<128x128xf32, #tpu.memory_space<vmem>>, vector<128x128xf32>
    %dot_general3A = arith.constant dense<0.000000e+00> : vector<2000x128xf32>
    %dot_general3A_11 = tpu.matmul %get3A_7, %get3A_10, %dot_general3A {dimension_numbers = #tpu.dot_dimension_numbers<[1], [0], [0], [1], [0, 0, 1, 1], [], []>, transpose_lhs_hint = false} : vector<2000x128xf32>, vector<128x128xf32>, vector<2000x128xf32> -> vector<2000x128xf32>
    %get3A_12 = arith.constant 0 : index
    %get3A_13 = arith.constant 0 : index
    %get3A_14 = vector.load %arg5[%get3A_12, %get3A_13] : memref<64x128xf32, #tpu.memory_space<vmem>>, vector<64x128xf32>
    %dot_general3A_15 = arith.constant dense<0.000000e+00> : vector<2000x128xf32>
    %dot_general3A_16 = tpu.matmul %add3A, %get3A_14, %dot_general3A_15 {dimension_numbers = #tpu.dot_dimension_numbers<[1], [0], [0], [1], [0, 0, 1, 1], [], []>, transpose_lhs_hint = false} : vector<2000x64xf32>, vector<64x128xf32>, vector<2000x128xf32> -> vector<2000x128xf32>
    %add3A_17 = arith.addf %dot_general3A_11, %dot_general3A_16 : vector<2000x128xf32>
    %get3A_18 = arith.constant 0 : index
    %get3A_19 = arith.constant 0 : index
    %get3A_20 = vector.load %arg6[%get3A_18, %get3A_19] : memref<1x128xf32, #tpu.memory_space<vmem>>, vector<1x128xf32>
    %add3A_21 = vector.broadcast %get3A_20 : vector<1x128xf32> to vector<2000x128xf32>
    %add3A_22 = arith.addf %add3A_17, %add3A_21 : vector<2000x128xf32>
    %swap3A = arith.constant 0 : index
    %swap3A_23 = arith.constant 0 : index
    %swap3A_24 = vector.load %arg7[%swap3A, %swap3A_23] : memref<2000x128xf32, #tpu.memory_space<vmem>>, vector<2000x128xf32>
    tpu.vector_store %arg7[%swap3A, %swap3A_23], %add3A_22 {strides = array<i32>} : memref<2000x128xf32, #tpu.memory_space<vmem>>, vector<2000x128xf32>,
    return
  }
  func.func @transform_0(%arg0: i32) -> (i32, i32) {
    %c0_i32 = arith.constant 0 : i32
    %c0_i32_0 = arith.constant 0 : i32
    return %arg0, %c0_i32 : i32, i32
  }
  func.func @transform_1(%arg0: i32) -> (i32, i32) {
    %c0_i32 = arith.constant 0 : i32
    %c0_i32_0 = arith.constant 0 : i32
    return %arg0, %c0_i32 : i32, i32
  }
  func.func @transform_2(%arg0: i32) -> (i32, i32) {
    %c0_i32 = arith.constant 0 : i32
    %c0_i32_0 = arith.constant 0 : i32
    return %arg0, %c0_i32 : i32, i32
  }
  func.func @transform_3(%arg0: i32) -> (i32, i32) {
    %c0_i32 = arith.constant 0 : i32
    %c0_i32_0 = arith.constant 0 : i32
    %c0_i32_1 = arith.constant 0 : i32
    return %c0_i32, %c0_i32_0 : i32, i32
  }
  func.func @transform_4(%arg0: i32) -> (i32, i32) {
    %c0_i32 = arith.constant 0 : i32
    %c0_i32_0 = arith.constant 0 : i32
    %c0_i32_1 = arith.constant 0 : i32
    return %c0_i32, %c0_i32_0 : i32, i32
  }
  func.func @transform_5(%arg0: i32) -> (i32, i32) {
    %c0_i32 = arith.constant 0 : i32
    %c0_i32_0 = arith.constant 0 : i32
    %c0_i32_1 = arith.constant 0 : i32
    return %c0_i32, %c0_i32_0 : i32, i32
  }
  func.func @transform_6(%arg0: i32) -> (i32, i32) {
    %c0_i32 = arith.constant 0 : i32
    %c0_i32_0 = arith.constant 0 : i32
    return %arg0, %c0_i32 : i32, i32
  }
}

</mosaic_0001>

<sc_bundles>
// kernel: kernel.6.cloned.1.call-start
scs
__scs_entry_jumppad:
0x0: {  	(pc) =	sbr.rel $0x88, $3  }
0x1: {  	(tag) =	ssettag $0x0;
	lr =	simm.s32 $0x1  }
0x2: {  	[smem:$0x3F9A] =	sst lr;
	_ =	strace $0xD0000000  }
0x3: {  	_ = 	snop  }
0x4: {  	_ = 	snop  }
0x5: {  	_ = 	snop  }
0x6: {  	_ = 	snop  }
0x7: {  	_ = 	snop  }
__scs_overlays_trampoline_lowered:
0x8: {  	[smem:$0x3FA9] =	sst s0  }
0x9: {  	[smem:$0x3FAA] =	sst s1  }
0xa: {  	[smem:$0x3FAB] =	sst s2  }
0xb: {  	[smem:$0x3FAC] =	sst s3  }
0xc: {  	[smem:$0x3FAD] =	sst s4  }
0xd: {  	[smem:$0x3FAE] =	sst s5  }
0xe: {  	[smem:$0x3FAF] =	sst s6  }
0xf: {  	[smem:$0x3FB0] =	sst s7  }
0x10: {  	[smem:$0x3FB1] =	sst s8  }
0x11: {  	[smem:$0x3FB2] =	sst s9;
	s0 =	simm.s32 @!p0 $0x0  }
0x12: {  	s1 =	sld [smem:$0x3F98];
	s0 =	simm.s32 @p0 $0x1  }
0x13: {  	[smem:$0x3FB3] =	sst s0;
	s0 =	simm.s32 @!p1 $0x0  }
0x14: {  	s2 =	sld [smem:$0x3F97];
	s0 =	simm.s32 @p1 $0x1  }
0x15: {  	[smem:$0x3FB4] =	sst s0;
	s0 =	simm.s32 @!p2 $0x0  }
0x16: {  	s3 =	sld [smem:$0x3FDB];
	s0 =	simm.s32 @p2 $0x1  }
0x17: {  	s4 =	simm.s32 $0x1BF5;
	[smem:$0x3FB6] =	sst s0  }
0x18: {  	s0 =	sld [smem:$0x3F99];
	_ =	swait.ge [sflag:s4], $0x0  }
0x19: {  	s7 =	sld [smem:$0x3F9A]  }
0x1a: {  	s8 =	sadd.s32 $0xFFFFE003, lr  }
0x1b: {  	s9 =	sadd.s32 $0xFFFFFEF7, lr;
	s5 =	simm.s32 $0xFFFFFFFF;
	p2 =	slt.u32 s8, $0xFFFFF086  }
0x1c: {  	p1 =	slt.u32 s9, $0xF7A;
	s5 =	simm.s32 @!p2 $0x0  }
0x1d: {  	s5 =	simm.s32 @p1 $0x1;
	p0 =	seq.s32 s7, s2  }
0x1e: {  	s7 =	smul.u32 @!p0 $0xF7A, s2;
	p2 =	seq.s32 @!p0 s5, $0x0  }
0x1f: {  	s9 =	smul.u32 $0xF7A, s1;
	s8 =	simm.s32 @!p0 $0x1BF5;
	p2 =	por !p2, p0  }
0x20: {  	[sflag:s8] =	ssyncset.s32 @!p0 $0xFFFFF086;
	s6 =	sadd.s32 @!p0 s3, s7;
	s7 =	simm.s32 @!p0 $0x108  }
0x21: {  	s3 =	sadd.s32 s3, s9;
	s6 =	sadd.s32 @!p0 $0x88, s6;
	s7 =	simm.s32 @p2 $0x1082  }
0x22: {  	[simem:s7], [sflag:s8] =	dma.local @!p0 [hbm:s6], $0xF7A  }
0x23: {  	s9 =	sor.u32 $0xD0000000, s2;
	s6 =	simm.s32 $0x108;
	_ =	swait.ge @!p0 [sflag:s8], $0x0  }
0x24: {  	s3 =	sadd.s32 $0x88, s3;
	s6 =	simm.s32 @!p1 $0x1082;
	[sflag:s4] =	ssyncset.s32 $0xFFFFF086  }
0x25: {  	[simem:s6], [sflag:s4] =	dma.local [hbm:s3], $0xF7A  }
0x26: {  	[smem:$0x3F9A] =	sst s1;
	(tag) =	ssettag s2;
	_ =	strace s9  }
0x27: {  	s1 =	sld [smem:$0x3FAA]  }
0x28: {  	s2 =	sld [smem:$0x3FAB]  }
0x29: {  	s4 =	sld [smem:$0x3FAD]  }
0x2a: {  	p0 =	seq.s32 s5, $0x0;
	s5 =	sld [smem:$0x3FAE]  }
0x2b: {  	s6 =	sld [smem:$0x3FAF]  }
0x2c: {  	s7 =	sld [smem:$0x3FB0]  }
0x2d: {  	s3 =	simm.s32 $0x108;
	s8 =	sld [smem:$0x3FB1]  }
0x2e: {  	s3 =	simm.s32 @!p0 $0x1082;
	s9 =	sld [smem:$0x3FB2]  }
0x2f: {  	lr =	sadd.s32 s0, s3;
	s0 =	sld [smem:$0x3FA9]  }
0x30: {  	s3 =	sld [smem:$0x3FAC]  }
0x31: {  	[smem:$0x3FB5] =	sst s10  }
0x32: {  	s10 =	sld [smem:$0x3FB3];
	_ =	sdelay $0x3  }
0x33: {  	p0 =	seq.s32 s10, $0x1;
	s10 =	sld [smem:$0x3FB5];
	_ =	sdelay $0x3  }
0x34: {  	[smem:$0x3FB5] =	sst s10  }
0x35: {  	s10 =	sld [smem:$0x3FB4];
	_ =	sdelay $0x3  }
0x36: {  	p1 =	seq.s32 s10, $0x1;
	s10 =	sld [smem:$0x3FB5];
	_ =	sdelay $0x3  }
0x37: {  	[smem:$0x3FB5] =	sst s10  }
0x38: {  	s10 =	sld [smem:$0x3FB6]  }
0x39: {  	_ = 	snop;
	(pc) =	sbr.ind lr, $3  }
0x3a: {  	_ = 	snop  }
0x3b: {  	_ = 	snop  }
0x3c: {  	p2 =	seq.s32 s10, $0x1;
	s10 =	sld [smem:$0x3FB5]  }
0x3d: {  	_ =	shalt  }
0x3e: {  	_ =	shalt  }
0x3f: {  	_ =	shalt  }
0x40: {  	_ =	shalt  }
0x41: {  	_ =	shalt  }
0x42: {  	_ =	shalt  }
0x43: {  	_ =	shalt  }
0x44: {  	_ =	shalt  }
0x45: {  	_ =	shalt  }
0x46: {  	_ =	shalt  }
0x47: {  	_ =	shalt  }
0x48: {  	_ =	shalt  }
0x49: {  	_ =	shalt  }
0x4a: {  	_ =	shalt  }
0x4b: {  	_ =	shalt  }
0x4c: {  	_ =	shalt  }
0x4d: {  	_ =	shalt  }
0x4e: {  	_ =	shalt  }
0x4f: {  	_ =	shalt  }
0x50: {  	_ =	shalt  }
0x51: {  	_ =	shalt  }
0x52: {  	_ =	shalt  }
0x53: {  	_ =	shalt  }
0x54: {  	_ =	shalt  }
0x55: {  	_ =	shalt  }
0x56: {  	_ =	shalt  }
0x57: {  	_ =	shalt  }
0x58: {  	_ =	shalt  }
0x59: {  	_ =	shalt  }
0x5a: {  	_ =	shalt  }
0x5b: {  	_ =	shalt  }
0x5c: {  	_ =	shalt  }
0x5d: {  	_ =	shalt  }
0x5e: {  	_ =	shalt  }
0x5f: {  	_ =	shalt  }
0x60: {  	_ =	shalt  }
0x61: {  	_ =	shalt  }
0x62: {  	_ =	shalt  }
0x63: {  	_ =	shalt  }
0x64: {  	_ =	shalt  }
0x65: {  	_ =	shalt  }
0x66: {  	_ =	shalt  }
0x67: {  	_ =	shalt  }
0x68: {  	_ =	shalt  }
0x69: {  	_ =	shalt  }
0x6a: {  	_ =	shalt  }
0x6b: {  	_ =	shalt  }
0x6c: {  	_ =	shalt  }
0x6d: {  	_ =	shalt  }
0x6e: {  	_ =	shalt  }
0x6f: {  	_ =	shalt  }
0x70: {  	_ =	shalt  }
0x71: {  	_ =	shalt  }
0x72: {  	_ =	shalt  }
0x73: {  	_ =	shalt  }
0x74: {  	_ =	shalt  }
0x75: {  	_ =	shalt  }
0x76: {  	_ =	shalt  }
0x77: {  	_ =	shalt  }
0x78: {  	_ =	shalt  }
0x79: {  	_ =	shalt  }
0x7a: {  	_ =	shalt  }
0x7b: {  	_ =	shalt  }
0x7c: {  	_ =	shalt  }
0x7d: {  	_ =	shalt  }
0x7e: {  	_ =	shalt  }
0x7f: {  	_ =	shalt  }
0x80: {  	_ =	shalt  }
0x81: {  	_ =	shalt  }
0x82: {  	_ =	shalt  }
0x83: {  	_ =	shalt  }
0x84: {  	_ =	shalt  }
0x85: {  	_ =	shalt  }
0x86: {  	_ =	shalt  }
0x87: {  	_ =	shalt  }
.Lfunc_end0:
.L_simem_size_0:
called_computation_lowered:
.L_overlay_start_0:
0x88: {  	s2 =	sld [smem:$0x3FD9]  }
0x89: {  	s3 =	sld [smem:$0x3FFE];
	_ =	sdelay $0x1  }
0x8a: {  	s1 =	srdreg.scid  }
0x8b: {  	s0 =	sand.u32 $0x1, s1  }
0x8c: {  	s17 =	sshll.u32 s0, $0xA;
	s2 =	sadd.s32 s3, s2  }
0x8d: {  	s2 =	sadd.s32 s2, s17  }
0x8e: {  	[smem:$0x3FC1] =	sst s2  }
0x8f: {  	_ = 	snop  }
0x90: {  	s2 =	sld [smem:$0x3FD0];
	(tm) =	ssettm $0x1  }
0x91: {  	s18 =	sld [smem:$0x3FFB];
	_ =	sdelay $0x3  }
0x92: {  	_ =	strace s18  }
0x93: {  	s3 =	sld [smem:$0x3FFC];
	_ =	sdelay $0x3  }
0x94: {  	_ =	strace s3  }
0x95: {  	s3 =	sld [smem:$0x3FFD];
	_ =	sdelay $0x3  }
0x96: {  	_ =	strace s3  }
0x97: {  	_ =	strace $0x8FFFFFFF  }
0x98: {  	s19 =	sld [smem:$0x3FDB];
	_ =	sdelay $0x1  }
0x99: {  	s4 =	simm.s32 $_scs_section_size  }
0x9a: {  	s5 =	simm.s32 $_size__tile_overlayer_lowered;
	s6 =	simm.s32 $_tile_overlayer_lowered  }
0x9b: {  	s22 =	simm.s32 $0x1BFF;
	s21 =	sshll.u32 s6, $0x1;
	s3 =	sadd.s32 s4, s19  }
0x9c: {  	s7 =	simm.s32 $0x0;
	s20 =	sshll.u32 s5, $0x1;
	s5 =	sadd.s32 s21, s3  }
0x9d: {  	[timem:s7], [sflag:s22] =	dma.local [hbm:s5], s20  }
0x9e: {  	_ =	swait.ge [sflag:s22], s20  }
0x9f: {  	s4 =	ssub.s32 $0x0, s20;
	[sflag:s22] =	ssyncset.done $0x0  }
0xa0: {  	[sflag:s22] =	ssyncadd.s32 s4;
	_ =	sdelay $0x1  }
0xa1: {  	s23 =	simm.s32 $0x1B8B  }
0xa2: {  	_ =	swait.ge [sflag:s23], $0x1  }
0xa3: {  	[sflag:s23] =	ssyncset.done $0x0  }
0xa4: {  	s25 =	simm.s32 $0x1B8E;
	s24 =	sld [smem:$0x3FFE];
	[sflag:s23] =	ssyncadd.s32 $0xFFFFFFFF  }
0xa5: {  	s26 =	simm.s32 $execute0_lowered;
	[smem:$0x3FD2] =	sst s25  }
0xa6: {  	s5 =	sshll.u32 s26, $0x1;
	_ =	strace $0x80000046;
	[dreg:$0x1] =	wrdreg $0xFFFFFFFF  }
0xa7: {  	s28 =	simm.s32 $_size_execute0_lowered;
	s3 =	sadd.s32 s3, s5;
	[dreg:$0x0] =	wrdreg $0x0  }
0xa8: {  	s5 =	sshll.u32 s28, $0x1;
	[dreg:$0x2] =	wrdreg s3  }
0xa9: {  	[dreg:$0x3] =	wrdreg s5  }
0xaa: {  	[dreg:$0x4] =	wrdreg $0xC0  }
0xab: {  	_ =	task [dreg:s7], $0x5FFFF  }
0xac: {  	[dreg:$0x1] =	wrdreg $0xFFFFFFFF  }
0xad: {  	[dreg:$0x0] =	wrdreg $0x60  }
0xae: {  	[dreg:$0x2] =	wrdreg s24  }
0xaf: {  	[dreg:$0x3] =	wrdreg s2  }
0xb0: {  	[dreg:$0x4] =	wrdreg $0xCB200  }
0xb1: {  	[dreg:$0x5] =	wrdreg $0x9  }
0xb2: {  	_ =	task.clear_ibuf [dreg:s7], $0x6FFFF;
	_ =	strace $0x90000046  }
0xb3: {  	s29 =	simm.s32 $0x9;
	_ =	strace $0x80000048  }
0xb4: {  	_ =	swait.ge [sflag:s29], $0x1  }
0xb5: {  	[sflag:s29] =	ssyncadd.s32 $0xFFFFFFFF  }
0xb6: {  	_ =	strace $0x90000048  }
0xb7: {  	_ =	sfence  }
0xb8: {  	s30 =	sld [smem:$0x0];
	_ =	sdelay $0x2  }
0xb9: {  	s31 =	sshll.u32 s1, $0xD;
	s1 =	sshrl.u32 s1, $0x2  }
0xba: {  	s3 =	sand.u32 $0x4000, s31;
	s1 =	sadd.s32 s1, s30  }
0xbb: {  	s0 =	sor.u32 s3, s0;
	s1 =	sshll.u32 s1, $0x11  }
0xbc: {  	s0 =	sor.u32 s1, s0  }
0xbd: {  	s0 =	sadd.s32 $0x8F2B, s0  }
0xbe: {  	[sflag:s0] =	ssyncadd.remote.s32 $0x1  }
0xbf: {  	_ =	sfence.sel $0xFFFF  }
0xc0: {  	[dreg:$0x0] =	wrdreg $0xFFFFFFFF;
	(pc) =	sbr.abs _section_cstart, $3  }
0xc1: {  	[dreg:$0x1] =	wrdreg $0xFFFFFFFF  }
0xc2: {  	_ =	task.clear_ibuf [dreg:s7], $0x2FFFF;
	_ =	strace $0x9FFFFFFF  }
0xc3: {  	(tm) =	ssettm $0x7FFFFFFF  }
tec
execute0_lowered:
.L_overlay_start_1:
0x0: {  	(tag) =	ssettag $0x1  }
0x1: {  	s0 =	rddreg [dreg:$0x0]  }
0x2: {  	s2 =	rddreg [dreg:$0x1]  }
0x3: {  	s1 =	rddreg [dreg:$0x2]  }
0x4: {  	s3 =	simm.s32 $0x0;
	s14 =	stileid.u32;
	s20 =	srdreg.scid  }
0x5: {  	s29 =	simm.s32 $0xD;
	[smem:$0x7FF] =	sst s3;
	s4 =	sadd.s32 $0x15400, s0  }
0x6: {  	s8 =	smul.u32 $0x27100, s14;
	s21 =	sand.u32 $0x1, s20;
	s22 =	sshll.u32 s14, $0x1  }
0x7: {  	s5 =	sadd.s32 $0x28E00, s0;
	s6 =	sadd.s32 $0xB600, s0;
	s3 =	sor.u32 s21, s22  }
0x8: {  	s7 =	sadd.s32 $0x1800, s0;
	s10 =	sshrl.u32 s8, $0x2;
	s8 =	smul.u32 $0x7D, s3  }
0x9: {  	_ =	strace $0x80000047;
	s9 =	ssub.s32 $0x2, s21;
	s25 =	smul.u32 $0x4E2, s3  }
0xa: {  	s0 =	sshll.u32 s21, $0x4;
	s11 =	sshrl.u32 s9, $0x1;
	s16 =	smul.u32 $0x2710, s3  }
0xb: {  	s3 =	smul.u32 $0x13880, s3;
	s0 =	sor.u32 s14, s0;
	s28 =	sadd.s32 s10, s1  }
0xc: {  	s14 =	simm.s32 $0x0;
	s10 =	sadd.s32 $0x1400, s28;
	[dreg:$0x4] =	wrdreg s28  }
0xd: {  	s9 =	ssub.s32 s9, s11;
	s23 =	sadd.s32 $0x2800, s28;
	[dreg:$0x5] =	wrdreg s10  }
0xe: {  	s0 =	smul.u32 $0x1388, s0;
	s24 =	sadd.s32 $0x3C00, s28;
	[dreg:$0x6] =	wrdreg s23  }
0xf: {  	s26 =	sadd.s32 $0x1, s8;
	s12 =	sadd.s32 $0x5000, s28;
	[dreg:$0x7] =	wrdreg s24  }
0x10: {  	s30 =	sadd.s32 $0x6400, s28;
	s13 =	sadd.s32 $0x7800, s28;
	[dreg:$0x8] =	wrdreg s12  }
0x11: {  	s15 =	sadd.s32 s6, s25;
	s17 =	sshrl.u32 s16, $0x3;
	[dreg:$0x9] =	wrdreg s30  }
0x12: {  	s21 =	sadd.s32 s5, s3;
	s16 =	simm.s32 $0x3;
	[dreg:$0xa] =	wrdreg s13  }
0x13: {  	s3 =	simm.s32 $0xB;
	s31 =	smul.u32 $0xA, s26;
	[dreg:$0xb] =	wrdreg s15  }
0x14: {  	s10 =	sadd.s32 s7, s25;
	s11 =	smul.u32 $0x280, s26;
	[dreg:$0x12] =	wrdreg s21  }
0x15: {  	s0 =	sadd.s32 s2, s0;
	s23 =	smax.u32 s9, $0x1;
	[dreg:$0xc] =	wrdreg s10  }
0x16: {  	s24 =	sadd.s32 $0x8C00, s28;
	s25 =	sadd.s32 $0x2, s8;
	[dreg:$0xf] =	wrdreg s0  }
0x17: {  	s26 =	sadd.s32 $0x3, s8;
	s30 =	sadd.s32 $0x4, s8;
	[dreg:$0x14] =	wrdreg s23  }
0x18: {  	s21 =	simm.s32 $0x1E0;
	s9 =	simm.s32 $0x280;
	[dreg:$0x15] =	wrdreg s24  }
0x19: {  	s15 =	simm.s32 $0x2D0;
	s2 =	simm.s32 $0xA;
	[dreg:$0x16] =	wrdreg s25  }
0x1a: {  	s13 =	simm.s32 $0x5;
	s10 =	sadd.s32 $0x14, s17;
	[dreg:$0x17] =	wrdreg s26  }
0x1b: {  	[dreg:$0x18] =	wrdreg s30;
	s23 =	simm.s32 $0x2;
	s18 =	sadd.s32 s6, s31  }
0x1c: {  	s24 =	simm.s32 $0x9;
	s12 =	sadd.s32 s7, s31;
	[dreg:$0xd] =	wrdreg s18  }
0x1d: {  	s25 =	simm.s32 $0x3F20;
	s19 =	sadd.s32 s6, s10;
	[dreg:$0xe] =	wrdreg s12  }
0x1e: {  	s26 =	simm.s32 $0x4;
	s20 =	sadd.s32 s7, s10;
	[dreg:$0x10] =	wrdreg s19  }
0x1f: {  	s22 =	sadd.s32 s5, s11;
	s31 =	sadd.s32 $0x7, s8;
	[dreg:$0x11] =	wrdreg s20  }
0x20: {  	s10 =	simm.s32 $0x50;
	s11 =	simm.s32 $0x8;
	[dreg:$0x13] =	wrdreg s22  }
0x21: {  	[dreg:$0x19] =	wrdreg s31;
	s18 =	simm.s32 $0x1;
	s19 =	simm.s32 $0x2B20  }
0x22: {  	v0 =	vimm.f32 $0.0e+00;
	s22 =	simm.s32 $0x230;
	s20 =	simm.s32 $0x5320;
	s12 =	simm.s32 $0xC  }
.LBB2_1:
0x23: {  	[dreg:$0x1a] =	wrdreg s14;
	s14 =	simm.s32 $0x100;
	s0 =	simm.s32 $0x0  }
.LBB2_2:
0x24: {  	p0 =	sne.s32 s14, $0x4F00;
	[tilespmem:s0+$0x350] =	vst v0;
	s17 =	smov.u32 s14;
	s14 =	sadd.s32 $0x100, s14  }
.Ltmp0:
0x25: {  	[tilespmem:s0+$0x340] =	vst v0;
	(pc) =	sbr.rel @p0 .LBB2_2-.Ltmp0, $3  }
0x26: {  	[tilespmem:s0+$0x320] =	vst v0  }
0x27: {  	[tilespmem:s0+$0x330] =	vst v0;
	_ =	sdelay $0x1  }
0x28: {  	s0 =	sshra.s32 s17, $0x2  }
0x29: {  	[tilespmem:s0+$0x350] =	vst v0  }
0x2a: {  	[tilespmem:s0+$0x340] =	vst v0  }
0x2b: {  	[tilespmem:s0+$0x320] =	vst v0  }
0x2c: {  	[tilespmem:s0+$0x330] =	vst v0;
	s17 =	simm.s32 $0x320  }
0x2d: {  	[spmem:s28] =	stream.linear.scatter [tilespmem:s17], [sflag:$0xD], $0x1400, $0x38;
	[tilespmem:$0x16760] =	vst v63  }
0x2e: {  	_ =	swait.ge [sflag:s29], $0x1400  }
0x2f: {  	[sflag:s29] =	ssyncset.done $0x0  }
0x30: {  	s14 =	rddreg [dreg:$0x5];
	[sflag:s29] =	ssyncadd.s32 $0xFFFFEC00  }
0x31: {  	[spmem:s14] =	stream.linear.scatter [tilespmem:s17], [sflag:$0xD], $0x1400, $0x38;
	[tilespmem:$0x16760] =	vst v63  }
0x32: {  	_ =	swait.ge [sflag:s29], $0x1400  }
0x33: {  	[sflag:s29] =	ssyncset.done $0x0  }
0x34: {  	s28 =	rddreg [dreg:$0x6];
	[sflag:s29] =	ssyncadd.s32 $0xFFFFEC00  }
0x35: {  	[spmem:s28] =	stream.linear.scatter [tilespmem:s17], [sflag:$0xD], $0x1400, $0x38;
	[tilespmem:$0x16760] =	vst v63  }
0x36: {  	_ =	swait.ge [sflag:s29], $0x1400  }
0x37: {  	[sflag:s29] =	ssyncset.done $0x0  }
0x38: {  	s30 =	rddreg [dreg:$0x7];
	[sflag:s29] =	ssyncadd.s32 $0xFFFFEC00  }
0x39: {  	[spmem:s30] =	stream.linear.scatter [tilespmem:s17], [sflag:$0xD], $0x1400, $0x38;
	[tilespmem:$0x16760] =	vst v63  }
0x3a: {  	_ =	swait.ge [sflag:s29], $0x1400  }
0x3b: {  	[sflag:s29] =	ssyncset.done $0x0  }
0x3c: {  	s31 =	rddreg [dreg:$0x8];
	[sflag:s29] =	ssyncadd.s32 $0xFFFFEC00  }
0x3d: {  	[spmem:s31] =	stream.linear.scatter [tilespmem:s17], [sflag:$0xD], $0x1400, $0x38;
	[tilespmem:$0x16760] =	vst v63  }
0x3e: {  	_ =	swait.ge [sflag:s29], $0x1400  }
0x3f: {  	[sflag:s29] =	ssyncset.done $0x0  }
0x40: {  	s14 =	rddreg [dreg:$0x9];
	[sflag:s29] =	ssyncadd.s32 $0xFFFFEC00  }
0x41: {  	[spmem:s14] =	stream.linear.scatter [tilespmem:s17], [sflag:$0xD], $0x1400, $0x38;
	[tilespmem:$0x16760] =	vst v63  }
0x42: {  	_ =	swait.ge [sflag:s29], $0x1400  }
0x43: {  	[sflag:s29] =	ssyncset.done $0x0  }
0x44: {  	s28 =	rddreg [dreg:$0xa];
	[sflag:s29] =	ssyncadd.s32 $0xFFFFEC00  }
0x45: {  	[spmem:s28] =	stream.linear.scatter [tilespmem:s17], [sflag:$0xD], $0x1400, $0x38;
	[tilespmem:$0x16760] =	vst v63  }
0x46: {  	_ =	swait.ge [sflag:s29], $0x1400  }
0x47: {  	[sflag:s29] =	ssyncset.done $0x0  }
0x48: {  	s30 =	rddreg [dreg:$0x15];
	[sflag:s29] =	ssyncadd.s32 $0xFFFFEC00  }
0x49: {  	[spmem:s30] =	stream.linear.scatter [tilespmem:s17], [sflag:$0xD], $0x1040, $0x38;
	[tilespmem:$0x16760] =	vst v63  }
0x4a: {  	_ =	swait.ge [sflag:s29], $0x1040  }
0x4b: {  	[sflag:s29] =	ssyncset.done $0x0  }
0x4c: {  	[sflag:s29] =	ssyncadd.s32 $0xFFFFEFC0  }
0x4d: {  	[bflag:$0x0] =	sbarrier.arrive $0xFFFF  }
0x4e: {  	s14 =	simm.s32 $0x0;
	s31 =	rddreg [dreg:$0xb]  }
0x4f: {  	[tilespmem:s14], [sflag:$0x6] =	stream.linear.gather [hbm4b:s31+s14], $0x50, $0x38;
	[tilespmem:$0x16760] =	vst v63  }
0x50: {  	s28 =	rddreg [dreg:$0xc]  }
0x51: {  	[tilespmem:s10], [sflag:$0x6] =	stream.linear.gather [hbm4b:s28+s14], $0x50, $0x38;
	[tilespmem:$0x16760] =	vst v63  }
0x52: {  	s29 =	rddreg [dreg:$0xd];
	s28 =	simm.s32 $0xA0  }
0x53: {  	[tilespmem:s28], [sflag:$0x7] =	stream.linear.gather [hbm4b:s29+s14], $0x50, $0x38;
	[tilespmem:$0x16760] =	vst v63  }
0x54: {  	s30 =	rddreg [dreg:$0xe];
	s31 =	simm.s32 $0xF0  }
0x55: {  	[tilespmem:s31], [sflag:$0x7] =	stream.linear.gather [hbm4b:s30+s14], $0x50, $0x38;
	[tilespmem:$0x16760] =	vst v63  }
0x56: {  	s30 =	rddreg [dreg:$0x10];
	s31 =	simm.s32 $0x140  }
0x57: {  	[tilespmem:s31], [sflag:$0x8] =	stream.linear.gather [hbm4b:s30+s14], $0x50, $0x38;
	[tilespmem:$0x16760] =	vst v63  }
0x58: {  	s29 =	simm.s32 $0x6;
	s30 =	rddreg [dreg:$0x11];
	s31 =	simm.s32 $0x190  }
0x59: {  	[tilespmem:s31], [sflag:$0x8] =	stream.linear.gather [hbm4b:s30+s14], $0x50, $0x38;
	[tilespmem:$0x16760] =	vst v63  }
0x5a: {  	_ =	swait.ge [sflag:s29], $0x50  }
0x5b: {  	[sflag:s29] =	ssyncset.done $0x0  }
0x5c: {  	[sflag:s29] =	ssyncadd.s32 $0xFFFFFFB0  }
0x5d: {  	_ =	swait.ge [sflag:s29], $0x50  }
0x5e: {  	[sflag:s29] =	ssyncset.done $0x0  }
0x5f: {  	[sflag:s29] =	ssyncadd.s32 $0xFFFFFFB0  }
0x60: {  	[tilespmem:s17], [sflag:$0x1] =	stream.indirect.gather [hbm4b:s4+s10], $0x40, s14, s10, $0xb8;
	[tilespmem:$0x16760] =	vst v63  }
0x61: {  	s31 =	simm.s32 $0x6720;
	s30 =	rddreg [dreg:$0x12];
	s17 =	simm.s32 $0x7  }
0x62: {  	[tilespmem:s31], [sflag:$0x1] =	stream.linear.gather [hbm4b:s30+s14], $0x1400, $0x38;
	[tilespmem:$0x16760] =	vst v63  }
0x63: {  	_ =	swait.ge [sflag:s17], $0x50  }
0x64: {  	[sflag:s17] =	ssyncset.done $0x0  }
0x65: {  	[sflag:s17] =	ssyncadd.s32 $0xFFFFFFB0  }
0x66: {  	_ =	swait.ge [sflag:s17], $0x50  }
0x67: {  	[sflag:s17] =	ssyncset.done $0x0  }
0x68: {  	s29 =	simm.s32 $0x1720;
	[sflag:s17] =	ssyncadd.s32 $0xFFFFFFB0  }
0x69: {  	[tilespmem:s29], [sflag:$0x2] =	stream.indirect.gather [hbm4b:s4+s10], $0x40, s28, s10, $0xb8;
	[tilespmem:$0x16760] =	vst v63  }
0x6a: {  	s31 =	simm.s32 $0x7B20;
	s30 =	rddreg [dreg:$0x13]  }
0x6b: {  	[tilespmem:s31], [sflag:$0x2] =	stream.linear.gather [hbm4b:s30+s14], $0x1400, $0x38;
	[tilespmem:$0x16760] =	vst v63  }
.LBB2_4:
0x6c: {  	_ =	swait.ge [sflag:s18], $0x1400  }
0x6d: {  	[sflag:s18] =	ssyncset.done $0x0  }
0x6e: {  	[sflag:s18] =	ssyncadd.s32 $0xFFFFEC00  }
0x6f: {  	_ =	swait.ge [sflag:s18], $0x1400  }
0x70: {  	[sflag:s18] =	ssyncset.done $0x0  }
0x71: {  	s0 =	simm.s32 $0xD50;
	[sflag:s18] =	ssyncadd.s32 $0xFFFFEC00  }
0x72: {  	s28 =	simm.s32 $0x0;
	s29 =	simm.s32 $0x200;
	s17 =	simm.s32 $0xD50;
	v1 =	vld [tilespmem:s0+$0xFFFFF5D0]  }
.LBB2_5:
0x73: {  	p0 =	sne.s32 s29, $0x4E00;
	v2 =	vld [tilespmem:s28+$0x6720];
	_ =	sdelay $0x4  }
0x74: {  	v1 =	vadd.f32 v2, v1;
	_ =	sdelay $0x1  }
0x75: {  	v1 =	vmax.f32 v1, $0.0e+00  }
0x76: {  	[tilespmem:s0+$0xFFFFF5D0] =	vst v1;
	v1 =	vld [tilespmem:s0+$0xFFFFF5E0]  }
0x77: {  	v2 =	vld [tilespmem:s28+$0x6730];
	_ =	sdelay $0x4  }
0x78: {  	v1 =	vadd.f32 v2, v1;
	_ =	sdelay $0x1  }
0x79: {  	v1 =	vmax.f32 v1, $0.0e+00  }
0x7a: {  	[tilespmem:s0+$0xFFFFF5E0] =	vst v1;
	v1 =	vld [tilespmem:s0+$0xFFFFF5F0]  }
0x7b: {  	v2 =	vld [tilespmem:s28+$0x6740];
	_ =	sdelay $0x4  }
0x7c: {  	v1 =	vadd.f32 v2, v1;
	_ =	sdelay $0x1  }
0x7d: {  	v1 =	vmax.f32 v1, $0.0e+00  }
0x7e: {  	[tilespmem:s0+$0xFFFFF5F0] =	vst v1;
	v1 =	vld [tilespmem:s0+$0xFFFFF600]  }
0x7f: {  	v2 =	vld [tilespmem:s28+$0x6750];
	_ =	sdelay $0x4  }
0x80: {  	v1 =	vadd.f32 v2, v1;
	_ =	sdelay $0x1  }
0x81: {  	v1 =	vmax.f32 v1, $0.0e+00  }
0x82: {  	[tilespmem:s0+$0xFFFFF600] =	vst v1;
	v1 =	vld [tilespmem:s0+$0xFFFFFFD0]  }
0x83: {  	v2 =	vld [tilespmem:s28+$0x6760];
	_ =	sdelay $0x4  }
0x84: {  	v1 =	vadd.f32 v2, v1;
	_ =	sdelay $0x1  }
0x85: {  	v1 =	vmax.f32 v1, $0.0e+00  }
0x86: {  	[tilespmem:s0+$0xFFFFFFD0] =	vst v1;
	v1 =	vld [tilespmem:s0+$0xFFFFFFE0]  }
0x87: {  	v2 =	vld [tilespmem:s28+$0x6770];
	_ =	sdelay $0x4  }
0x88: {  	v1 =	vadd.f32 v2, v1;
	_ =	sdelay $0x1  }
0x89: {  	v1 =	vmax.f32 v1, $0.0e+00  }
0x8a: {  	[tilespmem:s0+$0xFFFFFFE0] =	vst v1;
	v1 =	vld [tilespmem:s0+$0xFFFFFFF0]  }
0x8b: {  	v2 =	vld [tilespmem:s28+$0x6780];
	_ =	sdelay $0x4  }
0x8c: {  	v1 =	vadd.f32 v2, v1;
	_ =	sdelay $0x1  }
0x8d: {  	v1 =	vmax.f32 v1, $0.0e+00  }
0x8e: {  	[tilespmem:s0+$0xFFFFFFF0] =	vst v1;
	v1 =	vld [tilespmem:s0+$0x0]  }
0x8f: {  	v2 =	vld [tilespmem:s28+$0x6790];
	_ =	sdelay $0x3  }
.Ltmp1:
0x90: {  	(pc) =	sbr.rel @p0 .LBB2_5-.Ltmp1, $3  }
0x91: {  	v1 =	vadd.f32 v2, v1;
	_ =	sdelay $0x1  }
0x92: {  	s0 =	sadd.s32 $0x40, s0;
	v2 =	vmax.f32 v1, $0.0e+00  }
0x93: {  	s28 =	sshra.s32 s29, $0x2;
	s29 =	sadd.s32 $0x200, s29;
	v1 =	vld [tilespmem:s0+$0xFFFFF5D0];
	[tilespmem:s17+$0x0] =	vst v2;
	s17 =	smov.u32 s0  }
0x94: {  	v2 =	vld [tilespmem:s28+$0x6720];
	_ =	sdelay $0x4  }
0x95: {  	v1 =	vadd.f32 v2, v1;
	_ =	sdelay $0x1  }
0x96: {  	v1 =	vmax.f32 v1, $0.0e+00  }
0x97: {  	[tilespmem:s0+$0xFFFFF5D0] =	vst v1;
	v1 =	vld [tilespmem:s0+$0xFFFFF5E0]  }
0x98: {  	v2 =	vld [tilespmem:s28+$0x6730];
	_ =	sdelay $0x4  }
0x99: {  	v1 =	vadd.f32 v2, v1;
	_ =	sdelay $0x1  }
0x9a: {  	v1 =	vmax.f32 v1, $0.0e+00  }
0x9b: {  	[tilespmem:s0+$0xFFFFF5E0] =	vst v1;
	v1 =	vld [tilespmem:s0+$0xFFFFF5F0]  }
0x9c: {  	v2 =	vld [tilespmem:s28+$0x6740];
	_ =	sdelay $0x4  }
0x9d: {  	v1 =	vadd.f32 v2, v1;
	_ =	sdelay $0x1  }
0x9e: {  	v1 =	vmax.f32 v1, $0.0e+00  }
0x9f: {  	[tilespmem:s0+$0xFFFFF5F0] =	vst v1;
	v1 =	vld [tilespmem:s0+$0xFFFFF600]  }
0xa0: {  	v2 =	vld [tilespmem:s28+$0x6750];
	_ =	sdelay $0x4  }
0xa1: {  	v1 =	vadd.f32 v2, v1;
	_ =	sdelay $0x1  }
0xa2: {  	v1 =	vmax.f32 v1, $0.0e+00  }
0xa3: {  	[tilespmem:s0+$0xFFFFF600] =	vst v1;
	v1 =	vld [tilespmem:s0+$0xFFFFFFD0]  }
0xa4: {  	v2 =	vld [tilespmem:s28+$0x6760];
	_ =	sdelay $0x4  }
0xa5: {  	v1 =	vadd.f32 v2, v1;
	_ =	sdelay $0x1  }
0xa6: {  	v1 =	vmax.f32 v1, $0.0e+00  }
0xa7: {  	[tilespmem:s0+$0xFFFFFFD0] =	vst v1;
	v1 =	vld [tilespmem:s0+$0xFFFFFFE0]  }
0xa8: {  	v2 =	vld [tilespmem:s28+$0x6770];
	_ =	sdelay $0x4  }
0xa9: {  	v1 =	vadd.f32 v2, v1;
	_ =	sdelay $0x1  }
0xaa: {  	v1 =	vmax.f32 v1, $0.0e+00  }
0xab: {  	[tilespmem:s0+$0xFFFFFFE0] =	vst v1;
	v1 =	vld [tilespmem:s0+$0xFFFFFFF0]  }
0xac: {  	v2 =	vld [tilespmem:s28+$0x6780];
	_ =	sdelay $0x4  }
0xad: {  	v1 =	vadd.f32 v2, v1;
	_ =	sdelay $0x1  }
0xae: {  	v1 =	vmax.f32 v1, $0.0e+00  }
0xaf: {  	[tilespmem:s0+$0xFFFFFFF0] =	vst v1;
	v1 =	vld [tilespmem:s0+$0x0]  }
0xb0: {  	v2 =	vld [tilespmem:s28+$0x6790];
	_ =	sdelay $0x4  }
0xb1: {  	v1 =	vadd.f32 v2, v1;
	_ =	sdelay $0x1  }
0xb2: {  	v1 =	vmax.f32 v1, $0.0e+00  }
0xb3: {  	[tilespmem:s17+$0x0] =	vst v1;
	s17 =	simm.s32 $0x320  }
0xb4: {  	[spmem:s1] =	stream.indirect.scatter.add.f32 [tilespmem:s17], [sflag:$0xB], $0x40, s10, s10, $0xb8;
	[tilespmem:$0x16760] =	vst v63  }
0xb5: {  	_ =	swait.ge [sflag:s11], $0x50  }
0xb6: {  	[sflag:s11] =	ssyncset.done $0x0  }
0xb7: {  	[sflag:s11] =	ssyncadd.s32 $0xFFFFFFB0  }
0xb8: {  	_ =	swait.ge [sflag:s11], $0x50  }
0xb9: {  	[sflag:s11] =	ssyncset.done $0x0  }
0xba: {  	s0 =	simm.s32 $0x140;
	s17 =	smul.u32 $0x5, s14;
	[sflag:s11] =	ssyncadd.s32 $0xFFFFFFB0  }
0xbb: {  	[tilespmem:s19], [sflag:$0x3] =	stream.indirect.gather [hbm4b:s4+s10], $0x40, s0, s10, $0xb8;
	[tilespmem:$0x16760] =	vst v63  }
0xbc: {  	s0 =	rddreg [dreg:$0x16]  }
0xbd: {  	s0 =	sadd.s32 s17, s0  }
0xbe: {  	s28 =	smul.u32 $0x280, s0;
	s0 =	rddreg [dreg:$0x17]  }
0xbf: {  	s29 =	simm.s32 $0x0;
	s0 =	sadd.s32 s17, s0  }
0xc0: {  	s31 =	simm.s32 $0x8F20;
	s28 =	sadd.s32 s5, s28;
	s30 =	smul.u32 $0xA, s0  }
0xc1: {  	[tilespmem:s31], [sflag:$0x3] =	stream.linear.gather [hbm4b:s28+s29], $0x1400, $0x38;
	[tilespmem:$0x16760] =	vst v63  }
0xc2: {  	s28 =	sadd.s32 s6, s30  }
0xc3: {  	[tilespmem:s21], [sflag:$0x9] =	stream.linear.gather [hbm4b:s28+s29], $0x50, $0x38;
	[tilespmem:$0x16760] =	vst v63  }
0xc4: {  	s28 =	sadd.s32 s7, s30  }
0xc5: {  	[tilespmem:s22], [sflag:$0x9] =	stream.linear.gather [hbm4b:s28+s29], $0x50, $0x38;
	[tilespmem:$0x16760] =	vst v63  }
0xc6: {  	_ =	swait.ge [sflag:s23], $0x1400  }
0xc7: {  	[sflag:s23] =	ssyncset.done $0x0  }
0xc8: {  	[sflag:s23] =	ssyncadd.s32 $0xFFFFEC00  }
0xc9: {  	_ =	swait.ge [sflag:s23], $0x1400  }
0xca: {  	[sflag:s23] =	ssyncset.done $0x0  }
0xcb: {  	s28 =	simm.s32 $0x2150;
	[sflag:s23] =	ssyncadd.s32 $0xFFFFEC00  }
0xcc: {  	s31 =	simm.s32 $0x200;
	s30 =	simm.s32 $0x0;
	s29 =	simm.s32 $0x2150;
	v1 =	vld [tilespmem:s28+$0xFFFFF5D0]  }
.LBB2_7:
0xcd: {  	p0 =	sne.s32 s31, $0x4E00;
	v2 =	vld [tilespmem:s30+$0x7B20];
	_ =	sdelay $0x4  }
0xce: {  	v1 =	vadd.f32 v2, v1;
	_ =	sdelay $0x1  }
0xcf: {  	v1 =	vmax.f32 v1, $0.0e+00  }
0xd0: {  	[tilespmem:s28+$0xFFFFF5D0] =	vst v1;
	v1 =	vld [tilespmem:s28+$0xFFFFF5E0]  }
0xd1: {  	v2 =	vld [tilespmem:s30+$0x7B30];
	_ =	sdelay $0x4  }
0xd2: {  	v1 =	vadd.f32 v2, v1;
	_ =	sdelay $0x1  }
0xd3: {  	v1 =	vmax.f32 v1, $0.0e+00  }
0xd4: {  	[tilespmem:s28+$0xFFFFF5E0] =	vst v1;
	v1 =	vld [tilespmem:s28+$0xFFFFF5F0]  }
0xd5: {  	v2 =	vld [tilespmem:s30+$0x7B40];
	_ =	sdelay $0x4  }
0xd6: {  	v1 =	vadd.f32 v2, v1;
	_ =	sdelay $0x1  }
0xd7: {  	v1 =	vmax.f32 v1, $0.0e+00  }
0xd8: {  	[tilespmem:s28+$0xFFFFF5F0] =	vst v1;
	v1 =	vld [tilespmem:s28+$0xFFFFF600]  }
0xd9: {  	v2 =	vld [tilespmem:s30+$0x7B50];
	_ =	sdelay $0x4  }
0xda: {  	v1 =	vadd.f32 v2, v1;
	_ =	sdelay $0x1  }
0xdb: {  	v1 =	vmax.f32 v1, $0.0e+00  }
0xdc: {  	[tilespmem:s28+$0xFFFFF600] =	vst v1;
	v1 =	vld [tilespmem:s28+$0xFFFFFFD0]  }
0xdd: {  	v2 =	vld [tilespmem:s30+$0x7B60];
	_ =	sdelay $0x4  }
0xde: {  	v1 =	vadd.f32 v2, v1;
	_ =	sdelay $0x1  }
0xdf: {  	v1 =	vmax.f32 v1, $0.0e+00  }
0xe0: {  	[tilespmem:s28+$0xFFFFFFD0] =	vst v1;
	v1 =	vld [tilespmem:s28+$0xFFFFFFE0]  }
0xe1: {  	v2 =	vld [tilespmem:s30+$0x7B70];
	_ =	sdelay $0x4  }
0xe2: {  	v1 =	vadd.f32 v2, v1;
	_ =	sdelay $0x1  }
0xe3: {  	v1 =	vmax.f32 v1, $0.0e+00  }
0xe4: {  	[tilespmem:s28+$0xFFFFFFE0] =	vst v1;
	v1 =	vld [tilespmem:s28+$0xFFFFFFF0]  }
0xe5: {  	v2 =	vld [tilespmem:s30+$0x7B80];
	_ =	sdelay $0x4  }
0xe6: {  	v1 =	vadd.f32 v2, v1;
	_ =	sdelay $0x1  }
0xe7: {  	v1 =	vmax.f32 v1, $0.0e+00  }
0xe8: {  	[tilespmem:s28+$0xFFFFFFF0] =	vst v1;
	v1 =	vld [tilespmem:s28+$0x0]  }
0xe9: {  	v2 =	vld [tilespmem:s30+$0x7B90];
	_ =	sdelay $0x3  }
.Ltmp2:
0xea: {  	(pc) =	sbr.rel @p0 .LBB2_7-.Ltmp2, $3  }
0xeb: {  	v1 =	vadd.f32 v2, v1;
	_ =	sdelay $0x1  }
0xec: {  	s28 =	sadd.s32 $0x40, s28;
	v2 =	vmax.f32 v1, $0.0e+00  }
0xed: {  	s30 =	sshra.s32 s31, $0x2;
	s31 =	sadd.s32 $0x200, s31;
	v1 =	vld [tilespmem:s28+$0xFFFFF5D0];
	[tilespmem:s29+$0x0] =	vst v2;
	s29 =	smov.u32 s28  }
0xee: {  	v2 =	vld [tilespmem:s30+$0x7B20];
	_ =	sdelay $0x4  }
0xef: {  	v1 =	vadd.f32 v2, v1;
	_ =	sdelay $0x1  }
0xf0: {  	v1 =	vmax.f32 v1, $0.0e+00  }
0xf1: {  	[tilespmem:s28+$0xFFFFF5D0] =	vst v1;
	v1 =	vld [tilespmem:s28+$0xFFFFF5E0]  }
0xf2: {  	v2 =	vld [tilespmem:s30+$0x7B30];
	_ =	sdelay $0x4  }
0xf3: {  	v1 =	vadd.f32 v2, v1;
	_ =	sdelay $0x1  }
0xf4: {  	v1 =	vmax.f32 v1, $0.0e+00  }
0xf5: {  	[tilespmem:s28+$0xFFFFF5E0] =	vst v1;
	v1 =	vld [tilespmem:s28+$0xFFFFF5F0]  }
0xf6: {  	v2 =	vld [tilespmem:s30+$0x7B40];
	_ =	sdelay $0x4  }
0xf7: {  	v1 =	vadd.f32 v2, v1;
	_ =	sdelay $0x1  }
0xf8: {  	v1 =	vmax.f32 v1, $0.0e+00  }
0xf9: {  	[tilespmem:s28+$0xFFFFF5F0] =	vst v1;
	v1 =	vld [tilespmem:s28+$0xFFFFF600]  }
0xfa: {  	v2 =	vld [tilespmem:s30+$0x7B50];
	_ =	sdelay $0x4  }
0xfb: {  	v1 =	vadd.f32 v2, v1;
	_ =	sdelay $0x1  }
0xfc: {  	v1 =	vmax.f32 v1, $0.0e+00  }
0xfd: {  	[tilespmem:s28+$0xFFFFF600] =	vst v1;
	v1 =	vld [tilespmem:s28+$0xFFFFFFD0]  }
0xfe: {  	v2 =	vld [tilespmem:s30+$0x7B60];
	_ =	sdelay $0x4  }
0xff: {  	v1 =	vadd.f32 v2, v1;
	_ =	sdelay $0x1  }
0x100: {  	v1 =	vmax.f32 v1, $0.0e+00  }
0x101: {  	[tilespmem:s28+$0xFFFFFFD0] =	vst v1;
	v1 =	vld [tilespmem:s28+$0xFFFFFFE0]  }
0x102: {  	v2 =	vld [tilespmem:s30+$0x7B70];
	_ =	sdelay $0x4  }
0x103: {  	v1 =	vadd.f32 v2, v1;
	_ =	sdelay $0x1  }
0x104: {  	v1 =	vmax.f32 v1, $0.0e+00  }
0x105: {  	[tilespmem:s28+$0xFFFFFFE0] =	vst v1;
	v1 =	vld [tilespmem:s28+$0xFFFFFFF0]  }
0x106: {  	v2 =	vld [tilespmem:s30+$0x7B80];
	_ =	sdelay $0x4  }
0x107: {  	v1 =	vadd.f32 v2, v1;
	_ =	sdelay $0x1  }
0x108: {  	v1 =	vmax.f32 v1, $0.0e+00  }
0x109: {  	[tilespmem:s28+$0xFFFFFFF0] =	vst v1;
	v1 =	vld [tilespmem:s28+$0x0]  }
0x10a: {  	v2 =	vld [tilespmem:s30+$0x7B90];
	_ =	sdelay $0x4  }
0x10b: {  	v1 =	vadd.f32 v2, v1;
	_ =	sdelay $0x1  }
0x10c: {  	v1 =	vmax.f32 v1, $0.0e+00  }
0x10d: {  	s28 =	simm.s32 $0xF0;
	[tilespmem:s29+$0x0] =	vst v1;
	s29 =	simm.s32 $0x1720  }
0x10e: {  	[spmem:s1] =	stream.indirect.scatter.add.f32 [tilespmem:s29], [sflag:$0xC], $0x40, s28, s10, $0xb8;
	[tilespmem:$0x16760] =	vst v63  }
0x10f: {  	_ =	swait.ge [sflag:s24], $0x50  }
0x110: {  	[sflag:s24] =	ssyncset.done $0x0  }
0x111: {  	[sflag:s24] =	ssyncadd.s32 $0xFFFFFFB0  }
0x112: {  	_ =	swait.ge [sflag:s24], $0x50  }
0x113: {  	s28 =	smul.u32 $0x280, s0;
	[sflag:s24] =	ssyncset.done $0x0;
	s0 =	rddreg [dreg:$0x18]  }
0x114: {  	s31 =	simm.s32 $0xA320;
	[sflag:s24] =	ssyncadd.s32 $0xFFFFFFB0;
	s0 =	sadd.s32 s17, s0  }
0x115: {  	[tilespmem:s25], [sflag:$0x4] =	stream.indirect.gather [hbm4b:s4+s10], $0x40, s21, s10, $0xb8;
	[tilespmem:$0x16760] =	vst v63  }
0x116: {  	s29 =	simm.s32 $0x0;
	s28 =	sadd.s32 s5, s28;
	s30 =	smul.u32 $0xA, s0  }
0x117: {  	[tilespmem:s31], [sflag:$0x4] =	stream.linear.gather [hbm4b:s28+s29], $0x1400, $0x38;
	[tilespmem:$0x16760] =	vst v63  }
0x118: {  	s28 =	sadd.s32 s6, s30  }
0x119: {  	[tilespmem:s9], [sflag:$0xA] =	stream.linear.gather [hbm4b:s28+s29], $0x50, $0x38;
	[tilespmem:$0x16760] =	vst v63  }
0x11a: {  	s28 =	sadd.s32 s7, s30  }
0x11b: {  	[tilespmem:s15], [sflag:$0xA] =	stream.linear.gather [hbm4b:s28+s29], $0x50, $0x38;
	[tilespmem:$0x16760] =	vst v63  }
0x11c: {  	_ =	swait.ge [sflag:s16], $0x1400  }
0x11d: {  	[sflag:s16] =	ssyncset.done $0x0  }
0x11e: {  	[sflag:s16] =	ssyncadd.s32 $0xFFFFEC00  }
0x11f: {  	_ =	swait.ge [sflag:s16], $0x1400  }
0x120: {  	[sflag:s16] =	ssyncset.done $0x0  }
0x121: {  	s28 =	simm.s32 $0x3550;
	[sflag:s16] =	ssyncadd.s32 $0xFFFFEC00  }
0x122: {  	s31 =	simm.s32 $0x200;
	s30 =	simm.s32 $0x0;
	s29 =	simm.s32 $0x3550;
	v1 =	vld [tilespmem:s28+$0xFFFFF5D0]  }
.LBB2_9:
0x123: {  	p0 =	sne.s32 s31, $0x4E00;
	v2 =	vld [tilespmem:s30+$0x8F20];
	_ =	sdelay $0x4  }
0x124: {  	v1 =	vadd.f32 v2, v1;
	_ =	sdelay $0x1  }
0x125: {  	v1 =	vmax.f32 v1, $0.0e+00  }
0x126: {  	[tilespmem:s28+$0xFFFFF5D0] =	vst v1;
	v1 =	vld [tilespmem:s28+$0xFFFFF5E0]  }
0x127: {  	v2 =	vld [tilespmem:s30+$0x8F30];
	_ =	sdelay $0x4  }
0x128: {  	v1 =	vadd.f32 v2, v1;
	_ =	sdelay $0x1  }
0x129: {  	v1 =	vmax.f32 v1, $0.0e+00  }
0x12a: {  	[tilespmem:s28+$0xFFFFF5E0] =	vst v1;
	v1 =	vld [tilespmem:s28+$0xFFFFF5F0]  }
0x12b: {  	v2 =	vld [tilespmem:s30+$0x8F40];
	_ =	sdelay $0x4  }
0x12c: {  	v1 =	vadd.f32 v2, v1;
	_ =	sdelay $0x1  }
0x12d: {  	v1 =	vmax.f32 v1, $0.0e+00  }
0x12e: {  	[tilespmem:s28+$0xFFFFF5F0] =	vst v1;
	v1 =	vld [tilespmem:s28+$0xFFFFF600]  }
0x12f: {  	v2 =	vld [tilespmem:s30+$0x8F50];
	_ =	sdelay $0x4  }
0x130: {  	v1 =	vadd.f32 v2, v1;
	_ =	sdelay $0x1  }
0x131: {  	v1 =	vmax.f32 v1, $0.0e+00  }
0x132: {  	[tilespmem:s28+$0xFFFFF600] =	vst v1;
	v1 =	vld [tilespmem:s28+$0xFFFFFFD0]  }
0x133: {  	v2 =	vld [tilespmem:s30+$0x8F60];
	_ =	sdelay $0x4  }
0x134: {  	v1 =	vadd.f32 v2, v1;
	_ =	sdelay $0x1  }
0x135: {  	v1 =	vmax.f32 v1, $0.0e+00  }
0x136: {  	[tilespmem:s28+$0xFFFFFFD0] =	vst v1;
	v1 =	vld [tilespmem:s28+$0xFFFFFFE0]  }
0x137: {  	v2 =	vld [tilespmem:s30+$0x8F70];
	_ =	sdelay $0x4  }
0x138: {  	v1 =	vadd.f32 v2, v1;
	_ =	sdelay $0x1  }
0x139: {  	v1 =	vmax.f32 v1, $0.0e+00  }
0x13a: {  	[tilespmem:s28+$0xFFFFFFE0] =	vst v1;
	v1 =	vld [tilespmem:s28+$0xFFFFFFF0]  }
0x13b: {  	v2 =	vld [tilespmem:s30+$0x8F80];
	_ =	sdelay $0x4  }
0x13c: {  	v1 =	vadd.f32 v2, v1;
	_ =	sdelay $0x1  }
0x13d: {  	v1 =	vmax.f32 v1, $0.0e+00  }
0x13e: {  	[tilespmem:s28+$0xFFFFFFF0] =	vst v1;
	v1 =	vld [tilespmem:s28+$0x0]  }
0x13f: {  	v2 =	vld [tilespmem:s30+$0x8F90];
	_ =	sdelay $0x3  }
.Ltmp3:
0x140: {  	(pc) =	sbr.rel @p0 .LBB2_9-.Ltmp3, $3  }
0x141: {  	v1 =	vadd.f32 v2, v1;
	_ =	sdelay $0x1  }
0x142: {  	s28 =	sadd.s32 $0x40, s28;
	v2 =	vmax.f32 v1, $0.0e+00  }
0x143: {  	s30 =	sshra.s32 s31, $0x2;
	s31 =	sadd.s32 $0x200, s31;
	v1 =	vld [tilespmem:s28+$0xFFFFF5D0];
	[tilespmem:s29+$0x0] =	vst v2;
	s29 =	smov.u32 s28  }
0x144: {  	v2 =	vld [tilespmem:s30+$0x8F20];
	_ =	sdelay $0x4  }
0x145: {  	v1 =	vadd.f32 v2, v1;
	_ =	sdelay $0x1  }
0x146: {  	v1 =	vmax.f32 v1, $0.0e+00  }
0x147: {  	[tilespmem:s28+$0xFFFFF5D0] =	vst v1;
	v1 =	vld [tilespmem:s28+$0xFFFFF5E0]  }
0x148: {  	v2 =	vld [tilespmem:s30+$0x8F30];
	_ =	sdelay $0x4  }
0x149: {  	v1 =	vadd.f32 v2, v1;
	_ =	sdelay $0x1  }
0x14a: {  	v1 =	vmax.f32 v1, $0.0e+00  }
0x14b: {  	[tilespmem:s28+$0xFFFFF5E0] =	vst v1;
	v1 =	vld [tilespmem:s28+$0xFFFFF5F0]  }
0x14c: {  	v2 =	vld [tilespmem:s30+$0x8F40];
	_ =	sdelay $0x4  }
0x14d: {  	v1 =	vadd.f32 v2, v1;
	_ =	sdelay $0x1  }
0x14e: {  	v1 =	vmax.f32 v1, $0.0e+00  }
0x14f: {  	[tilespmem:s28+$0xFFFFF5F0] =	vst v1;
	v1 =	vld [tilespmem:s28+$0xFFFFF600]  }
0x150: {  	v2 =	vld [tilespmem:s30+$0x8F50];
	_ =	sdelay $0x4  }
0x151: {  	v1 =	vadd.f32 v2, v1;
	_ =	sdelay $0x1  }
0x152: {  	v1 =	vmax.f32 v1, $0.0e+00  }
0x153: {  	[tilespmem:s28+$0xFFFFF600] =	vst v1;
	v1 =	vld [tilespmem:s28+$0xFFFFFFD0]  }
0x154: {  	v2 =	vld [tilespmem:s30+$0x8F60];
	_ =	sdelay $0x4  }
0x155: {  	v1 =	vadd.f32 v2, v1;
	_ =	sdelay $0x1  }
0x156: {  	v1 =	vmax.f32 v1, $0.0e+00  }
0x157: {  	[tilespmem:s28+$0xFFFFFFD0] =	vst v1;
	v1 =	vld [tilespmem:s28+$0xFFFFFFE0]  }
0x158: {  	v2 =	vld [tilespmem:s30+$0x8F70];
	_ =	sdelay $0x4  }
0x159: {  	v1 =	vadd.f32 v2, v1;
	_ =	sdelay $0x1  }
0x15a: {  	v1 =	vmax.f32 v1, $0.0e+00  }
0x15b: {  	[tilespmem:s28+$0xFFFFFFE0] =	vst v1;
	v1 =	vld [tilespmem:s28+$0xFFFFFFF0]  }
0x15c: {  	v2 =	vld [tilespmem:s30+$0x8F80];
	_ =	sdelay $0x4  }
0x15d: {  	v1 =	vadd.f32 v2, v1;
	_ =	sdelay $0x1  }
0x15e: {  	v1 =	vmax.f32 v1, $0.0e+00  }
0x15f: {  	[tilespmem:s28+$0xFFFFFFF0] =	vst v1;
	v1 =	vld [tilespmem:s28+$0x0]  }
0x160: {  	v2 =	vld [tilespmem:s30+$0x8F90];
	_ =	sdelay $0x4  }
0x161: {  	v1 =	vadd.f32 v2, v1;
	_ =	sdelay $0x1  }
0x162: {  	v1 =	vmax.f32 v1, $0.0e+00  }
0x163: {  	s28 =	simm.s32 $0x190;
	[tilespmem:s29+$0x0] =	vst v1  }
0x164: {  	[spmem:s1] =	stream.indirect.scatter.add.f32 [tilespmem:s19], [sflag:$0xB], $0x40, s28, s10, $0xb8;
	[tilespmem:$0x16760] =	vst v63  }
0x165: {  	_ =	swait.ge [sflag:s3], $0x1400  }
0x166: {  	[sflag:s3] =	ssyncset.done $0x0  }
0x167: {  	[sflag:s3] =	ssyncadd.s32 $0xFFFFEC00  }
0x168: {  	_ =	swait.ge [sflag:s2], $0x50  }
0x169: {  	[sflag:s2] =	ssyncset.done $0x0  }
0x16a: {  	[sflag:s2] =	ssyncadd.s32 $0xFFFFFFB0  }
0x16b: {  	p0 =	seq.s32 s14, $0x18;
	_ =	swait.ge [sflag:s2], $0x50  }
0x16c: {  	s28 =	smul.u32 $0x280, s0;
	s0 =	sadd.s32 $0x5, s17;
	[sflag:s2] =	ssyncset.done $0x0  }
0x16d: {  	s31 =	simm.s32 $0xB720;
	s0 =	sadd.s32 @!p0 s8, s0;
	[sflag:s2] =	ssyncadd.s32 $0xFFFFFFB0  }
0x16e: {  	[tilespmem:s20], [sflag:$0x5] =	stream.indirect.gather [hbm4b:s4+s10], $0x40, s9, s10, $0xb8;
	[tilespmem:$0x16760] =	vst v63  }
0x16f: {  	s30 =	simm.s32 $0x0;
	s28 =	sadd.s32 s5, s28;
	s29 =	smul.u32 @!p0 $0xA, s0  }
0x170: {  	[tilespmem:s31], [sflag:$0x5] =	stream.linear.gather [hbm4b:s28+s30], $0x1400, $0x38;
	[tilespmem:$0x16760] =	vst v63  }
0x171: {  	s28 =	sadd.s32 @!p0 s6, s29;
	s30 =	simm.s32 @!p0 $0x0  }
0x172: {  	[tilespmem:s30], [sflag:$0x6] =	stream.linear.gather @!p0 [hbm4b:s28+s30], $0x50, $0x38;
	[tilespmem:$0x16760] =	vst v63  }
0x173: {  	s28 =	sadd.s32 @!p0 s7, s29;
	s29 =	simm.s32 @!p0 $0x50  }
0x174: {  	[tilespmem:s29], [sflag:$0x6] =	stream.linear.gather @!p0 [hbm4b:s28+s30], $0x50, $0x38;
	[tilespmem:$0x16760] =	vst v63  }
0x175: {  	_ =	swait.ge [sflag:s26], $0x1400  }
0x176: {  	[sflag:s26] =	ssyncset.done $0x0  }
0x177: {  	[sflag:s26] =	ssyncadd.s32 $0xFFFFEC00  }
0x178: {  	_ =	swait.ge [sflag:s26], $0x1400  }
0x179: {  	[sflag:s26] =	ssyncset.done $0x0  }
0x17a: {  	s28 =	simm.s32 $0x4950;
	[sflag:s26] =	ssyncadd.s32 $0xFFFFEC00  }
0x17b: {  	s31 =	simm.s32 $0x200;
	s30 =	simm.s32 $0x0;
	s29 =	simm.s32 $0x4950;
	v1 =	vld [tilespmem:s28+$0xFFFFF5D0]  }
.LBB2_11:
0x17c: {  	p1 =	sne.s32 s31, $0x4E00;
	v2 =	vld [tilespmem:s30+$0xA320];
	_ =	sdelay $0x4  }
0x17d: {  	v1 =	vadd.f32 v2, v1;
	_ =	sdelay $0x1  }
0x17e: {  	v1 =	vmax.f32 v1, $0.0e+00  }
0x17f: {  	[tilespmem:s28+$0xFFFFF5D0] =	vst v1;
	v1 =	vld [tilespmem:s28+$0xFFFFF5E0]  }
0x180: {  	v2 =	vld [tilespmem:s30+$0xA330];
	_ =	sdelay $0x4  }
0x181: {  	v1 =	vadd.f32 v2, v1;
	_ =	sdelay $0x1  }
0x182: {  	v1 =	vmax.f32 v1, $0.0e+00  }
0x183: {  	[tilespmem:s28+$0xFFFFF5E0] =	vst v1;
	v1 =	vld [tilespmem:s28+$0xFFFFF5F0]  }
0x184: {  	v2 =	vld [tilespmem:s30+$0xA340];
	_ =	sdelay $0x4  }
0x185: {  	v1 =	vadd.f32 v2, v1;
	_ =	sdelay $0x1  }
0x186: {  	v1 =	vmax.f32 v1, $0.0e+00  }
0x187: {  	[tilespmem:s28+$0xFFFFF5F0] =	vst v1;
	v1 =	vld [tilespmem:s28+$0xFFFFF600]  }
0x188: {  	v2 =	vld [tilespmem:s30+$0xA350];
	_ =	sdelay $0x4  }
0x189: {  	v1 =	vadd.f32 v2, v1;
	_ =	sdelay $0x1  }
0x18a: {  	v1 =	vmax.f32 v1, $0.0e+00  }
0x18b: {  	[tilespmem:s28+$0xFFFFF600] =	vst v1;
	v1 =	vld [tilespmem:s28+$0xFFFFFFD0]  }
0x18c: {  	v2 =	vld [tilespmem:s30+$0xA360];
	_ =	sdelay $0x4  }
0x18d: {  	v1 =	vadd.f32 v2, v1;
	_ =	sdelay $0x1  }
0x18e: {  	v1 =	vmax.f32 v1, $0.0e+00  }
0x18f: {  	[tilespmem:s28+$0xFFFFFFD0] =	vst v1;
	v1 =	vld [tilespmem:s28+$0xFFFFFFE0]  }
0x190: {  	v2 =	vld [tilespmem:s30+$0xA370];
	_ =	sdelay $0x4  }
0x191: {  	v1 =	vadd.f32 v2, v1;
	_ =	sdelay $0x1  }
0x192: {  	v1 =	vmax.f32 v1, $0.0e+00  }
0x193: {  	[tilespmem:s28+$0xFFFFFFE0] =	vst v1;
	v1 =	vld [tilespmem:s28+$0xFFFFFFF0]  }
0x194: {  	v2 =	vld [tilespmem:s30+$0xA380];
	_ =	sdelay $0x4  }
0x195: {  	v1 =	vadd.f32 v2, v1;
	_ =	sdelay $0x1  }
0x196: {  	v1 =	vmax.f32 v1, $0.0e+00  }
0x197: {  	[tilespmem:s28+$0xFFFFFFF0] =	vst v1;
	v1 =	vld [tilespmem:s28+$0x0]  }
0x198: {  	v2 =	vld [tilespmem:s30+$0xA390];
	_ =	sdelay $0x3  }
.Ltmp4:
0x199: {  	(pc) =	sbr.rel @p1 .LBB2_11-.Ltmp4, $3  }
0x19a: {  	v1 =	vadd.f32 v2, v1;
	_ =	sdelay $0x1  }
0x19b: {  	s28 =	sadd.s32 $0x40, s28;
	v2 =	vmax.f32 v1, $0.0e+00  }
0x19c: {  	s30 =	sshra.s32 s31, $0x2;
	s31 =	sadd.s32 $0x200, s31;
	v1 =	vld [tilespmem:s28+$0xFFFFF5D0];
	[tilespmem:s29+$0x0] =	vst v2;
	s29 =	smov.u32 s28  }
0x19d: {  	v2 =	vld [tilespmem:s30+$0xA320];
	_ =	sdelay $0x4  }
0x19e: {  	v1 =	vadd.f32 v2, v1;
	_ =	sdelay $0x1  }
0x19f: {  	v1 =	vmax.f32 v1, $0.0e+00  }
0x1a0: {  	[tilespmem:s28+$0xFFFFF5D0] =	vst v1;
	v1 =	vld [tilespmem:s28+$0xFFFFF5E0]  }
0x1a1: {  	v2 =	vld [tilespmem:s30+$0xA330];
	_ =	sdelay $0x4  }
0x1a2: {  	v1 =	vadd.f32 v2, v1;
	_ =	sdelay $0x1  }
0x1a3: {  	v1 =	vmax.f32 v1, $0.0e+00  }
0x1a4: {  	[tilespmem:s28+$0xFFFFF5E0] =	vst v1;
	v1 =	vld [tilespmem:s28+$0xFFFFF5F0]  }
0x1a5: {  	v2 =	vld [tilespmem:s30+$0xA340];
	_ =	sdelay $0x4  }
0x1a6: {  	v1 =	vadd.f32 v2, v1;
	_ =	sdelay $0x1  }
0x1a7: {  	v1 =	vmax.f32 v1, $0.0e+00  }
0x1a8: {  	[tilespmem:s28+$0xFFFFF5F0] =	vst v1;
	v1 =	vld [tilespmem:s28+$0xFFFFF600]  }
0x1a9: {  	v2 =	vld [tilespmem:s30+$0xA350];
	_ =	sdelay $0x4  }
0x1aa: {  	v1 =	vadd.f32 v2, v1;
	_ =	sdelay $0x1  }
0x1ab: {  	v1 =	vmax.f32 v1, $0.0e+00  }
0x1ac: {  	[tilespmem:s28+$0xFFFFF600] =	vst v1;
	v1 =	vld [tilespmem:s28+$0xFFFFFFD0]  }
0x1ad: {  	v2 =	vld [tilespmem:s30+$0xA360];
	_ =	sdelay $0x4  }
0x1ae: {  	v1 =	vadd.f32 v2, v1;
	_ =	sdelay $0x1  }
0x1af: {  	v1 =	vmax.f32 v1, $0.0e+00  }
0x1b0: {  	[tilespmem:s28+$0xFFFFFFD0] =	vst v1;
	v1 =	vld [tilespmem:s28+$0xFFFFFFE0]  }
0x1b1: {  	v2 =	vld [tilespmem:s30+$0xA370];
	_ =	sdelay $0x4  }
0x1b2: {  	v1 =	vadd.f32 v2, v1;
	_ =	sdelay $0x1  }
0x1b3: {  	v1 =	vmax.f32 v1, $0.0e+00  }
0x1b4: {  	[tilespmem:s28+$0xFFFFFFE0] =	vst v1;
	v1 =	vld [tilespmem:s28+$0xFFFFFFF0]  }
0x1b5: {  	v2 =	vld [tilespmem:s30+$0xA380];
	_ =	sdelay $0x4  }
0x1b6: {  	v1 =	vadd.f32 v2, v1;
	_ =	sdelay $0x1  }
0x1b7: {  	v1 =	vmax.f32 v1, $0.0e+00  }
0x1b8: {  	[tilespmem:s28+$0xFFFFFFF0] =	vst v1;
	v1 =	vld [tilespmem:s28+$0x0]  }
0x1b9: {  	v2 =	vld [tilespmem:s30+$0xA390];
	_ =	sdelay $0x4  }
0x1ba: {  	v1 =	vadd.f32 v2, v1;
	_ =	sdelay $0x1  }
0x1bb: {  	v1 =	vmax.f32 v1, $0.0e+00  }
0x1bc: {  	[tilespmem:s29+$0x0] =	vst v1  }
0x1bd: {  	[spmem:s1] =	stream.indirect.scatter.add.f32 [tilespmem:s25], [sflag:$0xC], $0x40, s22, s10, $0xb8;
	[tilespmem:$0x16760] =	vst v63  }
0x1be: {  	_ =	swait.ge [sflag:s12], $0x1400  }
0x1bf: {  	[sflag:s12] =	ssyncset.done $0x0  }
0x1c0: {  	s28 =	simm.s32 @!p0 $0x6;
	[sflag:s12] =	ssyncadd.s32 $0xFFFFEC00  }
0x1c1: {  	_ =	swait.ge @!p0 [sflag:s28], $0x50  }
0x1c2: {  	[sflag:s28] =	ssyncset.done @!p0 $0x0  }
0x1c3: {  	[sflag:s28] =	ssyncadd.s32 @!p0 $0xFFFFFFB0  }
0x1c4: {  	_ =	swait.ge @!p0 [sflag:s28], $0x50  }
0x1c5: {  	s30 =	simm.s32 @!p0 $0x320;
	[sflag:s28] =	ssyncset.done @!p0 $0x0  }
0x1c6: {  	s29 =	simm.s32 @!p0 $0x0;
	[sflag:s28] =	ssyncadd.s32 @!p0 $0xFFFFFFB0;
	s28 =	simm.s32 @!p0 $0x50  }
0x1c7: {  	[tilespmem:s30], [sflag:$0x1] =	stream.indirect.gather @!p0 [hbm4b:s4+s28], $0x40, s29, s28, $0xb8;
	[tilespmem:$0x16760] =	vst v63  }
0x1c8: {  	s28 =	smul.u32 @!p0 $0x280, s0;
	s0 =	sadd.s32 @!p0 $0x6, s17  }
0x1c9: {  	s30 =	sadd.s32 @!p0 s8, s0  }
0x1ca: {  	s31 =	simm.s32 @!p0 $0x6720;
	s28 =	sadd.s32 @!p0 s5, s28;
	s30 =	smul.u32 @!p0 $0xA, s30  }
0x1cb: {  	[tilespmem:s31], [sflag:$0x1] =	stream.linear.gather @!p0 [hbm4b:s28+s29], $0x1400, $0x38;
	[tilespmem:$0x16760] =	vst v63  }
0x1cc: {  	s31 =	simm.s32 @!p0 $0xA0;
	s28 =	sadd.s32 @!p0 s6, s30  }
0x1cd: {  	[tilespmem:s31], [sflag:$0x7] =	stream.linear.gather @!p0 [hbm4b:s28+s29], $0x50, $0x38;
	[tilespmem:$0x16760] =	vst v63  }
0x1ce: {  	s28 =	sadd.s32 @!p0 s7, s30;
	s30 =	simm.s32 @!p0 $0xF0  }
0x1cf: {  	[tilespmem:s30], [sflag:$0x7] =	stream.linear.gather @!p0 [hbm4b:s28+s29], $0x50, $0x38;
	[tilespmem:$0x16760] =	vst v63  }
0x1d0: {  	_ =	swait.ge [sflag:s13], $0x1400  }
0x1d1: {  	[sflag:s13] =	ssyncset.done $0x0  }
0x1d2: {  	[sflag:s13] =	ssyncadd.s32 $0xFFFFEC00  }
0x1d3: {  	_ =	swait.ge [sflag:s13], $0x1400  }
0x1d4: {  	[sflag:s13] =	ssyncset.done $0x0  }
0x1d5: {  	s28 =	simm.s32 $0x0;
	[sflag:s13] =	ssyncadd.s32 $0xFFFFEC00  }
0x1d6: {  	s0 =	simm.s32 @p0 $0x7E;
	s29 =	simm.s32 $0xB720;
	s30 =	simm.s32 $0x100;
	v1 =	vld [tilespmem:s28+$0x5320]  }
.LBB2_13:
0x1d7: {  	p1 =	sne.s32 s30, $0x2700;
	v2 =	vld [tilespmem:s29+$0x0];
	_ =	sdelay $0x4  }
0x1d8: {  	v1 =	vadd.f32 v2, v1;
	_ =	sdelay $0x1  }
0x1d9: {  	v1 =	vmax.f32 v1, $0.0e+00  }
0x1da: {  	[tilespmem:s28+$0x5320] =	vst v1;
	v1 =	vld [tilespmem:s28+$0x5330]  }
0x1db: {  	v2 =	vld [tilespmem:s29+$0x10];
	_ =	sdelay $0x4  }
0x1dc: {  	v1 =	vadd.f32 v2, v1;
	_ =	sdelay $0x1  }
0x1dd: {  	v1 =	vmax.f32 v1, $0.0e+00  }
0x1de: {  	[tilespmem:s28+$0x5330] =	vst v1;
	v1 =	vld [tilespmem:s28+$0x5340]  }
0x1df: {  	v2 =	vld [tilespmem:s29+$0x20];
	_ =	sdelay $0x4  }
0x1e0: {  	v1 =	vadd.f32 v2, v1;
	_ =	sdelay $0x1  }
0x1e1: {  	v1 =	vmax.f32 v1, $0.0e+00  }
0x1e2: {  	[tilespmem:s28+$0x5340] =	vst v1;
	v1 =	vld [tilespmem:s28+$0x5350]  }
0x1e3: {  	v2 =	vld [tilespmem:s29+$0x30];
	_ =	sdelay $0x4  }
0x1e4: {  	v1 =	vadd.f32 v2, v1;
	_ =	sdelay $0x1  }
0x1e5: {  	v1 =	vmax.f32 v1, $0.0e+00  }
0x1e6: {  	[tilespmem:s28+$0x5350] =	vst v1;
	v1 =	vld [tilespmem:s28+$0x5D20]  }
0x1e7: {  	v2 =	vld [tilespmem:s29+$0x40];
	_ =	sdelay $0x4  }
0x1e8: {  	v1 =	vadd.f32 v2, v1;
	_ =	sdelay $0x1  }
0x1e9: {  	v1 =	vmax.f32 v1, $0.0e+00  }
0x1ea: {  	[tilespmem:s28+$0x5D20] =	vst v1;
	v1 =	vld [tilespmem:s28+$0x5D30]  }
0x1eb: {  	v2 =	vld [tilespmem:s29+$0x50];
	_ =	sdelay $0x4  }
0x1ec: {  	v1 =	vadd.f32 v2, v1;
	_ =	sdelay $0x1  }
0x1ed: {  	v1 =	vmax.f32 v1, $0.0e+00  }
0x1ee: {  	[tilespmem:s28+$0x5D30] =	vst v1;
	v1 =	vld [tilespmem:s28+$0x5D40]  }
0x1ef: {  	v2 =	vld [tilespmem:s29+$0x60];
	_ =	sdelay $0x4  }
0x1f0: {  	v1 =	vadd.f32 v2, v1;
	_ =	sdelay $0x1  }
0x1f1: {  	v1 =	vmax.f32 v1, $0.0e+00  }
0x1f2: {  	[tilespmem:s28+$0x5D40] =	vst v1;
	v1 =	vld [tilespmem:s28+$0x5D50]  }
0x1f3: {  	v2 =	vld [tilespmem:s29+$0x70];
	_ =	sdelay $0x3  }
.Ltmp5:
0x1f4: {  	(pc) =	sbr.rel @p1 .LBB2_13-.Ltmp5, $3  }
0x1f5: {  	v1 =	vadd.f32 v2, v1;
	_ =	sdelay $0x1  }
0x1f6: {  	s31 =	sshra.s32 s30, $0x2;
	v2 =	vmax.f32 v1, $0.0e+00  }
0x1f7: {  	s30 =	sadd.s32 $0x100, s30;
	s29 =	sadd.s32 $0x80, s29;
	v1 =	vld [tilespmem:s31+$0x5320];
	[tilespmem:s28+$0x5D50] =	vst v2;
	s28 =	smov.u32 s31  }
0x1f8: {  	v2 =	vld [tilespmem:s29+$0x0];
	_ =	sdelay $0x4  }
0x1f9: {  	v1 =	vadd.f32 v2, v1;
	_ =	sdelay $0x1  }
0x1fa: {  	v1 =	vmax.f32 v1, $0.0e+00  }
0x1fb: {  	[tilespmem:s28+$0x5320] =	vst v1;
	v1 =	vld [tilespmem:s28+$0x5330]  }
0x1fc: {  	v2 =	vld [tilespmem:s29+$0x10];
	_ =	sdelay $0x4  }
0x1fd: {  	v1 =	vadd.f32 v2, v1;
	_ =	sdelay $0x1  }
0x1fe: {  	v1 =	vmax.f32 v1, $0.0e+00  }
0x1ff: {  	[tilespmem:s28+$0x5330] =	vst v1;
	v1 =	vld [tilespmem:s28+$0x5340]  }
0x200: {  	v2 =	vld [tilespmem:s29+$0x20];
	_ =	sdelay $0x4  }
0x201: {  	v1 =	vadd.f32 v2, v1;
	_ =	sdelay $0x1  }
0x202: {  	v1 =	vmax.f32 v1, $0.0e+00  }
0x203: {  	[tilespmem:s28+$0x5340] =	vst v1;
	v1 =	vld [tilespmem:s28+$0x5350]  }
0x204: {  	v2 =	vld [tilespmem:s29+$0x30];
	_ =	sdelay $0x4  }
0x205: {  	v1 =	vadd.f32 v2, v1;
	_ =	sdelay $0x1  }
0x206: {  	v1 =	vmax.f32 v1, $0.0e+00  }
0x207: {  	[tilespmem:s28+$0x5350] =	vst v1;
	v1 =	vld [tilespmem:s28+$0x5D20]  }
0x208: {  	v2 =	vld [tilespmem:s29+$0x40];
	_ =	sdelay $0x4  }
0x209: {  	v1 =	vadd.f32 v2, v1;
	_ =	sdelay $0x1  }
0x20a: {  	v1 =	vmax.f32 v1, $0.0e+00  }
0x20b: {  	[tilespmem:s28+$0x5D20] =	vst v1;
	v1 =	vld [tilespmem:s28+$0x5D30]  }
0x20c: {  	v2 =	vld [tilespmem:s29+$0x50];
	_ =	sdelay $0x4  }
0x20d: {  	v1 =	vadd.f32 v2, v1;
	_ =	sdelay $0x1  }
0x20e: {  	v1 =	vmax.f32 v1, $0.0e+00  }
0x20f: {  	[tilespmem:s28+$0x5D30] =	vst v1;
	v1 =	vld [tilespmem:s28+$0x5D40]  }
0x210: {  	v2 =	vld [tilespmem:s29+$0x60];
	_ =	sdelay $0x4  }
0x211: {  	v1 =	vadd.f32 v2, v1;
	_ =	sdelay $0x1  }
0x212: {  	v1 =	vmax.f32 v1, $0.0e+00  }
0x213: {  	[tilespmem:s28+$0x5D40] =	vst v1;
	v1 =	vld [tilespmem:s28+$0x5D50]  }
0x214: {  	v2 =	vld [tilespmem:s29+$0x70];
	_ =	sdelay $0x4  }
0x215: {  	v1 =	vadd.f32 v2, v1;
	_ =	sdelay $0x1  }
0x216: {  	v1 =	vmax.f32 v1, $0.0e+00  }
0x217: {  	[tilespmem:s28+$0x5D50] =	vst v1  }
0x218: {  	[spmem:s1] =	stream.indirect.scatter.add.f32 [tilespmem:s20], [sflag:$0xB], $0x40, s15, s10, $0xb8;
	[tilespmem:$0x16760] =	vst v63  }
0x219: {  	_ =	swait.ge [sflag:s3], $0x1400  }
0x21a: {  	[sflag:s3] =	ssyncset.done $0x0  }
0x21b: {  	s28 =	simm.s32 @!p0 $0x7;
	[sflag:s3] =	ssyncadd.s32 $0xFFFFEC00  }
0x21c: {  	_ =	swait.ge @!p0 [sflag:s28], $0x50  }
0x21d: {  	[sflag:s28] =	ssyncset.done @!p0 $0x0  }
0x21e: {  	[sflag:s28] =	ssyncadd.s32 @!p0 $0xFFFFFFB0  }
0x21f: {  	s0 =	sadd.s32 @!p0 s8, s0;
	_ =	swait.ge @!p0 [sflag:s28], $0x50  }
0x220: {  	s30 =	simm.s32 @!p0 $0x1720;
	s0 =	smul.u32 @!p0 $0x280, s0;
	[sflag:s28] =	ssyncset.done @!p0 $0x0  }
0x221: {  	s29 =	simm.s32 @!p0 $0xA0;
	[sflag:s28] =	ssyncadd.s32 @!p0 $0xFFFFFFB0;
	s28 =	simm.s32 @!p0 $0x50  }
0x222: {  	[tilespmem:s30], [sflag:$0x2] =	stream.indirect.gather @!p0 [hbm4b:s4+s28], $0x40, s29, s28, $0xb8;
	[tilespmem:$0x16760] =	vst v63  }
0x223: {  	s28 =	rddreg [dreg:$0x19]  }
0x224: {  	s0 =	sadd.s32 @!p0 s5, s0;
	s17 =	sadd.s32 @!p0 s17, s28  }
0x225: {  	s29 =	simm.s32 @!p0 $0x7B20;
	s28 =	simm.s32 @!p0 $0x0;
	s17 =	smul.u32 @!p0 $0xA, s17  }
0x226: {  	[tilespmem:s29], [sflag:$0x2] =	stream.linear.gather @!p0 [hbm4b:s0+s28], $0x1400, $0x38;
	[tilespmem:$0x16760] =	vst v63  }
0x227: {  	s29 =	simm.s32 @!p0 $0x140;
	s0 =	sadd.s32 @!p0 s6, s17  }
0x228: {  	[tilespmem:s29], [sflag:$0x8] =	stream.linear.gather @!p0 [hbm4b:s0+s28], $0x50, $0x38;
	[tilespmem:$0x16760] =	vst v63  }
0x229: {  	s14 =	sadd.s32 $0x1, s14;
	s0 =	sadd.s32 @!p0 s7, s17;
	s17 =	simm.s32 @!p0 $0x190  }
0x22a: {  	[tilespmem:s17], [sflag:$0x8] =	stream.linear.gather @!p0 [hbm4b:s0+s28], $0x50, $0x38;
	[tilespmem:$0x16760] =	vst v63  }
0x22b: {  	p0 =	sne.s32 s14, $0x19;
	_ =	swait.ge [sflag:s12], $0x1400  }
.Ltmp6:
0x22c: {  	[sflag:s12] =	ssyncset.done $0x0;
	(pc) =	sbr.rel @p0 .LBB2_4-.Ltmp6, $4  }
0x22d: {  	[sflag:s12] =	ssyncadd.s32 $0xFFFFEC00  }
0x22e: {  	_ =	swait.ge [sflag:s3], $0x1400  }
0x22f: {  	[sflag:s3] =	ssyncset.done $0x0  }
0x230: {  	[sflag:s3] =	ssyncadd.s32 $0xFFFFEC00  }
0x231: {  	s0 =	stileid.u32;
	[bflag:$0x0] =	sbarrier.arrive $0xFFFF  }
0x232: {  	s29 =	simm.s32 $0xD;
	s0 =	sshll.u32 s0, $0x6;
	s28 =	rddreg [dreg:$0x4]  }
0x233: {  	s17 =	rddreg [dreg:$0xf];
	s0 =	sor.u32 $0x1C0D, s0;
	s14 =	sshrl.u32 s28, $0x3  }
0x234: {  	[hbm:s17], [sflag:s0] =	dma.local [spmem:s14], $0x1388  }
0x235: {  	_ =	swait.ge [sflag:s29], $0x1388  }
0x236: {  	s30 =	rddreg [dreg:$0x1a]  }
0x237: {  	s31 =	rddreg [dreg:$0x14];
	s14 =	sadd.s32 $0x1, s30  }
0x238: {  	p0 =	sne.s32 s14, s31  }
.Ltmp7:
0x239: {  	_ = 	snop;
	(pc) =	sbr.rel @p0 .LBB2_1-.Ltmp7, $3  }
0x23a: {  	_ =	sdelay $0x1  }
0x23b: {  	[sflag:s29] =	ssyncset.done $0x0  }
0x23c: {  	[sflag:s29] =	ssyncadd.s32 $0xFFFFEC78  }
0x23d: {  	_ =	sfence.sel $0x180000  }
0x23e: {  	[bflag:$0x0] =	sbarrier.arrive $0xFFFF  }
0x23f: {  	_ =	strace $0x90000047  }
0x240: {  	s0 =	stileid.u32;
	[bflag:$0x2] =	sbarrier.arrive $0xFFFF  }
0x241: {  	p0 =	sne.s32 s0, $0x0;
	s0 =	rddreg [dreg:$0x3]  }
0x242: {  	s0 =	sadd.s32 @!p0 $0x100000, s0  }
0x243: {  	[sflag:s0] =	ssyncadd.tile.s32 @!p0 $0x1;
	_ =	shalt  }
.Lfunc_end2:
_tile_overlayer_lowered:
.L_overlay_start_2:
0x244: {  	(tag) =	ssettag $0x2  }
0x245: {  	s0 =	rddreg [dreg:$0x0];
	s2 =	stileid.u32  }
0x246: {  	s1 =	rddreg [dreg:$0x1];
	p0 =	sne.s32 s2, $0x0  }
0x247: {  	s3 =	rddreg [dreg:$0x2];
	[bflag:$0x3] =	sbarrier.arrive $0xFFFF;
	s2 =	simm.s32 @!p0 $0x1C0D  }
0x248: {  	[timem:s3], [sflag:s2] =	dma.local @!p0 [hbm:s0], s1  }
0x249: {  	s0 =	simm.s32 @!p0 $0xD  }
0x24a: {  	_ =	swait.ge @!p0 [sflag:s0], s1  }
0x24b: {  	s1 =	ssub.s32 @!p0 $0x0, s1;
	[sflag:s0] =	ssyncset.done @!p0 $0x0  }
0x24c: {  	[sflag:s0] =	ssyncadd.s32 @!p0 s1  }
0x24d: {  	[bflag:$0x3] =	sbarrier.arrive $0xFFFF  }
0x24e: {  	_ =	shalt  }

</sc_bundles>
